<compile_context>
chip_gen: v7x
topology: tpu7x:2x2x1
jax: 0.10.2.dev20260603
libtpu: 0.0.44.dev20260713+nightly
codegen_flags: <defaults>
</compile_context>

<pallas_src>
import functools

import jax
import jax.numpy as jnp
from jax import lax
from jax.experimental import pallas as pl
from jax.experimental.pallas import tpu as pltpu
from jax.experimental.pallas import tpu_sc as plsc

NC = 2
NS = 16
NW = NC * NS

BATCH = 16384
HIST = 50
D = 64
DW = 128
BPW = BATCH // NW
NBUF = 8
NIF = 5


def _tile_body(pe_hbm, idx_hbm, out_hbm, idx_v, rows_v, gsem, osem):
  wid = lax.axis_index("s") * NC + lax.axis_index("c")
  base = wid * BPW

  pltpu.sync_copy(idx_hbm.at[wid], idx_v)

  def start(i):
    pltpu.async_copy(
        pe_hbm.at[idx_v.at[i, pl.ds(0, HIST)]], rows_v.at[i % NBUF], gsem)

  def wait_gather(i):
    pltpu.make_async_copy(
        pe_hbm.at[idx_v.at[i, pl.ds(0, HIST)]], rows_v.at[i % NBUF],
        gsem).wait()

  def drain(i):
    pltpu.async_copy(rows_v.at[i % NBUF], out_hbm.at[base + i], osem)

  def wait_drain(i):
    pltpu.make_async_copy(
        rows_v.at[i % NBUF], out_hbm.at[base + i], osem).wait()

  for i in range(NIF):
    start(i)

  for i in range(NBUF):
    wait_gather(i)
    if i + NIF - NBUF >= 0:
      wait_drain(i + NIF - NBUF)
    start(i + NIF)
    drain(i)

  @pl.loop(1, BPW // NBUF - 1)
  def _(g):
    for b in range(NBUF):
      i = g * NBUF + b
      wait_gather(i)
      wait_drain(i + NIF - NBUF)
      start(i + NIF)
      drain(i)

  for b in range(NBUF):
    i = (BPW // NBUF - 1) * NBUF + b
    wait_gather(i)
    if i + NIF < BPW:
      wait_drain(i + NIF - NBUF)
      start(i + NIF)
    drain(i)

  @pl.loop((BPW // NBUF) * NBUF, BPW)
  def _(i):
    wait_gather(i)
    drain(i)

  @pl.loop(BPW - NBUF, BPW)
  def _(i):
    wait_drain(i)


@functools.partial(
    pl.kernel,
    out_type=jax.ShapeDtypeStruct((BATCH, HIST, DW), jnp.float32),
    mesh=plsc.VectorSubcoreMesh(
        core_axis_name="c", subcore_axis_name="s",
        num_cores=NC, num_subcores=NS),
    scratch_types=[
        pltpu.VMEM((BPW, DW), jnp.int32),
        pltpu.VMEM((NBUF, HIST, DW), jnp.float32),
        pltpu.SemaphoreType.DMA,
        pltpu.SemaphoreType.DMA,
    ],
    compiler_params=pltpu.CompilerParams(use_tc_tiling_on_sc=True),
)
def _gather(pe_hbm, idx_hbm, out_hbm, idx_v, rows_v, gsem, osem):
  _tile_body(pe_hbm, idx_hbm, out_hbm, idx_v, rows_v, gsem, osem)


def kernel(m, pe):
  pe_wide = jnp.pad(pe, ((0, 0), (0, DW - D)))
  idx = jnp.pad(
      m.astype(jnp.int32).reshape(NW, BPW, HIST),
      ((0, 0), (0, 0), (0, DW - HIST)))
  return _gather(pe_wide, idx)[:, :, :D]

# --- scband reference (transcript-rebuilt; emitter-appended) ---
"""Pipeline reference for scband-time-embedding-53515292508885 (READ-ONLY COPY).

The authoritative reference and input builder live on the scoring server;
editing this copy changes nothing except your own understanding.
"""

import jax, jax.numpy as jnp
import numpy as np

TP = 100000
D_MODEL = 64
BATCH = 16384
HIST = 50

def build_embedding(t, d_model):
    position = jnp.arange(t, dtype=jnp.float32)[:, None]
    div_term = 1.0 / jnp.power(10000.0, jnp.arange(0, d_model, 2, dtype=jnp.float32) / d_model)
    pe = jnp.zeros((t, d_model), dtype=jnp.float32)
    pe = pe.at[:, 0::2].set(jnp.sin(position * div_term))
    pe = pe.at[:, 1::2].set(jnp.cos(position * div_term))
    return pe

def setup_inputs(seed: int = 0) -> dict:
    key = jax.random.key(seed)
    m = jax.random.randint(key, (BATCH, HIST), 0, TP + 1)
    pe = build_embedding(TP + 1, D_MODEL)
    return {"m": m, "pe": pe}

def reference(m, pe):
    # faithful translation of TimeEmbedding.forward: gather rows of the
    # sinusoidal table at integer time indices m
    return jnp.take(pe, m, axis=0)

if __name__ == "__main__":
    import jax
    _d = setup_inputs()
    print(jax.jit(kernel)(*tuple(_d.values())))

</pallas_src>

<mosaic_0001>
#map = affine_map<(d0, d1) -> (0, 0)>
#map1 = affine_map<(d0, d1) -> (0, 0, 0)>
module attributes {stable_mosaic.version = 14 : i64} {
  func.func @_gather(%arg0: i32, %arg1: i32, %arg2: memref<100001x128xf32, #tpu.memory_space<hbm>>, %arg3: memref<32x512x128xi32, #tpu.memory_space<hbm>>, %arg4: memref<16384x50x128xf32, #tpu.memory_space<hbm>>, %arg5: memref<512x128xi32, #tpu.memory_space<vmem>>, %arg6: memref<8x50x128xf32, #tpu.memory_space<vmem>>, %arg7: memref<!tpu.dma_semaphore, #tpu.memory_space<semaphore_mem>>, %arg8: memref<!tpu.dma_semaphore, #tpu.memory_space<semaphore_mem>>) attributes {dimension_semantics = [#tpu.dimension_semantics<core_parallel>, #tpu.dimension_semantics<subcore_parallel>], iteration_bounds = array<i64: 2, 16>, scalar_prefetch = 0 : i64, scratch_operands = 4 : i64, tpu.core_type = #tpu.core_type<sc_vector_subcore>, window_params = [{transform_indices = #map}, {transform_indices = #map1}, {transform_indices = #map1}]} {
    %mul3A = arith.constant 2 : i32
    %mul3A_0 = arith.muli %arg1, %mul3A : i32
    %add3A = arith.addi %mul3A_0, %arg0 : i32
    %mul3A_1 = arith.constant 512 : i32
    %mul3A_2 = arith.muli %add3A, %mul3A_1 : i32
    "tpu.region"() ({
      %run_scoped3A = tpu.sem_alloc : memref<!tpu.dma_semaphore, #tpu.memory_space<semaphore_mem>>
      %dma_start3A_854 = arith.constant 0 : i32
      %dma_start3A_855 = arith.constant 0 : i32
      %dma_start3A_856 = tpu.memref_slice %arg3[%add3A, %dma_start3A_854, %dma_start3A_855] : memref<32x512x128xi32, #tpu.memory_space<hbm>> -> memref<1x512x128xi32, #tpu.memory_space<hbm>>
      %dma_start3A_857 = tpu.memref_squeeze %dma_start3A_856 : memref<1x512x128xi32, #tpu.memory_space<hbm>> -> memref<512x128xi32, #tpu.memory_space<hbm>>
      %dma_start3A_858 = arith.constant 0 : i32
      %dma_start3A_859 = arith.constant 0 : i32
      %dma_start3A_860 = tpu.memref_slice %arg3[%add3A, %dma_start3A_858, %dma_start3A_859] : memref<32x512x128xi32, #tpu.memory_space<hbm>> -> memref<1x512x128xi32, #tpu.memory_space<hbm>>
      %dma_start3A_861 = tpu.memref_squeeze %dma_start3A_860 : memref<1x512x128xi32, #tpu.memory_space<hbm>> -> memref<512x128xi32, #tpu.memory_space<hbm>>
      tpu.enqueue_dma source(%dma_start3A_861 : memref<512x128xi32, #tpu.memory_space<hbm>>) target(%arg5 : memref<512x128xi32, #tpu.memory_space<vmem>>) target_semaphore(%run_scoped3A : memref<!tpu.dma_semaphore, #tpu.memory_space<semaphore_mem>>)
      %dma_wait3A_862 = arith.constant 0 : i32
      %dma_wait3A_863 = arith.constant 0 : i32
      %dma_wait3A_864 = tpu.memref_slice %arg3[%add3A, %dma_wait3A_862, %dma_wait3A_863] : memref<32x512x128xi32, #tpu.memory_space<hbm>> -> memref<1x512x128xi32, #tpu.memory_space<hbm>>
      %dma_wait3A_865 = tpu.memref_squeeze %dma_wait3A_864 : memref<1x512x128xi32, #tpu.memory_space<hbm>> -> memref<512x128xi32, #tpu.memory_space<hbm>>
      %dma_wait3A_866 = arith.constant 0 : i32
      %dma_wait3A_867 = arith.constant 0 : i32
      %dma_wait3A_868 = tpu.memref_slice %arg3[%add3A, %dma_wait3A_866, %dma_wait3A_867] : memref<32x512x128xi32, #tpu.memory_space<hbm>> -> memref<1x512x128xi32, #tpu.memory_space<hbm>>
      %dma_wait3A_869 = tpu.memref_squeeze %dma_wait3A_868 : memref<1x512x128xi32, #tpu.memory_space<hbm>> -> memref<512x128xi32, #tpu.memory_space<hbm>>
      tpu.wait_dma2 semaphore(%run_scoped3A : memref<!tpu.dma_semaphore, #tpu.memory_space<semaphore_mem>>) src(%dma_wait3A_869 : memref<512x128xi32, #tpu.memory_space<hbm>>) dst(%arg5 : memref<512x128xi32, #tpu.memory_space<vmem>>)
      tpu.yield
    }) : () -> ()
    %dma_start3A = arith.constant 0 : i32
    %dma_start3A_3 = arith.constant 0 : i32
    %dma_start3A_4 = arith.constant 0 : i32
    %dma_start3A_5 = arith.constant 0 : i32
    %dma_start3A_6 = tpu.memref_slice %arg6[%dma_start3A_3, %dma_start3A_4, %dma_start3A_5] : memref<8x50x128xf32, #tpu.memory_space<vmem>> -> memref<1x50x128xf32, #tpu.memory_space<vmem>>
    %dma_start3A_7 = tpu.memref_squeeze %dma_start3A_6 : memref<1x50x128xf32, #tpu.memory_space<vmem>> -> memref<50x128xf32, #tpu.memory_space<vmem>>
    %dma_start3A_8 = arith.constant 0 : i32
    %dma_start3A_9 = tpu.memref_slice %arg5[%dma_start3A, %dma_start3A_8] : memref<512x128xi32, #tpu.memory_space<vmem>> -> memref<1x50xi32, #tpu.memory_space<vmem>>
    %dma_start3A_10 = tpu.memref_squeeze %dma_start3A_9 : memref<1x50xi32, #tpu.memory_space<vmem>> -> memref<50xi32, #tpu.memory_space<vmem>>
    %dma_start3A_11 = arith.constant 0 : i32
    %dma_start3A_12 = arith.constant 0 : i32
    %dma_start3A_13 = tpu.memref_slice %arg2[%dma_start3A_11, %dma_start3A_12] : memref<100001x128xf32, #tpu.memory_space<hbm>> -> memref<100001x128xf32, #tpu.memory_space<hbm>>
    tpu.enqueue_indirect_dma source(%dma_start3A_13 : memref<100001x128xf32, #tpu.memory_space<hbm>>) target(%dma_start3A_7 : memref<50x128xf32, #tpu.memory_space<vmem>>) offsets(%dma_start3A_10 : memref<50xi32, #tpu.memory_space<vmem>>) semaphore(%arg7 : memref<!tpu.dma_semaphore, #tpu.memory_space<semaphore_mem>>)
    %dma_start3A_14 = arith.constant 1 : i32
    %dma_start3A_15 = arith.constant 1 : i32
    %dma_start3A_16 = arith.constant 0 : i32
    %dma_start3A_17 = arith.constant 0 : i32
    %dma_start3A_18 = tpu.memref_slice %arg6[%dma_start3A_15, %dma_start3A_16, %dma_start3A_17] : memref<8x50x128xf32, #tpu.memory_space<vmem>> -> memref<1x50x128xf32, #tpu.memory_space<vmem>>
    %dma_start3A_19 = tpu.memref_squeeze %dma_start3A_18 : memref<1x50x128xf32, #tpu.memory_space<vmem>> -> memref<50x128xf32, #tpu.memory_space<vmem>>
    %dma_start3A_20 = arith.constant 0 : i32
    %dma_start3A_21 = tpu.memref_slice %arg5[%dma_start3A_14, %dma_start3A_20] : memref<512x128xi32, #tpu.memory_space<vmem>> -> memref<1x50xi32, #tpu.memory_space<vmem>>
    %dma_start3A_22 = tpu.memref_squeeze %dma_start3A_21 : memref<1x50xi32, #tpu.memory_space<vmem>> -> memref<50xi32, #tpu.memory_space<vmem>>
    %dma_start3A_23 = arith.constant 0 : i32
    %dma_start3A_24 = arith.constant 0 : i32
    %dma_start3A_25 = tpu.memref_slice %arg2[%dma_start3A_23, %dma_start3A_24] : memref<100001x128xf32, #tpu.memory_space<hbm>> -> memref<100001x128xf32, #tpu.memory_space<hbm>>
    tpu.enqueue_indirect_dma source(%dma_start3A_25 : memref<100001x128xf32, #tpu.memory_space<hbm>>) target(%dma_start3A_19 : memref<50x128xf32, #tpu.memory_space<vmem>>) offsets(%dma_start3A_22 : memref<50xi32, #tpu.memory_space<vmem>>) semaphore(%arg7 : memref<!tpu.dma_semaphore, #tpu.memory_space<semaphore_mem>>)
    %dma_start3A_26 = arith.constant 2 : i32
    %dma_start3A_27 = arith.constant 2 : i32
    %dma_start3A_28 = arith.constant 0 : i32
    %dma_start3A_29 = arith.constant 0 : i32
    %dma_start3A_30 = tpu.memref_slice %arg6[%dma_start3A_27, %dma_start3A_28, %dma_start3A_29] : memref<8x50x128xf32, #tpu.memory_space<vmem>> -> memref<1x50x128xf32, #tpu.memory_space<vmem>>
    %dma_start3A_31 = tpu.memref_squeeze %dma_start3A_30 : memref<1x50x128xf32, #tpu.memory_space<vmem>> -> memref<50x128xf32, #tpu.memory_space<vmem>>
    %dma_start3A_32 = arith.constant 0 : i32
    %dma_start3A_33 = tpu.memref_slice %arg5[%dma_start3A_26, %dma_start3A_32] : memref<512x128xi32, #tpu.memory_space<vmem>> -> memref<1x50xi32, #tpu.memory_space<vmem>>
    %dma_start3A_34 = tpu.memref_squeeze %dma_start3A_33 : memref<1x50xi32, #tpu.memory_space<vmem>> -> memref<50xi32, #tpu.memory_space<vmem>>
    %dma_start3A_35 = arith.constant 0 : i32
    %dma_start3A_36 = arith.constant 0 : i32
    %dma_start3A_37 = tpu.memref_slice %arg2[%dma_start3A_35, %dma_start3A_36] : memref<100001x128xf32, #tpu.memory_space<hbm>> -> memref<100001x128xf32, #tpu.memory_space<hbm>>
    tpu.enqueue_indirect_dma source(%dma_start3A_37 : memref<100001x128xf32, #tpu.memory_space<hbm>>) target(%dma_start3A_31 : memref<50x128xf32, #tpu.memory_space<vmem>>) offsets(%dma_start3A_34 : memref<50xi32, #tpu.memory_space<vmem>>) semaphore(%arg7 : memref<!tpu.dma_semaphore, #tpu.memory_space<semaphore_mem>>)
    %dma_start3A_38 = arith.constant 3 : i32
    %dma_start3A_39 = arith.constant 3 : i32
    %dma_start3A_40 = arith.constant 0 : i32
    %dma_start3A_41 = arith.constant 0 : i32
    %dma_start3A_42 = tpu.memref_slice %arg6[%dma_start3A_39, %dma_start3A_40, %dma_start3A_41] : memref<8x50x128xf32, #tpu.memory_space<vmem>> -> memref<1x50x128xf32, #tpu.memory_space<vmem>>
    %dma_start3A_43 = tpu.memref_squeeze %dma_start3A_42 : memref<1x50x128xf32, #tpu.memory_space<vmem>> -> memref<50x128xf32, #tpu.memory_space<vmem>>
    %dma_start3A_44 = arith.constant 0 : i32
    %dma_start3A_45 = tpu.memref_slice %arg5[%dma_start3A_38, %dma_start3A_44] : memref<512x128xi32, #tpu.memory_space<vmem>> -> memref<1x50xi32, #tpu.memory_space<vmem>>
    %dma_start3A_46 = tpu.memref_squeeze %dma_start3A_45 : memref<1x50xi32, #tpu.memory_space<vmem>> -> memref<50xi32, #tpu.memory_space<vmem>>
    %dma_start3A_47 = arith.constant 0 : i32
    %dma_start3A_48 = arith.constant 0 : i32
    %dma_start3A_49 = tpu.memref_slice %arg2[%dma_start3A_47, %dma_start3A_48] : memref<100001x128xf32, #tpu.memory_space<hbm>> -> memref<100001x128xf32, #tpu.memory_space<hbm>>
    tpu.enqueue_indirect_dma source(%dma_start3A_49 : memref<100001x128xf32, #tpu.memory_space<hbm>>) target(%dma_start3A_43 : memref<50x128xf32, #tpu.memory_space<vmem>>) offsets(%dma_start3A_46 : memref<50xi32, #tpu.memory_space<vmem>>) semaphore(%arg7 : memref<!tpu.dma_semaphore, #tpu.memory_space<semaphore_mem>>)
    %dma_start3A_50 = arith.constant 4 : i32
    %dma_start3A_51 = arith.constant 4 : i32
    %dma_start3A_52 = arith.constant 0 : i32
    %dma_start3A_53 = arith.constant 0 : i32
    %dma_start3A_54 = tpu.memref_slice %arg6[%dma_start3A_51, %dma_start3A_52, %dma_start3A_53] : memref<8x50x128xf32, #tpu.memory_space<vmem>> -> memref<1x50x128xf32, #tpu.memory_space<vmem>>
    %dma_start3A_55 = tpu.memref_squeeze %dma_start3A_54 : memref<1x50x128xf32, #tpu.memory_space<vmem>> -> memref<50x128xf32, #tpu.memory_space<vmem>>
    %dma_start3A_56 = arith.constant 0 : i32
    %dma_start3A_57 = tpu.memref_slice %arg5[%dma_start3A_50, %dma_start3A_56] : memref<512x128xi32, #tpu.memory_space<vmem>> -> memref<1x50xi32, #tpu.memory_space<vmem>>
    %dma_start3A_58 = tpu.memref_squeeze %dma_start3A_57 : memref<1x50xi32, #tpu.memory_space<vmem>> -> memref<50xi32, #tpu.memory_space<vmem>>
    %dma_start3A_59 = arith.constant 0 : i32
    %dma_start3A_60 = arith.constant 0 : i32
    %dma_start3A_61 = tpu.memref_slice %arg2[%dma_start3A_59, %dma_start3A_60] : memref<100001x128xf32, #tpu.memory_space<hbm>> -> memref<100001x128xf32, #tpu.memory_space<hbm>>
    tpu.enqueue_indirect_dma source(%dma_start3A_61 : memref<100001x128xf32, #tpu.memory_space<hbm>>) target(%dma_start3A_55 : memref<50x128xf32, #tpu.memory_space<vmem>>) offsets(%dma_start3A_58 : memref<50xi32, #tpu.memory_space<vmem>>) semaphore(%arg7 : memref<!tpu.dma_semaphore, #tpu.memory_space<semaphore_mem>>)
    %dma_wait3A = arith.constant 0 : i32
    %dma_wait3A_62 = arith.constant 0 : i32
    %dma_wait3A_63 = arith.constant 0 : i32
    %dma_wait3A_64 = arith.constant 0 : i32
    %dma_wait3A_65 = tpu.memref_slice %arg6[%dma_wait3A_62, %dma_wait3A_63, %dma_wait3A_64] : memref<8x50x128xf32, #tpu.memory_space<vmem>> -> memref<1x50x128xf32, #tpu.memory_space<vmem>>
    %dma_wait3A_66 = tpu.memref_squeeze %dma_wait3A_65 : memref<1x50x128xf32, #tpu.memory_space<vmem>> -> memref<50x128xf32, #tpu.memory_space<vmem>>
    %dma_wait3A_67 = arith.constant 0 : i32
    %dma_wait3A_68 = tpu.memref_slice %arg5[%dma_wait3A, %dma_wait3A_67] : memref<512x128xi32, #tpu.memory_space<vmem>> -> memref<1x50xi32, #tpu.memory_space<vmem>>
    %dma_wait3A_69 = tpu.memref_squeeze %dma_wait3A_68 : memref<1x50xi32, #tpu.memory_space<vmem>> -> memref<50xi32, #tpu.memory_space<vmem>>
    %dma_wait3A_70 = arith.constant 0 : i32
    %dma_wait3A_71 = arith.constant 0 : i32
    %dma_wait3A_72 = tpu.memref_slice %arg2[%dma_wait3A_70, %dma_wait3A_71] : memref<100001x128xf32, #tpu.memory_space<hbm>> -> memref<100001x128xf32, #tpu.memory_space<hbm>>
    tpu.wait_indirect_dma semaphore(%arg7 : memref<!tpu.dma_semaphore, #tpu.memory_space<semaphore_mem>>) src(%dma_wait3A_72 : memref<100001x128xf32, #tpu.memory_space<hbm>>) dst(%dma_wait3A_66 : memref<50x128xf32, #tpu.memory_space<vmem>>)
    %dma_start3A_73 = arith.constant 5 : i32
    %dma_start3A_74 = arith.constant 5 : i32
    %dma_start3A_75 = arith.constant 0 : i32
    %dma_start3A_76 = arith.constant 0 : i32
    %dma_start3A_77 = tpu.memref_slice %arg6[%dma_start3A_74, %dma_start3A_75, %dma_start3A_76] : memref<8x50x128xf32, #tpu.memory_space<vmem>> -> memref<1x50x128xf32, #tpu.memory_space<vmem>>
    %dma_start3A_78 = tpu.memref_squeeze %dma_start3A_77 : memref<1x50x128xf32, #tpu.memory_space<vmem>> -> memref<50x128xf32, #tpu.memory_space<vmem>>
    %dma_start3A_79 = arith.constant 0 : i32
    %dma_start3A_80 = tpu.memref_slice %arg5[%dma_start3A_73, %dma_start3A_79] : memref<512x128xi32, #tpu.memory_space<vmem>> -> memref<1x50xi32, #tpu.memory_space<vmem>>
    %dma_start3A_81 = tpu.memref_squeeze %dma_start3A_80 : memref<1x50xi32, #tpu.memory_space<vmem>> -> memref<50xi32, #tpu.memory_space<vmem>>
    %dma_start3A_82 = arith.constant 0 : i32
    %dma_start3A_83 = arith.constant 0 : i32
    %dma_start3A_84 = tpu.memref_slice %arg2[%dma_start3A_82, %dma_start3A_83] : memref<100001x128xf32, #tpu.memory_space<hbm>> -> memref<100001x128xf32, #tpu.memory_space<hbm>>
    tpu.enqueue_indirect_dma source(%dma_start3A_84 : memref<100001x128xf32, #tpu.memory_space<hbm>>) target(%dma_start3A_78 : memref<50x128xf32, #tpu.memory_space<vmem>>) offsets(%dma_start3A_81 : memref<50xi32, #tpu.memory_space<vmem>>) semaphore(%arg7 : memref<!tpu.dma_semaphore, #tpu.memory_space<semaphore_mem>>)
    %add3A_85 = arith.constant 0 : i32
    %add3A_86 = arith.addi %mul3A_2, %add3A_85 : i32
    %dma_start3A_87 = arith.constant 0 : i32
    %dma_start3A_88 = arith.constant 0 : i32
    %dma_start3A_89 = arith.constant 0 : i32
    %dma_start3A_90 = tpu.memref_slice %arg6[%dma_start3A_87, %dma_start3A_88, %dma_start3A_89] : memref<8x50x128xf32, #tpu.memory_space<vmem>> -> memref<1x50x128xf32, #tpu.memory_space<vmem>>
    %dma_start3A_91 = tpu.memref_squeeze %dma_start3A_90 : memref<1x50x128xf32, #tpu.memory_space<vmem>> -> memref<50x128xf32, #tpu.memory_space<vmem>>
    %dma_start3A_92 = arith.constant 0 : i32
    %dma_start3A_93 = arith.constant 0 : i32
    %dma_start3A_94 = tpu.memref_slice %arg4[%add3A_86, %dma_start3A_92, %dma_start3A_93] : memref<16384x50x128xf32, #tpu.memory_space<hbm>> -> memref<1x50x128xf32, #tpu.memory_space<hbm>>
    %dma_start3A_95 = tpu.memref_squeeze %dma_start3A_94 : memref<1x50x128xf32, #tpu.memory_space<hbm>> -> memref<50x128xf32, #tpu.memory_space<hbm>>
    %dma_start3A_96 = arith.constant 0 : i32
    %dma_start3A_97 = arith.constant 0 : i32
    %dma_start3A_98 = tpu.memref_slice %arg4[%add3A_86, %dma_start3A_96, %dma_start3A_97] : memref<16384x50x128xf32, #tpu.memory_space<hbm>> -> memref<1x50x128xf32, #tpu.memory_space<hbm>>
    %dma_start3A_99 = tpu.memref_squeeze %dma_start3A_98 : memref<1x50x128xf32, #tpu.memory_space<hbm>> -> memref<50x128xf32, #tpu.memory_space<hbm>>
    %dma_start3A_100 = arith.constant 0 : i32
    %dma_start3A_101 = arith.constant 0 : i32
    %dma_start3A_102 = tpu.memref_slice %arg6[%dma_start3A_87, %dma_start3A_100, %dma_start3A_101] : memref<8x50x128xf32, #tpu.memory_space<vmem>> -> memref<1x50x128xf32, #tpu.memory_space<vmem>>
    %dma_start3A_103 = tpu.memref_squeeze %dma_start3A_102 : memref<1x50x128xf32, #tpu.memory_space<vmem>> -> memref<50x128xf32, #tpu.memory_space<vmem>>
    tpu.enqueue_dma source(%dma_start3A_103 : memref<50x128xf32, #tpu.memory_space<vmem>>) target(%dma_start3A_99 : memref<50x128xf32, #tpu.memory_space<hbm>>) target_semaphore(%arg8 : memref<!tpu.dma_semaphore, #tpu.memory_space<semaphore_mem>>)
    %dma_wait3A_104 = arith.constant 1 : i32
    %dma_wait3A_105 = arith.constant 1 : i32
    %dma_wait3A_106 = arith.constant 0 : i32
    %dma_wait3A_107 = arith.constant 0 : i32
    %dma_wait3A_108 = tpu.memref_slice %arg6[%dma_wait3A_105, %dma_wait3A_106, %dma_wait3A_107] : memref<8x50x128xf32, #tpu.memory_space<vmem>> -> memref<1x50x128xf32, #tpu.memory_space<vmem>>
    %dma_wait3A_109 = tpu.memref_squeeze %dma_wait3A_108 : memref<1x50x128xf32, #tpu.memory_space<vmem>> -> memref<50x128xf32, #tpu.memory_space<vmem>>
    %dma_wait3A_110 = arith.constant 0 : i32
    %dma_wait3A_111 = tpu.memref_slice %arg5[%dma_wait3A_104, %dma_wait3A_110] : memref<512x128xi32, #tpu.memory_space<vmem>> -> memref<1x50xi32, #tpu.memory_space<vmem>>
    %dma_wait3A_112 = tpu.memref_squeeze %dma_wait3A_111 : memref<1x50xi32, #tpu.memory_space<vmem>> -> memref<50xi32, #tpu.memory_space<vmem>>
    %dma_wait3A_113 = arith.constant 0 : i32
    %dma_wait3A_114 = arith.constant 0 : i32
    %dma_wait3A_115 = tpu.memref_slice %arg2[%dma_wait3A_113, %dma_wait3A_114] : memref<100001x128xf32, #tpu.memory_space<hbm>> -> memref<100001x128xf32, #tpu.memory_space<hbm>>
    tpu.wait_indirect_dma semaphore(%arg7 : memref<!tpu.dma_semaphore, #tpu.memory_space<semaphore_mem>>) src(%dma_wait3A_115 : memref<100001x128xf32, #tpu.memory_space<hbm>>) dst(%dma_wait3A_109 : memref<50x128xf32, #tpu.memory_space<vmem>>)
    %dma_start3A_116 = arith.constant 6 : i32
    %dma_start3A_117 = arith.constant 6 : i32
    %dma_start3A_118 = arith.constant 0 : i32
    %dma_start3A_119 = arith.constant 0 : i32
    %dma_start3A_120 = tpu.memref_slice %arg6[%dma_start3A_117, %dma_start3A_118, %dma_start3A_119] : memref<8x50x128xf32, #tpu.memory_space<vmem>> -> memref<1x50x128xf32, #tpu.memory_space<vmem>>
    %dma_start3A_121 = tpu.memref_squeeze %dma_start3A_120 : memref<1x50x128xf32, #tpu.memory_space<vmem>> -> memref<50x128xf32, #tpu.memory_space<vmem>>
    %dma_start3A_122 = arith.constant 0 : i32
    %dma_start3A_123 = tpu.memref_slice %arg5[%dma_start3A_116, %dma_start3A_122] : memref<512x128xi32, #tpu.memory_space<vmem>> -> memref<1x50xi32, #tpu.memory_space<vmem>>
    %dma_start3A_124 = tpu.memref_squeeze %dma_start3A_123 : memref<1x50xi32, #tpu.memory_space<vmem>> -> memref<50xi32, #tpu.memory_space<vmem>>
    %dma_start3A_125 = arith.constant 0 : i32
    %dma_start3A_126 = arith.constant 0 : i32
    %dma_start3A_127 = tpu.memref_slice %arg2[%dma_start3A_125, %dma_start3A_126] : memref<100001x128xf32, #tpu.memory_space<hbm>> -> memref<100001x128xf32, #tpu.memory_space<hbm>>
    tpu.enqueue_indirect_dma source(%dma_start3A_127 : memref<100001x128xf32, #tpu.memory_space<hbm>>) target(%dma_start3A_121 : memref<50x128xf32, #tpu.memory_space<vmem>>) offsets(%dma_start3A_124 : memref<50xi32, #tpu.memory_space<vmem>>) semaphore(%arg7 : memref<!tpu.dma_semaphore, #tpu.memory_space<semaphore_mem>>)
    %add3A_128 = arith.constant 1 : i32
    %add3A_129 = arith.addi %mul3A_2, %add3A_128 : i32
    %dma_start3A_130 = arith.constant 1 : i32
    %dma_start3A_131 = arith.constant 0 : i32
    %dma_start3A_132 = arith.constant 0 : i32
    %dma_start3A_133 = tpu.memref_slice %arg6[%dma_start3A_130, %dma_start3A_131, %dma_start3A_132] : memref<8x50x128xf32, #tpu.memory_space<vmem>> -> memref<1x50x128xf32, #tpu.memory_space<vmem>>
    %dma_start3A_134 = tpu.memref_squeeze %dma_start3A_133 : memref<1x50x128xf32, #tpu.memory_space<vmem>> -> memref<50x128xf32, #tpu.memory_space<vmem>>
    %dma_start3A_135 = arith.constant 0 : i32
    %dma_start3A_136 = arith.constant 0 : i32
    %dma_start3A_137 = tpu.memref_slice %arg4[%add3A_129, %dma_start3A_135, %dma_start3A_136] : memref<16384x50x128xf32, #tpu.memory_space<hbm>> -> memref<1x50x128xf32, #tpu.memory_space<hbm>>
    %dma_start3A_138 = tpu.memref_squeeze %dma_start3A_137 : memref<1x50x128xf32, #tpu.memory_space<hbm>> -> memref<50x128xf32, #tpu.memory_space<hbm>>
    %dma_start3A_139 = arith.constant 0 : i32
    %dma_start3A_140 = arith.constant 0 : i32
    %dma_start3A_141 = tpu.memref_slice %arg4[%add3A_129, %dma_start3A_139, %dma_start3A_140] : memref<16384x50x128xf32, #tpu.memory_space<hbm>> -> memref<1x50x128xf32, #tpu.memory_space<hbm>>
    %dma_start3A_142 = tpu.memref_squeeze %dma_start3A_141 : memref<1x50x128xf32, #tpu.memory_space<hbm>> -> memref<50x128xf32, #tpu.memory_space<hbm>>
    %dma_start3A_143 = arith.constant 0 : i32
    %dma_start3A_144 = arith.constant 0 : i32
    %dma_start3A_145 = tpu.memref_slice %arg6[%dma_start3A_130, %dma_start3A_143, %dma_start3A_144] : memref<8x50x128xf32, #tpu.memory_space<vmem>> -> memref<1x50x128xf32, #tpu.memory_space<vmem>>
    %dma_start3A_146 = tpu.memref_squeeze %dma_start3A_145 : memref<1x50x128xf32, #tpu.memory_space<vmem>> -> memref<50x128xf32, #tpu.memory_space<vmem>>
    tpu.enqueue_dma source(%dma_start3A_146 : memref<50x128xf32, #tpu.memory_space<vmem>>) target(%dma_start3A_142 : memref<50x128xf32, #tpu.memory_space<hbm>>) target_semaphore(%arg8 : memref<!tpu.dma_semaphore, #tpu.memory_space<semaphore_mem>>)
    %dma_wait3A_147 = arith.constant 2 : i32
    %dma_wait3A_148 = arith.constant 2 : i32
    %dma_wait3A_149 = arith.constant 0 : i32
    %dma_wait3A_150 = arith.constant 0 : i32
    %dma_wait3A_151 = tpu.memref_slice %arg6[%dma_wait3A_148, %dma_wait3A_149, %dma_wait3A_150] : memref<8x50x128xf32, #tpu.memory_space<vmem>> -> memref<1x50x128xf32, #tpu.memory_space<vmem>>
    %dma_wait3A_152 = tpu.memref_squeeze %dma_wait3A_151 : memref<1x50x128xf32, #tpu.memory_space<vmem>> -> memref<50x128xf32, #tpu.memory_space<vmem>>
    %dma_wait3A_153 = arith.constant 0 : i32
    %dma_wait3A_154 = tpu.memref_slice %arg5[%dma_wait3A_147, %dma_wait3A_153] : memref<512x128xi32, #tpu.memory_space<vmem>> -> memref<1x50xi32, #tpu.memory_space<vmem>>
    %dma_wait3A_155 = tpu.memref_squeeze %dma_wait3A_154 : memref<1x50xi32, #tpu.memory_space<vmem>> -> memref<50xi32, #tpu.memory_space<vmem>>
    %dma_wait3A_156 = arith.constant 0 : i32
    %dma_wait3A_157 = arith.constant 0 : i32
    %dma_wait3A_158 = tpu.memref_slice %arg2[%dma_wait3A_156, %dma_wait3A_157] : memref<100001x128xf32, #tpu.memory_space<hbm>> -> memref<100001x128xf32, #tpu.memory_space<hbm>>
    tpu.wait_indirect_dma semaphore(%arg7 : memref<!tpu.dma_semaphore, #tpu.memory_space<semaphore_mem>>) src(%dma_wait3A_158 : memref<100001x128xf32, #tpu.memory_space<hbm>>) dst(%dma_wait3A_152 : memref<50x128xf32, #tpu.memory_space<vmem>>)
    %dma_start3A_159 = arith.constant 7 : i32
    %dma_start3A_160 = arith.constant 7 : i32
    %dma_start3A_161 = arith.constant 0 : i32
    %dma_start3A_162 = arith.constant 0 : i32
    %dma_start3A_163 = tpu.memref_slice %arg6[%dma_start3A_160, %dma_start3A_161, %dma_start3A_162] : memref<8x50x128xf32, #tpu.memory_space<vmem>> -> memref<1x50x128xf32, #tpu.memory_space<vmem>>
    %dma_start3A_164 = tpu.memref_squeeze %dma_start3A_163 : memref<1x50x128xf32, #tpu.memory_space<vmem>> -> memref<50x128xf32, #tpu.memory_space<vmem>>
    %dma_start3A_165 = arith.constant 0 : i32
    %dma_start3A_166 = tpu.memref_slice %arg5[%dma_start3A_159, %dma_start3A_165] : memref<512x128xi32, #tpu.memory_space<vmem>> -> memref<1x50xi32, #tpu.memory_space<vmem>>
    %dma_start3A_167 = tpu.memref_squeeze %dma_start3A_166 : memref<1x50xi32, #tpu.memory_space<vmem>> -> memref<50xi32, #tpu.memory_space<vmem>>
    %dma_start3A_168 = arith.constant 0 : i32
    %dma_start3A_169 = arith.constant 0 : i32
    %dma_start3A_170 = tpu.memref_slice %arg2[%dma_start3A_168, %dma_start3A_169] : memref<100001x128xf32, #tpu.memory_space<hbm>> -> memref<100001x128xf32, #tpu.memory_space<hbm>>
    tpu.enqueue_indirect_dma source(%dma_start3A_170 : memref<100001x128xf32, #tpu.memory_space<hbm>>) target(%dma_start3A_164 : memref<50x128xf32, #tpu.memory_space<vmem>>) offsets(%dma_start3A_167 : memref<50xi32, #tpu.memory_space<vmem>>) semaphore(%arg7 : memref<!tpu.dma_semaphore, #tpu.memory_space<semaphore_mem>>)
    %add3A_171 = arith.constant 2 : i32
    %add3A_172 = arith.addi %mul3A_2, %add3A_171 : i32
    %dma_start3A_173 = arith.constant 2 : i32
    %dma_start3A_174 = arith.constant 0 : i32
    %dma_start3A_175 = arith.constant 0 : i32
    %dma_start3A_176 = tpu.memref_slice %arg6[%dma_start3A_173, %dma_start3A_174, %dma_start3A_175] : memref<8x50x128xf32, #tpu.memory_space<vmem>> -> memref<1x50x128xf32, #tpu.memory_space<vmem>>
    %dma_start3A_177 = tpu.memref_squeeze %dma_start3A_176 : memref<1x50x128xf32, #tpu.memory_space<vmem>> -> memref<50x128xf32, #tpu.memory_space<vmem>>
    %dma_start3A_178 = arith.constant 0 : i32
    %dma_start3A_179 = arith.constant 0 : i32
    %dma_start3A_180 = tpu.memref_slice %arg4[%add3A_172, %dma_start3A_178, %dma_start3A_179] : memref<16384x50x128xf32, #tpu.memory_space<hbm>> -> memref<1x50x128xf32, #tpu.memory_space<hbm>>
    %dma_start3A_181 = tpu.memref_squeeze %dma_start3A_180 : memref<1x50x128xf32, #tpu.memory_space<hbm>> -> memref<50x128xf32, #tpu.memory_space<hbm>>
    %dma_start3A_182 = arith.constant 0 : i32
    %dma_start3A_183 = arith.constant 0 : i32
    %dma_start3A_184 = tpu.memref_slice %arg4[%add3A_172, %dma_start3A_182, %dma_start3A_183] : memref<16384x50x128xf32, #tpu.memory_space<hbm>> -> memref<1x50x128xf32, #tpu.memory_space<hbm>>
    %dma_start3A_185 = tpu.memref_squeeze %dma_start3A_184 : memref<1x50x128xf32, #tpu.memory_space<hbm>> -> memref<50x128xf32, #tpu.memory_space<hbm>>
    %dma_start3A_186 = arith.constant 0 : i32
    %dma_start3A_187 = arith.constant 0 : i32
    %dma_start3A_188 = tpu.memref_slice %arg6[%dma_start3A_173, %dma_start3A_186, %dma_start3A_187] : memref<8x50x128xf32, #tpu.memory_space<vmem>> -> memref<1x50x128xf32, #tpu.memory_space<vmem>>
    %dma_start3A_189 = tpu.memref_squeeze %dma_start3A_188 : memref<1x50x128xf32, #tpu.memory_space<vmem>> -> memref<50x128xf32, #tpu.memory_space<vmem>>
    tpu.enqueue_dma source(%dma_start3A_189 : memref<50x128xf32, #tpu.memory_space<vmem>>) target(%dma_start3A_185 : memref<50x128xf32, #tpu.memory_space<hbm>>) target_semaphore(%arg8 : memref<!tpu.dma_semaphore, #tpu.memory_space<semaphore_mem>>)
    %dma_wait3A_190 = arith.constant 3 : i32
    %dma_wait3A_191 = arith.constant 3 : i32
    %dma_wait3A_192 = arith.constant 0 : i32
    %dma_wait3A_193 = arith.constant 0 : i32
    %dma_wait3A_194 = tpu.memref_slice %arg6[%dma_wait3A_191, %dma_wait3A_192, %dma_wait3A_193] : memref<8x50x128xf32, #tpu.memory_space<vmem>> -> memref<1x50x128xf32, #tpu.memory_space<vmem>>
    %dma_wait3A_195 = tpu.memref_squeeze %dma_wait3A_194 : memref<1x50x128xf32, #tpu.memory_space<vmem>> -> memref<50x128xf32, #tpu.memory_space<vmem>>
    %dma_wait3A_196 = arith.constant 0 : i32
    %dma_wait3A_197 = tpu.memref_slice %arg5[%dma_wait3A_190, %dma_wait3A_196] : memref<512x128xi32, #tpu.memory_space<vmem>> -> memref<1x50xi32, #tpu.memory_space<vmem>>
    %dma_wait3A_198 = tpu.memref_squeeze %dma_wait3A_197 : memref<1x50xi32, #tpu.memory_space<vmem>> -> memref<50xi32, #tpu.memory_space<vmem>>
    %dma_wait3A_199 = arith.constant 0 : i32
    %dma_wait3A_200 = arith.constant 0 : i32
    %dma_wait3A_201 = tpu.memref_slice %arg2[%dma_wait3A_199, %dma_wait3A_200] : memref<100001x128xf32, #tpu.memory_space<hbm>> -> memref<100001x128xf32, #tpu.memory_space<hbm>>
    tpu.wait_indirect_dma semaphore(%arg7 : memref<!tpu.dma_semaphore, #tpu.memory_space<semaphore_mem>>) src(%dma_wait3A_201 : memref<100001x128xf32, #tpu.memory_space<hbm>>) dst(%dma_wait3A_195 : memref<50x128xf32, #tpu.memory_space<vmem>>)
    %add3A_202 = arith.constant 0 : i32
    %add3A_203 = arith.addi %mul3A_2, %add3A_202 : i32
    %dma_wait3A_204 = arith.constant 0 : i32
    %dma_wait3A_205 = arith.constant 0 : i32
    %dma_wait3A_206 = arith.constant 0 : i32
    %dma_wait3A_207 = tpu.memref_slice %arg6[%dma_wait3A_204, %dma_wait3A_205, %dma_wait3A_206] : memref<8x50x128xf32, #tpu.memory_space<vmem>> -> memref<1x50x128xf32, #tpu.memory_space<vmem>>
    %dma_wait3A_208 = tpu.memref_squeeze %dma_wait3A_207 : memref<1x50x128xf32, #tpu.memory_space<vmem>> -> memref<50x128xf32, #tpu.memory_space<vmem>>
    %dma_wait3A_209 = arith.constant 0 : i32
    %dma_wait3A_210 = arith.constant 0 : i32
    %dma_wait3A_211 = tpu.memref_slice %arg4[%add3A_203, %dma_wait3A_209, %dma_wait3A_210] : memref<16384x50x128xf32, #tpu.memory_space<hbm>> -> memref<1x50x128xf32, #tpu.memory_space<hbm>>
    %dma_wait3A_212 = tpu.memref_squeeze %dma_wait3A_211 : memref<1x50x128xf32, #tpu.memory_space<hbm>> -> memref<50x128xf32, #tpu.memory_space<hbm>>
    %dma_wait3A_213 = arith.constant 0 : i32
    %dma_wait3A_214 = arith.constant 0 : i32
    %dma_wait3A_215 = tpu.memref_slice %arg4[%add3A_203, %dma_wait3A_213, %dma_wait3A_214] : memref<16384x50x128xf32, #tpu.memory_space<hbm>> -> memref<1x50x128xf32, #tpu.memory_space<hbm>>
    %dma_wait3A_216 = tpu.memref_squeeze %dma_wait3A_215 : memref<1x50x128xf32, #tpu.memory_space<hbm>> -> memref<50x128xf32, #tpu.memory_space<hbm>>
    %dma_wait3A_217 = arith.constant 0 : i32
    %dma_wait3A_218 = arith.constant 0 : i32
    %dma_wait3A_219 = tpu.memref_slice %arg6[%dma_wait3A_204, %dma_wait3A_217, %dma_wait3A_218] : memref<8x50x128xf32, #tpu.memory_space<vmem>> -> memref<1x50x128xf32, #tpu.memory_space<vmem>>
    %dma_wait3A_220 = tpu.memref_squeeze %dma_wait3A_219 : memref<1x50x128xf32, #tpu.memory_space<vmem>> -> memref<50x128xf32, #tpu.memory_space<vmem>>
    tpu.wait_dma2 semaphore(%arg8 : memref<!tpu.dma_semaphore, #tpu.memory_space<semaphore_mem>>) src(%dma_wait3A_220 : memref<50x128xf32, #tpu.memory_space<vmem>>) dst(%dma_wait3A_216 : memref<50x128xf32, #tpu.memory_space<hbm>>)
    %dma_start3A_221 = arith.constant 8 : i32
    %dma_start3A_222 = arith.constant 0 : i32
    %dma_start3A_223 = arith.constant 0 : i32
    %dma_start3A_224 = arith.constant 0 : i32
    %dma_start3A_225 = tpu.memref_slice %arg6[%dma_start3A_222, %dma_start3A_223, %dma_start3A_224] : memref<8x50x128xf32, #tpu.memory_space<vmem>> -> memref<1x50x128xf32, #tpu.memory_space<vmem>>
    %dma_start3A_226 = tpu.memref_squeeze %dma_start3A_225 : memref<1x50x128xf32, #tpu.memory_space<vmem>> -> memref<50x128xf32, #tpu.memory_space<vmem>>
    %dma_start3A_227 = arith.constant 0 : i32
    %dma_start3A_228 = tpu.memref_slice %arg5[%dma_start3A_221, %dma_start3A_227] : memref<512x128xi32, #tpu.memory_space<vmem>> -> memref<1x50xi32, #tpu.memory_space<vmem>>
    %dma_start3A_229 = tpu.memref_squeeze %dma_start3A_228 : memref<1x50xi32, #tpu.memory_space<vmem>> -> memref<50xi32, #tpu.memory_space<vmem>>
    %dma_start3A_230 = arith.constant 0 : i32
    %dma_start3A_231 = arith.constant 0 : i32
    %dma_start3A_232 = tpu.memref_slice %arg2[%dma_start3A_230, %dma_start3A_231] : memref<100001x128xf32, #tpu.memory_space<hbm>> -> memref<100001x128xf32, #tpu.memory_space<hbm>>
    tpu.enqueue_indirect_dma source(%dma_start3A_232 : memref<100001x128xf32, #tpu.memory_space<hbm>>) target(%dma_start3A_226 : memref<50x128xf32, #tpu.memory_space<vmem>>) offsets(%dma_start3A_229 : memref<50xi32, #tpu.memory_space<vmem>>) semaphore(%arg7 : memref<!tpu.dma_semaphore, #tpu.memory_space<semaphore_mem>>)
    %add3A_233 = arith.constant 3 : i32
    %add3A_234 = arith.addi %mul3A_2, %add3A_233 : i32
    %dma_start3A_235 = arith.constant 3 : i32
    %dma_start3A_236 = arith.constant 0 : i32
    %dma_start3A_237 = arith.constant 0 : i32
    %dma_start3A_238 = tpu.memref_slice %arg6[%dma_start3A_235, %dma_start3A_236, %dma_start3A_237] : memref<8x50x128xf32, #tpu.memory_space<vmem>> -> memref<1x50x128xf32, #tpu.memory_space<vmem>>
    %dma_start3A_239 = tpu.memref_squeeze %dma_start3A_238 : memref<1x50x128xf32, #tpu.memory_space<vmem>> -> memref<50x128xf32, #tpu.memory_space<vmem>>
    %dma_start3A_240 = arith.constant 0 : i32
    %dma_start3A_241 = arith.constant 0 : i32
    %dma_start3A_242 = tpu.memref_slice %arg4[%add3A_234, %dma_start3A_240, %dma_start3A_241] : memref<16384x50x128xf32, #tpu.memory_space<hbm>> -> memref<1x50x128xf32, #tpu.memory_space<hbm>>
    %dma_start3A_243 = tpu.memref_squeeze %dma_start3A_242 : memref<1x50x128xf32, #tpu.memory_space<hbm>> -> memref<50x128xf32, #tpu.memory_space<hbm>>
    %dma_start3A_244 = arith.constant 0 : i32
    %dma_start3A_245 = arith.constant 0 : i32
    %dma_start3A_246 = tpu.memref_slice %arg4[%add3A_234, %dma_start3A_244, %dma_start3A_245] : memref<16384x50x128xf32, #tpu.memory_space<hbm>> -> memref<1x50x128xf32, #tpu.memory_space<hbm>>
    %dma_start3A_247 = tpu.memref_squeeze %dma_start3A_246 : memref<1x50x128xf32, #tpu.memory_space<hbm>> -> memref<50x128xf32, #tpu.memory_space<hbm>>
    %dma_start3A_248 = arith.constant 0 : i32
    %dma_start3A_249 = arith.constant 0 : i32
    %dma_start3A_250 = tpu.memref_slice %arg6[%dma_start3A_235, %dma_start3A_248, %dma_start3A_249] : memref<8x50x128xf32, #tpu.memory_space<vmem>> -> memref<1x50x128xf32, #tpu.memory_space<vmem>>
    %dma_start3A_251 = tpu.memref_squeeze %dma_start3A_250 : memref<1x50x128xf32, #tpu.memory_space<vmem>> -> memref<50x128xf32, #tpu.memory_space<vmem>>
    tpu.enqueue_dma source(%dma_start3A_251 : memref<50x128xf32, #tpu.memory_space<vmem>>) target(%dma_start3A_247 : memref<50x128xf32, #tpu.memory_space<hbm>>) target_semaphore(%arg8 : memref<!tpu.dma_semaphore, #tpu.memory_space<semaphore_mem>>)
    %dma_wait3A_252 = arith.constant 4 : i32
    %dma_wait3A_253 = arith.constant 4 : i32
    %dma_wait3A_254 = arith.constant 0 : i32
    %dma_wait3A_255 = arith.constant 0 : i32
    %dma_wait3A_256 = tpu.memref_slice %arg6[%dma_wait3A_253, %dma_wait3A_254, %dma_wait3A_255] : memref<8x50x128xf32, #tpu.memory_space<vmem>> -> memref<1x50x128xf32, #tpu.memory_space<vmem>>
    %dma_wait3A_257 = tpu.memref_squeeze %dma_wait3A_256 : memref<1x50x128xf32, #tpu.memory_space<vmem>> -> memref<50x128xf32, #tpu.memory_space<vmem>>
    %dma_wait3A_258 = arith.constant 0 : i32
    %dma_wait3A_259 = tpu.memref_slice %arg5[%dma_wait3A_252, %dma_wait3A_258] : memref<512x128xi32, #tpu.memory_space<vmem>> -> memref<1x50xi32, #tpu.memory_space<vmem>>
    %dma_wait3A_260 = tpu.memref_squeeze %dma_wait3A_259 : memref<1x50xi32, #tpu.memory_space<vmem>> -> memref<50xi32, #tpu.memory_space<vmem>>
    %dma_wait3A_261 = arith.constant 0 : i32
    %dma_wait3A_262 = arith.constant 0 : i32
    %dma_wait3A_263 = tpu.memref_slice %arg2[%dma_wait3A_261, %dma_wait3A_262] : memref<100001x128xf32, #tpu.memory_space<hbm>> -> memref<100001x128xf32, #tpu.memory_space<hbm>>
    tpu.wait_indirect_dma semaphore(%arg7 : memref<!tpu.dma_semaphore, #tpu.memory_space<semaphore_mem>>) src(%dma_wait3A_263 : memref<100001x128xf32, #tpu.memory_space<hbm>>) dst(%dma_wait3A_257 : memref<50x128xf32, #tpu.memory_space<vmem>>)
    %add3A_264 = arith.constant 1 : i32
    %add3A_265 = arith.addi %mul3A_2, %add3A_264 : i32
    %dma_wait3A_266 = arith.constant 1 : i32
    %dma_wait3A_267 = arith.constant 0 : i32
    %dma_wait3A_268 = arith.constant 0 : i32
    %dma_wait3A_269 = tpu.memref_slice %arg6[%dma_wait3A_266, %dma_wait3A_267, %dma_wait3A_268] : memref<8x50x128xf32, #tpu.memory_space<vmem>> -> memref<1x50x128xf32, #tpu.memory_space<vmem>>
    %dma_wait3A_270 = tpu.memref_squeeze %dma_wait3A_269 : memref<1x50x128xf32, #tpu.memory_space<vmem>> -> memref<50x128xf32, #tpu.memory_space<vmem>>
    %dma_wait3A_271 = arith.constant 0 : i32
    %dma_wait3A_272 = arith.constant 0 : i32
    %dma_wait3A_273 = tpu.memref_slice %arg4[%add3A_265, %dma_wait3A_271, %dma_wait3A_272] : memref<16384x50x128xf32, #tpu.memory_space<hbm>> -> memref<1x50x128xf32, #tpu.memory_space<hbm>>
    %dma_wait3A_274 = tpu.memref_squeeze %dma_wait3A_273 : memref<1x50x128xf32, #tpu.memory_space<hbm>> -> memref<50x128xf32, #tpu.memory_space<hbm>>
    %dma_wait3A_275 = arith.constant 0 : i32
    %dma_wait3A_276 = arith.constant 0 : i32
    %dma_wait3A_277 = tpu.memref_slice %arg4[%add3A_265, %dma_wait3A_275, %dma_wait3A_276] : memref<16384x50x128xf32, #tpu.memory_space<hbm>> -> memref<1x50x128xf32, #tpu.memory_space<hbm>>
    %dma_wait3A_278 = tpu.memref_squeeze %dma_wait3A_277 : memref<1x50x128xf32, #tpu.memory_space<hbm>> -> memref<50x128xf32, #tpu.memory_space<hbm>>
    %dma_wait3A_279 = arith.constant 0 : i32
    %dma_wait3A_280 = arith.constant 0 : i32
    %dma_wait3A_281 = tpu.memref_slice %arg6[%dma_wait3A_266, %dma_wait3A_279, %dma_wait3A_280] : memref<8x50x128xf32, #tpu.memory_space<vmem>> -> memref<1x50x128xf32, #tpu.memory_space<vmem>>
    %dma_wait3A_282 = tpu.memref_squeeze %dma_wait3A_281 : memref<1x50x128xf32, #tpu.memory_space<vmem>> -> memref<50x128xf32, #tpu.memory_space<vmem>>
    tpu.wait_dma2 semaphore(%arg8 : memref<!tpu.dma_semaphore, #tpu.memory_space<semaphore_mem>>) src(%dma_wait3A_282 : memref<50x128xf32, #tpu.memory_space<vmem>>) dst(%dma_wait3A_278 : memref<50x128xf32, #tpu.memory_space<hbm>>)
    %dma_start3A_283 = arith.constant 9 : i32
    %dma_start3A_284 = arith.constant 1 : i32
    %dma_start3A_285 = arith.constant 0 : i32
    %dma_start3A_286 = arith.constant 0 : i32
    %dma_start3A_287 = tpu.memref_slice %arg6[%dma_start3A_284, %dma_start3A_285, %dma_start3A_286] : memref<8x50x128xf32, #tpu.memory_space<vmem>> -> memref<1x50x128xf32, #tpu.memory_space<vmem>>
    %dma_start3A_288 = tpu.memref_squeeze %dma_start3A_287 : memref<1x50x128xf32, #tpu.memory_space<vmem>> -> memref<50x128xf32, #tpu.memory_space<vmem>>
    %dma_start3A_289 = arith.constant 0 : i32
    %dma_start3A_290 = tpu.memref_slice %arg5[%dma_start3A_283, %dma_start3A_289] : memref<512x128xi32, #tpu.memory_space<vmem>> -> memref<1x50xi32, #tpu.memory_space<vmem>>
    %dma_start3A_291 = tpu.memref_squeeze %dma_start3A_290 : memref<1x50xi32, #tpu.memory_space<vmem>> -> memref<50xi32, #tpu.memory_space<vmem>>
    %dma_start3A_292 = arith.constant 0 : i32
    %dma_start3A_293 = arith.constant 0 : i32
    %dma_start3A_294 = tpu.memref_slice %arg2[%dma_start3A_292, %dma_start3A_293] : memref<100001x128xf32, #tpu.memory_space<hbm>> -> memref<100001x128xf32, #tpu.memory_space<hbm>>
    tpu.enqueue_indirect_dma source(%dma_start3A_294 : memref<100001x128xf32, #tpu.memory_space<hbm>>) target(%dma_start3A_288 : memref<50x128xf32, #tpu.memory_space<vmem>>) offsets(%dma_start3A_291 : memref<50xi32, #tpu.memory_space<vmem>>) semaphore(%arg7 : memref<!tpu.dma_semaphore, #tpu.memory_space<semaphore_mem>>)
    %add3A_295 = arith.constant 4 : i32
    %add3A_296 = arith.addi %mul3A_2, %add3A_295 : i32
    %dma_start3A_297 = arith.constant 4 : i32
    %dma_start3A_298 = arith.constant 0 : i32
    %dma_start3A_299 = arith.constant 0 : i32
    %dma_start3A_300 = tpu.memref_slice %arg6[%dma_start3A_297, %dma_start3A_298, %dma_start3A_299] : memref<8x50x128xf32, #tpu.memory_space<vmem>> -> memref<1x50x128xf32, #tpu.memory_space<vmem>>
    %dma_start3A_301 = tpu.memref_squeeze %dma_start3A_300 : memref<1x50x128xf32, #tpu.memory_space<vmem>> -> memref<50x128xf32, #tpu.memory_space<vmem>>
    %dma_start3A_302 = arith.constant 0 : i32
    %dma_start3A_303 = arith.constant 0 : i32
    %dma_start3A_304 = tpu.memref_slice %arg4[%add3A_296, %dma_start3A_302, %dma_start3A_303] : memref<16384x50x128xf32, #tpu.memory_space<hbm>> -> memref<1x50x128xf32, #tpu.memory_space<hbm>>
    %dma_start3A_305 = tpu.memref_squeeze %dma_start3A_304 : memref<1x50x128xf32, #tpu.memory_space<hbm>> -> memref<50x128xf32, #tpu.memory_space<hbm>>
    %dma_start3A_306 = arith.constant 0 : i32
    %dma_start3A_307 = arith.constant 0 : i32
    %dma_start3A_308 = tpu.memref_slice %arg4[%add3A_296, %dma_start3A_306, %dma_start3A_307] : memref<16384x50x128xf32, #tpu.memory_space<hbm>> -> memref<1x50x128xf32, #tpu.memory_space<hbm>>
    %dma_start3A_309 = tpu.memref_squeeze %dma_start3A_308 : memref<1x50x128xf32, #tpu.memory_space<hbm>> -> memref<50x128xf32, #tpu.memory_space<hbm>>
    %dma_start3A_310 = arith.constant 0 : i32
    %dma_start3A_311 = arith.constant 0 : i32
    %dma_start3A_312 = tpu.memref_slice %arg6[%dma_start3A_297, %dma_start3A_310, %dma_start3A_311] : memref<8x50x128xf32, #tpu.memory_space<vmem>> -> memref<1x50x128xf32, #tpu.memory_space<vmem>>
    %dma_start3A_313 = tpu.memref_squeeze %dma_start3A_312 : memref<1x50x128xf32, #tpu.memory_space<vmem>> -> memref<50x128xf32, #tpu.memory_space<vmem>>
    tpu.enqueue_dma source(%dma_start3A_313 : memref<50x128xf32, #tpu.memory_space<vmem>>) target(%dma_start3A_309 : memref<50x128xf32, #tpu.memory_space<hbm>>) target_semaphore(%arg8 : memref<!tpu.dma_semaphore, #tpu.memory_space<semaphore_mem>>)
    %dma_wait3A_314 = arith.constant 5 : i32
    %dma_wait3A_315 = arith.constant 5 : i32
    %dma_wait3A_316 = arith.constant 0 : i32
    %dma_wait3A_317 = arith.constant 0 : i32
    %dma_wait3A_318 = tpu.memref_slice %arg6[%dma_wait3A_315, %dma_wait3A_316, %dma_wait3A_317] : memref<8x50x128xf32, #tpu.memory_space<vmem>> -> memref<1x50x128xf32, #tpu.memory_space<vmem>>
    %dma_wait3A_319 = tpu.memref_squeeze %dma_wait3A_318 : memref<1x50x128xf32, #tpu.memory_space<vmem>> -> memref<50x128xf32, #tpu.memory_space<vmem>>
    %dma_wait3A_320 = arith.constant 0 : i32
    %dma_wait3A_321 = tpu.memref_slice %arg5[%dma_wait3A_314, %dma_wait3A_320] : memref<512x128xi32, #tpu.memory_space<vmem>> -> memref<1x50xi32, #tpu.memory_space<vmem>>
    %dma_wait3A_322 = tpu.memref_squeeze %dma_wait3A_321 : memref<1x50xi32, #tpu.memory_space<vmem>> -> memref<50xi32, #tpu.memory_space<vmem>>
    %dma_wait3A_323 = arith.constant 0 : i32
    %dma_wait3A_324 = arith.constant 0 : i32
    %dma_wait3A_325 = tpu.memref_slice %arg2[%dma_wait3A_323, %dma_wait3A_324] : memref<100001x128xf32, #tpu.memory_space<hbm>> -> memref<100001x128xf32, #tpu.memory_space<hbm>>
    tpu.wait_indirect_dma semaphore(%arg7 : memref<!tpu.dma_semaphore, #tpu.memory_space<semaphore_mem>>) src(%dma_wait3A_325 : memref<100001x128xf32, #tpu.memory_space<hbm>>) dst(%dma_wait3A_319 : memref<50x128xf32, #tpu.memory_space<vmem>>)
    %add3A_326 = arith.constant 2 : i32
    %add3A_327 = arith.addi %mul3A_2, %add3A_326 : i32
    %dma_wait3A_328 = arith.constant 2 : i32
    %dma_wait3A_329 = arith.constant 0 : i32
    %dma_wait3A_330 = arith.constant 0 : i32
    %dma_wait3A_331 = tpu.memref_slice %arg6[%dma_wait3A_328, %dma_wait3A_329, %dma_wait3A_330] : memref<8x50x128xf32, #tpu.memory_space<vmem>> -> memref<1x50x128xf32, #tpu.memory_space<vmem>>
    %dma_wait3A_332 = tpu.memref_squeeze %dma_wait3A_331 : memref<1x50x128xf32, #tpu.memory_space<vmem>> -> memref<50x128xf32, #tpu.memory_space<vmem>>
    %dma_wait3A_333 = arith.constant 0 : i32
    %dma_wait3A_334 = arith.constant 0 : i32
    %dma_wait3A_335 = tpu.memref_slice %arg4[%add3A_327, %dma_wait3A_333, %dma_wait3A_334] : memref<16384x50x128xf32, #tpu.memory_space<hbm>> -> memref<1x50x128xf32, #tpu.memory_space<hbm>>
    %dma_wait3A_336 = tpu.memref_squeeze %dma_wait3A_335 : memref<1x50x128xf32, #tpu.memory_space<hbm>> -> memref<50x128xf32, #tpu.memory_space<hbm>>
    %dma_wait3A_337 = arith.constant 0 : i32
    %dma_wait3A_338 = arith.constant 0 : i32
    %dma_wait3A_339 = tpu.memref_slice %arg4[%add3A_327, %dma_wait3A_337, %dma_wait3A_338] : memref<16384x50x128xf32, #tpu.memory_space<hbm>> -> memref<1x50x128xf32, #tpu.memory_space<hbm>>
    %dma_wait3A_340 = tpu.memref_squeeze %dma_wait3A_339 : memref<1x50x128xf32, #tpu.memory_space<hbm>> -> memref<50x128xf32, #tpu.memory_space<hbm>>
    %dma_wait3A_341 = arith.constant 0 : i32
    %dma_wait3A_342 = arith.constant 0 : i32
    %dma_wait3A_343 = tpu.memref_slice %arg6[%dma_wait3A_328, %dma_wait3A_341, %dma_wait3A_342] : memref<8x50x128xf32, #tpu.memory_space<vmem>> -> memref<1x50x128xf32, #tpu.memory_space<vmem>>
    %dma_wait3A_344 = tpu.memref_squeeze %dma_wait3A_343 : memref<1x50x128xf32, #tpu.memory_space<vmem>> -> memref<50x128xf32, #tpu.memory_space<vmem>>
    tpu.wait_dma2 semaphore(%arg8 : memref<!tpu.dma_semaphore, #tpu.memory_space<semaphore_mem>>) src(%dma_wait3A_344 : memref<50x128xf32, #tpu.memory_space<vmem>>) dst(%dma_wait3A_340 : memref<50x128xf32, #tpu.memory_space<hbm>>)
    %dma_start3A_345 = arith.constant 10 : i32
    %dma_start3A_346 = arith.constant 2 : i32
    %dma_start3A_347 = arith.constant 0 : i32
    %dma_start3A_348 = arith.constant 0 : i32
    %dma_start3A_349 = tpu.memref_slice %arg6[%dma_start3A_346, %dma_start3A_347, %dma_start3A_348] : memref<8x50x128xf32, #tpu.memory_space<vmem>> -> memref<1x50x128xf32, #tpu.memory_space<vmem>>
    %dma_start3A_350 = tpu.memref_squeeze %dma_start3A_349 : memref<1x50x128xf32, #tpu.memory_space<vmem>> -> memref<50x128xf32, #tpu.memory_space<vmem>>
    %dma_start3A_351 = arith.constant 0 : i32
    %dma_start3A_352 = tpu.memref_slice %arg5[%dma_start3A_345, %dma_start3A_351] : memref<512x128xi32, #tpu.memory_space<vmem>> -> memref<1x50xi32, #tpu.memory_space<vmem>>
    %dma_start3A_353 = tpu.memref_squeeze %dma_start3A_352 : memref<1x50xi32, #tpu.memory_space<vmem>> -> memref<50xi32, #tpu.memory_space<vmem>>
    %dma_start3A_354 = arith.constant 0 : i32
    %dma_start3A_355 = arith.constant 0 : i32
    %dma_start3A_356 = tpu.memref_slice %arg2[%dma_start3A_354, %dma_start3A_355] : memref<100001x128xf32, #tpu.memory_space<hbm>> -> memref<100001x128xf32, #tpu.memory_space<hbm>>
    tpu.enqueue_indirect_dma source(%dma_start3A_356 : memref<100001x128xf32, #tpu.memory_space<hbm>>) target(%dma_start3A_350 : memref<50x128xf32, #tpu.memory_space<vmem>>) offsets(%dma_start3A_353 : memref<50xi32, #tpu.memory_space<vmem>>) semaphore(%arg7 : memref<!tpu.dma_semaphore, #tpu.memory_space<semaphore_mem>>)
    %add3A_357 = arith.constant 5 : i32
    %add3A_358 = arith.addi %mul3A_2, %add3A_357 : i32
    %dma_start3A_359 = arith.constant 5 : i32
    %dma_start3A_360 = arith.constant 0 : i32
    %dma_start3A_361 = arith.constant 0 : i32
    %dma_start3A_362 = tpu.memref_slice %arg6[%dma_start3A_359, %dma_start3A_360, %dma_start3A_361] : memref<8x50x128xf32, #tpu.memory_space<vmem>> -> memref<1x50x128xf32, #tpu.memory_space<vmem>>
    %dma_start3A_363 = tpu.memref_squeeze %dma_start3A_362 : memref<1x50x128xf32, #tpu.memory_space<vmem>> -> memref<50x128xf32, #tpu.memory_space<vmem>>
    %dma_start3A_364 = arith.constant 0 : i32
    %dma_start3A_365 = arith.constant 0 : i32
    %dma_start3A_366 = tpu.memref_slice %arg4[%add3A_358, %dma_start3A_364, %dma_start3A_365] : memref<16384x50x128xf32, #tpu.memory_space<hbm>> -> memref<1x50x128xf32, #tpu.memory_space<hbm>>
    %dma_start3A_367 = tpu.memref_squeeze %dma_start3A_366 : memref<1x50x128xf32, #tpu.memory_space<hbm>> -> memref<50x128xf32, #tpu.memory_space<hbm>>
    %dma_start3A_368 = arith.constant 0 : i32
    %dma_start3A_369 = arith.constant 0 : i32
    %dma_start3A_370 = tpu.memref_slice %arg4[%add3A_358, %dma_start3A_368, %dma_start3A_369] : memref<16384x50x128xf32, #tpu.memory_space<hbm>> -> memref<1x50x128xf32, #tpu.memory_space<hbm>>
    %dma_start3A_371 = tpu.memref_squeeze %dma_start3A_370 : memref<1x50x128xf32, #tpu.memory_space<hbm>> -> memref<50x128xf32, #tpu.memory_space<hbm>>
    %dma_start3A_372 = arith.constant 0 : i32
    %dma_start3A_373 = arith.constant 0 : i32
    %dma_start3A_374 = tpu.memref_slice %arg6[%dma_start3A_359, %dma_start3A_372, %dma_start3A_373] : memref<8x50x128xf32, #tpu.memory_space<vmem>> -> memref<1x50x128xf32, #tpu.memory_space<vmem>>
    %dma_start3A_375 = tpu.memref_squeeze %dma_start3A_374 : memref<1x50x128xf32, #tpu.memory_space<vmem>> -> memref<50x128xf32, #tpu.memory_space<vmem>>
    tpu.enqueue_dma source(%dma_start3A_375 : memref<50x128xf32, #tpu.memory_space<vmem>>) target(%dma_start3A_371 : memref<50x128xf32, #tpu.memory_space<hbm>>) target_semaphore(%arg8 : memref<!tpu.dma_semaphore, #tpu.memory_space<semaphore_mem>>)
    %dma_wait3A_376 = arith.constant 6 : i32
    %dma_wait3A_377 = arith.constant 6 : i32
    %dma_wait3A_378 = arith.constant 0 : i32
    %dma_wait3A_379 = arith.constant 0 : i32
    %dma_wait3A_380 = tpu.memref_slice %arg6[%dma_wait3A_377, %dma_wait3A_378, %dma_wait3A_379] : memref<8x50x128xf32, #tpu.memory_space<vmem>> -> memref<1x50x128xf32, #tpu.memory_space<vmem>>
    %dma_wait3A_381 = tpu.memref_squeeze %dma_wait3A_380 : memref<1x50x128xf32, #tpu.memory_space<vmem>> -> memref<50x128xf32, #tpu.memory_space<vmem>>
    %dma_wait3A_382 = arith.constant 0 : i32
    %dma_wait3A_383 = tpu.memref_slice %arg5[%dma_wait3A_376, %dma_wait3A_382] : memref<512x128xi32, #tpu.memory_space<vmem>> -> memref<1x50xi32, #tpu.memory_space<vmem>>
    %dma_wait3A_384 = tpu.memref_squeeze %dma_wait3A_383 : memref<1x50xi32, #tpu.memory_space<vmem>> -> memref<50xi32, #tpu.memory_space<vmem>>
    %dma_wait3A_385 = arith.constant 0 : i32
    %dma_wait3A_386 = arith.constant 0 : i32
    %dma_wait3A_387 = tpu.memref_slice %arg2[%dma_wait3A_385, %dma_wait3A_386] : memref<100001x128xf32, #tpu.memory_space<hbm>> -> memref<100001x128xf32, #tpu.memory_space<hbm>>
    tpu.wait_indirect_dma semaphore(%arg7 : memref<!tpu.dma_semaphore, #tpu.memory_space<semaphore_mem>>) src(%dma_wait3A_387 : memref<100001x128xf32, #tpu.memory_space<hbm>>) dst(%dma_wait3A_381 : memref<50x128xf32, #tpu.memory_space<vmem>>)
    %add3A_388 = arith.constant 3 : i32
    %add3A_389 = arith.addi %mul3A_2, %add3A_388 : i32
    %dma_wait3A_390 = arith.constant 3 : i32
    %dma_wait3A_391 = arith.constant 0 : i32
    %dma_wait3A_392 = arith.constant 0 : i32
    %dma_wait3A_393 = tpu.memref_slice %arg6[%dma_wait3A_390, %dma_wait3A_391, %dma_wait3A_392] : memref<8x50x128xf32, #tpu.memory_space<vmem>> -> memref<1x50x128xf32, #tpu.memory_space<vmem>>
    %dma_wait3A_394 = tpu.memref_squeeze %dma_wait3A_393 : memref<1x50x128xf32, #tpu.memory_space<vmem>> -> memref<50x128xf32, #tpu.memory_space<vmem>>
    %dma_wait3A_395 = arith.constant 0 : i32
    %dma_wait3A_396 = arith.constant 0 : i32
    %dma_wait3A_397 = tpu.memref_slice %arg4[%add3A_389, %dma_wait3A_395, %dma_wait3A_396] : memref<16384x50x128xf32, #tpu.memory_space<hbm>> -> memref<1x50x128xf32, #tpu.memory_space<hbm>>
    %dma_wait3A_398 = tpu.memref_squeeze %dma_wait3A_397 : memref<1x50x128xf32, #tpu.memory_space<hbm>> -> memref<50x128xf32, #tpu.memory_space<hbm>>
    %dma_wait3A_399 = arith.constant 0 : i32
    %dma_wait3A_400 = arith.constant 0 : i32
    %dma_wait3A_401 = tpu.memref_slice %arg4[%add3A_389, %dma_wait3A_399, %dma_wait3A_400] : memref<16384x50x128xf32, #tpu.memory_space<hbm>> -> memref<1x50x128xf32, #tpu.memory_space<hbm>>
    %dma_wait3A_402 = tpu.memref_squeeze %dma_wait3A_401 : memref<1x50x128xf32, #tpu.memory_space<hbm>> -> memref<50x128xf32, #tpu.memory_space<hbm>>
    %dma_wait3A_403 = arith.constant 0 : i32
    %dma_wait3A_404 = arith.constant 0 : i32
    %dma_wait3A_405 = tpu.memref_slice %arg6[%dma_wait3A_390, %dma_wait3A_403, %dma_wait3A_404] : memref<8x50x128xf32, #tpu.memory_space<vmem>> -> memref<1x50x128xf32, #tpu.memory_space<vmem>>
    %dma_wait3A_406 = tpu.memref_squeeze %dma_wait3A_405 : memref<1x50x128xf32, #tpu.memory_space<vmem>> -> memref<50x128xf32, #tpu.memory_space<vmem>>
    tpu.wait_dma2 semaphore(%arg8 : memref<!tpu.dma_semaphore, #tpu.memory_space<semaphore_mem>>) src(%dma_wait3A_406 : memref<50x128xf32, #tpu.memory_space<vmem>>) dst(%dma_wait3A_402 : memref<50x128xf32, #tpu.memory_space<hbm>>)
    %dma_start3A_407 = arith.constant 11 : i32
    %dma_start3A_408 = arith.constant 3 : i32
    %dma_start3A_409 = arith.constant 0 : i32
    %dma_start3A_410 = arith.constant 0 : i32
    %dma_start3A_411 = tpu.memref_slice %arg6[%dma_start3A_408, %dma_start3A_409, %dma_start3A_410] : memref<8x50x128xf32, #tpu.memory_space<vmem>> -> memref<1x50x128xf32, #tpu.memory_space<vmem>>
    %dma_start3A_412 = tpu.memref_squeeze %dma_start3A_411 : memref<1x50x128xf32, #tpu.memory_space<vmem>> -> memref<50x128xf32, #tpu.memory_space<vmem>>
    %dma_start3A_413 = arith.constant 0 : i32
    %dma_start3A_414 = tpu.memref_slice %arg5[%dma_start3A_407, %dma_start3A_413] : memref<512x128xi32, #tpu.memory_space<vmem>> -> memref<1x50xi32, #tpu.memory_space<vmem>>
    %dma_start3A_415 = tpu.memref_squeeze %dma_start3A_414 : memref<1x50xi32, #tpu.memory_space<vmem>> -> memref<50xi32, #tpu.memory_space<vmem>>
    %dma_start3A_416 = arith.constant 0 : i32
    %dma_start3A_417 = arith.constant 0 : i32
    %dma_start3A_418 = tpu.memref_slice %arg2[%dma_start3A_416, %dma_start3A_417] : memref<100001x128xf32, #tpu.memory_space<hbm>> -> memref<100001x128xf32, #tpu.memory_space<hbm>>
    tpu.enqueue_indirect_dma source(%dma_start3A_418 : memref<100001x128xf32, #tpu.memory_space<hbm>>) target(%dma_start3A_412 : memref<50x128xf32, #tpu.memory_space<vmem>>) offsets(%dma_start3A_415 : memref<50xi32, #tpu.memory_space<vmem>>) semaphore(%arg7 : memref<!tpu.dma_semaphore, #tpu.memory_space<semaphore_mem>>)
    %add3A_419 = arith.constant 6 : i32
    %add3A_420 = arith.addi %mul3A_2, %add3A_419 : i32
    %dma_start3A_421 = arith.constant 6 : i32
    %dma_start3A_422 = arith.constant 0 : i32
    %dma_start3A_423 = arith.constant 0 : i32
    %dma_start3A_424 = tpu.memref_slice %arg6[%dma_start3A_421, %dma_start3A_422, %dma_start3A_423] : memref<8x50x128xf32, #tpu.memory_space<vmem>> -> memref<1x50x128xf32, #tpu.memory_space<vmem>>
    %dma_start3A_425 = tpu.memref_squeeze %dma_start3A_424 : memref<1x50x128xf32, #tpu.memory_space<vmem>> -> memref<50x128xf32, #tpu.memory_space<vmem>>
    %dma_start3A_426 = arith.constant 0 : i32
    %dma_start3A_427 = arith.constant 0 : i32
    %dma_start3A_428 = tpu.memref_slice %arg4[%add3A_420, %dma_start3A_426, %dma_start3A_427] : memref<16384x50x128xf32, #tpu.memory_space<hbm>> -> memref<1x50x128xf32, #tpu.memory_space<hbm>>
    %dma_start3A_429 = tpu.memref_squeeze %dma_start3A_428 : memref<1x50x128xf32, #tpu.memory_space<hbm>> -> memref<50x128xf32, #tpu.memory_space<hbm>>
    %dma_start3A_430 = arith.constant 0 : i32
    %dma_start3A_431 = arith.constant 0 : i32
    %dma_start3A_432 = tpu.memref_slice %arg4[%add3A_420, %dma_start3A_430, %dma_start3A_431] : memref<16384x50x128xf32, #tpu.memory_space<hbm>> -> memref<1x50x128xf32, #tpu.memory_space<hbm>>
    %dma_start3A_433 = tpu.memref_squeeze %dma_start3A_432 : memref<1x50x128xf32, #tpu.memory_space<hbm>> -> memref<50x128xf32, #tpu.memory_space<hbm>>
    %dma_start3A_434 = arith.constant 0 : i32
    %dma_start3A_435 = arith.constant 0 : i32
    %dma_start3A_436 = tpu.memref_slice %arg6[%dma_start3A_421, %dma_start3A_434, %dma_start3A_435] : memref<8x50x128xf32, #tpu.memory_space<vmem>> -> memref<1x50x128xf32, #tpu.memory_space<vmem>>
    %dma_start3A_437 = tpu.memref_squeeze %dma_start3A_436 : memref<1x50x128xf32, #tpu.memory_space<vmem>> -> memref<50x128xf32, #tpu.memory_space<vmem>>
    tpu.enqueue_dma source(%dma_start3A_437 : memref<50x128xf32, #tpu.memory_space<vmem>>) target(%dma_start3A_433 : memref<50x128xf32, #tpu.memory_space<hbm>>) target_semaphore(%arg8 : memref<!tpu.dma_semaphore, #tpu.memory_space<semaphore_mem>>)
    %dma_wait3A_438 = arith.constant 7 : i32
    %dma_wait3A_439 = arith.constant 7 : i32
    %dma_wait3A_440 = arith.constant 0 : i32
    %dma_wait3A_441 = arith.constant 0 : i32
    %dma_wait3A_442 = tpu.memref_slice %arg6[%dma_wait3A_439, %dma_wait3A_440, %dma_wait3A_441] : memref<8x50x128xf32, #tpu.memory_space<vmem>> -> memref<1x50x128xf32, #tpu.memory_space<vmem>>
    %dma_wait3A_443 = tpu.memref_squeeze %dma_wait3A_442 : memref<1x50x128xf32, #tpu.memory_space<vmem>> -> memref<50x128xf32, #tpu.memory_space<vmem>>
    %dma_wait3A_444 = arith.constant 0 : i32
    %dma_wait3A_445 = tpu.memref_slice %arg5[%dma_wait3A_438, %dma_wait3A_444] : memref<512x128xi32, #tpu.memory_space<vmem>> -> memref<1x50xi32, #tpu.memory_space<vmem>>
    %dma_wait3A_446 = tpu.memref_squeeze %dma_wait3A_445 : memref<1x50xi32, #tpu.memory_space<vmem>> -> memref<50xi32, #tpu.memory_space<vmem>>
    %dma_wait3A_447 = arith.constant 0 : i32
    %dma_wait3A_448 = arith.constant 0 : i32
    %dma_wait3A_449 = tpu.memref_slice %arg2[%dma_wait3A_447, %dma_wait3A_448] : memref<100001x128xf32, #tpu.memory_space<hbm>> -> memref<100001x128xf32, #tpu.memory_space<hbm>>
    tpu.wait_indirect_dma semaphore(%arg7 : memref<!tpu.dma_semaphore, #tpu.memory_space<semaphore_mem>>) src(%dma_wait3A_449 : memref<100001x128xf32, #tpu.memory_space<hbm>>) dst(%dma_wait3A_443 : memref<50x128xf32, #tpu.memory_space<vmem>>)
    %add3A_450 = arith.constant 4 : i32
    %add3A_451 = arith.addi %mul3A_2, %add3A_450 : i32
    %dma_wait3A_452 = arith.constant 4 : i32
    %dma_wait3A_453 = arith.constant 0 : i32
    %dma_wait3A_454 = arith.constant 0 : i32
    %dma_wait3A_455 = tpu.memref_slice %arg6[%dma_wait3A_452, %dma_wait3A_453, %dma_wait3A_454] : memref<8x50x128xf32, #tpu.memory_space<vmem>> -> memref<1x50x128xf32, #tpu.memory_space<vmem>>
    %dma_wait3A_456 = tpu.memref_squeeze %dma_wait3A_455 : memref<1x50x128xf32, #tpu.memory_space<vmem>> -> memref<50x128xf32, #tpu.memory_space<vmem>>
    %dma_wait3A_457 = arith.constant 0 : i32
    %dma_wait3A_458 = arith.constant 0 : i32
    %dma_wait3A_459 = tpu.memref_slice %arg4[%add3A_451, %dma_wait3A_457, %dma_wait3A_458] : memref<16384x50x128xf32, #tpu.memory_space<hbm>> -> memref<1x50x128xf32, #tpu.memory_space<hbm>>
    %dma_wait3A_460 = tpu.memref_squeeze %dma_wait3A_459 : memref<1x50x128xf32, #tpu.memory_space<hbm>> -> memref<50x128xf32, #tpu.memory_space<hbm>>
    %dma_wait3A_461 = arith.constant 0 : i32
    %dma_wait3A_462 = arith.constant 0 : i32
    %dma_wait3A_463 = tpu.memref_slice %arg4[%add3A_451, %dma_wait3A_461, %dma_wait3A_462] : memref<16384x50x128xf32, #tpu.memory_space<hbm>> -> memref<1x50x128xf32, #tpu.memory_space<hbm>>
    %dma_wait3A_464 = tpu.memref_squeeze %dma_wait3A_463 : memref<1x50x128xf32, #tpu.memory_space<hbm>> -> memref<50x128xf32, #tpu.memory_space<hbm>>
    %dma_wait3A_465 = arith.constant 0 : i32
    %dma_wait3A_466 = arith.constant 0 : i32
    %dma_wait3A_467 = tpu.memref_slice %arg6[%dma_wait3A_452, %dma_wait3A_465, %dma_wait3A_466] : memref<8x50x128xf32, #tpu.memory_space<vmem>> -> memref<1x50x128xf32, #tpu.memory_space<vmem>>
    %dma_wait3A_468 = tpu.memref_squeeze %dma_wait3A_467 : memref<1x50x128xf32, #tpu.memory_space<vmem>> -> memref<50x128xf32, #tpu.memory_space<vmem>>
    tpu.wait_dma2 semaphore(%arg8 : memref<!tpu.dma_semaphore, #tpu.memory_space<semaphore_mem>>) src(%dma_wait3A_468 : memref<50x128xf32, #tpu.memory_space<vmem>>) dst(%dma_wait3A_464 : memref<50x128xf32, #tpu.memory_space<hbm>>)
    %dma_start3A_469 = arith.constant 12 : i32
    %dma_start3A_470 = arith.constant 4 : i32
    %dma_start3A_471 = arith.constant 0 : i32
    %dma_start3A_472 = arith.constant 0 : i32
    %dma_start3A_473 = tpu.memref_slice %arg6[%dma_start3A_470, %dma_start3A_471, %dma_start3A_472] : memref<8x50x128xf32, #tpu.memory_space<vmem>> -> memref<1x50x128xf32, #tpu.memory_space<vmem>>
    %dma_start3A_474 = tpu.memref_squeeze %dma_start3A_473 : memref<1x50x128xf32, #tpu.memory_space<vmem>> -> memref<50x128xf32, #tpu.memory_space<vmem>>
    %dma_start3A_475 = arith.constant 0 : i32
    %dma_start3A_476 = tpu.memref_slice %arg5[%dma_start3A_469, %dma_start3A_475] : memref<512x128xi32, #tpu.memory_space<vmem>> -> memref<1x50xi32, #tpu.memory_space<vmem>>
    %dma_start3A_477 = tpu.memref_squeeze %dma_start3A_476 : memref<1x50xi32, #tpu.memory_space<vmem>> -> memref<50xi32, #tpu.memory_space<vmem>>
    %dma_start3A_478 = arith.constant 0 : i32
    %dma_start3A_479 = arith.constant 0 : i32
    %dma_start3A_480 = tpu.memref_slice %arg2[%dma_start3A_478, %dma_start3A_479] : memref<100001x128xf32, #tpu.memory_space<hbm>> -> memref<100001x128xf32, #tpu.memory_space<hbm>>
    tpu.enqueue_indirect_dma source(%dma_start3A_480 : memref<100001x128xf32, #tpu.memory_space<hbm>>) target(%dma_start3A_474 : memref<50x128xf32, #tpu.memory_space<vmem>>) offsets(%dma_start3A_477 : memref<50xi32, #tpu.memory_space<vmem>>) semaphore(%arg7 : memref<!tpu.dma_semaphore, #tpu.memory_space<semaphore_mem>>)
    %add3A_481 = arith.constant 7 : i32
    %add3A_482 = arith.addi %mul3A_2, %add3A_481 : i32
    %dma_start3A_483 = arith.constant 7 : i32
    %dma_start3A_484 = arith.constant 0 : i32
    %dma_start3A_485 = arith.constant 0 : i32
    %dma_start3A_486 = tpu.memref_slice %arg6[%dma_start3A_483, %dma_start3A_484, %dma_start3A_485] : memref<8x50x128xf32, #tpu.memory_space<vmem>> -> memref<1x50x128xf32, #tpu.memory_space<vmem>>
    %dma_start3A_487 = tpu.memref_squeeze %dma_start3A_486 : memref<1x50x128xf32, #tpu.memory_space<vmem>> -> memref<50x128xf32, #tpu.memory_space<vmem>>
    %dma_start3A_488 = arith.constant 0 : i32
    %dma_start3A_489 = arith.constant 0 : i32
    %dma_start3A_490 = tpu.memref_slice %arg4[%add3A_482, %dma_start3A_488, %dma_start3A_489] : memref<16384x50x128xf32, #tpu.memory_space<hbm>> -> memref<1x50x128xf32, #tpu.memory_space<hbm>>
    %dma_start3A_491 = tpu.memref_squeeze %dma_start3A_490 : memref<1x50x128xf32, #tpu.memory_space<hbm>> -> memref<50x128xf32, #tpu.memory_space<hbm>>
    %dma_start3A_492 = arith.constant 0 : i32
    %dma_start3A_493 = arith.constant 0 : i32
    %dma_start3A_494 = tpu.memref_slice %arg4[%add3A_482, %dma_start3A_492, %dma_start3A_493] : memref<16384x50x128xf32, #tpu.memory_space<hbm>> -> memref<1x50x128xf32, #tpu.memory_space<hbm>>
    %dma_start3A_495 = tpu.memref_squeeze %dma_start3A_494 : memref<1x50x128xf32, #tpu.memory_space<hbm>> -> memref<50x128xf32, #tpu.memory_space<hbm>>
    %dma_start3A_496 = arith.constant 0 : i32
    %dma_start3A_497 = arith.constant 0 : i32
    %dma_start3A_498 = tpu.memref_slice %arg6[%dma_start3A_483, %dma_start3A_496, %dma_start3A_497] : memref<8x50x128xf32, #tpu.memory_space<vmem>> -> memref<1x50x128xf32, #tpu.memory_space<vmem>>
    %dma_start3A_499 = tpu.memref_squeeze %dma_start3A_498 : memref<1x50x128xf32, #tpu.memory_space<vmem>> -> memref<50x128xf32, #tpu.memory_space<vmem>>
    tpu.enqueue_dma source(%dma_start3A_499 : memref<50x128xf32, #tpu.memory_space<vmem>>) target(%dma_start3A_495 : memref<50x128xf32, #tpu.memory_space<hbm>>) target_semaphore(%arg8 : memref<!tpu.dma_semaphore, #tpu.memory_space<semaphore_mem>>)
    %scan3A = arith.constant 0 : i32
    %scan3A_500 = arith.constant 62 : i32
    %scan3A_501 = arith.addi %scan3A, %scan3A_500 : i32
    %scan3A_502 = arith.constant 1 : i32
    scf.for %scan3A_854 = %scan3A to %scan3A_501 step %scan3A_502  : i32 {
      %mul3A_855 = arith.constant 1 : i32
      %mul3A_856 = arith.muli %scan3A_854, %mul3A_855 : i32
      %add3A_857 = arith.constant 1 : i32
      %add3A_858 = arith.addi %add3A_857, %mul3A_856 : i32
      %mul3A_859 = arith.constant 8 : i32
      %mul3A_860 = arith.muli %add3A_858, %mul3A_859 : i32
      %add3A_861 = arith.constant 0 : i32
      %add3A_862 = arith.addi %mul3A_860, %add3A_861 : i32
      %jit3A = arith.constant 8 : i32
      %eq3A = arith.constant 0 : i32
      %eq3A_863 = arith.cmpi eq, %jit3A, %eq3A : i32
      %jit3A_864 = arith.constant 1 : i32
      %select_n3A = arith.select %eq3A_863, %jit3A_864, %jit3A : i32
      %rem3A = arith.remsi %add3A_862, %select_n3A : i32
      %ne3A = arith.constant 0 : i32
      %ne3A_865 = arith.cmpi ne, %rem3A, %ne3A : i32
      %lt3A = arith.constant 0 : i32
      %lt3A_866 = arith.cmpi slt, %rem3A, %lt3A : i32
      %lt3A_867 = arith.constant 0 : i32
      %lt3A_868 = arith.cmpi slt, %select_n3A, %lt3A_867 : i32
      %ne3A_869 = arith.xori %lt3A_866, %lt3A_868 : i1
      %and3A = arith.andi %ne3A_869, %ne3A_865 : i1
      %add3A_870 = arith.addi %rem3A, %select_n3A : i32
      %select_n3A_871 = arith.select %and3A, %add3A_870, %rem3A : i32
      %dma_wait3A_872 = arith.constant 0 : i32
      %dma_wait3A_873 = arith.constant 0 : i32
      %dma_wait3A_874 = tpu.memref_slice %arg6[%select_n3A_871, %dma_wait3A_872, %dma_wait3A_873] : memref<8x50x128xf32, #tpu.memory_space<vmem>> -> memref<1x50x128xf32, #tpu.memory_space<vmem>>
      %dma_wait3A_875 = tpu.memref_squeeze %dma_wait3A_874 : memref<1x50x128xf32, #tpu.memory_space<vmem>> -> memref<50x128xf32, #tpu.memory_space<vmem>>
      %dma_wait3A_876 = arith.constant 0 : i32
      %dma_wait3A_877 = tpu.memref_slice %arg5[%add3A_862, %dma_wait3A_876] : memref<512x128xi32, #tpu.memory_space<vmem>> -> memref<1x50xi32, #tpu.memory_space<vmem>>
      %dma_wait3A_878 = tpu.memref_squeeze %dma_wait3A_877 : memref<1x50xi32, #tpu.memory_space<vmem>> -> memref<50xi32, #tpu.memory_space<vmem>>
      %dma_wait3A_879 = arith.constant 0 : i32
      %dma_wait3A_880 = arith.constant 0 : i32
      %dma_wait3A_881 = tpu.memref_slice %arg2[%dma_wait3A_879, %dma_wait3A_880] : memref<100001x128xf32, #tpu.memory_space<hbm>> -> memref<100001x128xf32, #tpu.memory_space<hbm>>
      tpu.wait_indirect_dma semaphore(%arg7 : memref<!tpu.dma_semaphore, #tpu.memory_space<semaphore_mem>>) src(%dma_wait3A_881 : memref<100001x128xf32, #tpu.memory_space<hbm>>) dst(%dma_wait3A_875 : memref<50x128xf32, #tpu.memory_space<vmem>>)
      %add3A_882 = arith.constant 5 : i32
      %add3A_883 = arith.addi %add3A_862, %add3A_882 : i32
      %sub3A = arith.constant 8 : i32
      %sub3A_884 = arith.subi %add3A_883, %sub3A : i32
      %jit3A_885 = arith.constant 8 : i32
      %eq3A_886 = arith.constant 0 : i32
      %eq3A_887 = arith.cmpi eq, %jit3A_885, %eq3A_886 : i32
      %jit3A_888 = arith.constant 1 : i32
      %select_n3A_889 = arith.select %eq3A_887, %jit3A_888, %jit3A_885 : i32
      %rem3A_890 = arith.remsi %sub3A_884, %select_n3A_889 : i32
      %ne3A_891 = arith.constant 0 : i32
      %ne3A_892 = arith.cmpi ne, %rem3A_890, %ne3A_891 : i32
      %lt3A_893 = arith.constant 0 : i32
      %lt3A_894 = arith.cmpi slt, %rem3A_890, %lt3A_893 : i32
      %lt3A_895 = arith.constant 0 : i32
      %lt3A_896 = arith.cmpi slt, %select_n3A_889, %lt3A_895 : i32
      %ne3A_897 = arith.xori %lt3A_894, %lt3A_896 : i1
      %and3A_898 = arith.andi %ne3A_897, %ne3A_892 : i1
      %add3A_899 = arith.addi %rem3A_890, %select_n3A_889 : i32
      %select_n3A_900 = arith.select %and3A_898, %add3A_899, %rem3A_890 : i32
      %add3A_901 = arith.addi %mul3A_2, %sub3A_884 : i32
      %dma_wait3A_902 = arith.constant 0 : i32
      %dma_wait3A_903 = arith.constant 0 : i32
      %dma_wait3A_904 = tpu.memref_slice %arg6[%select_n3A_900, %dma_wait3A_902, %dma_wait3A_903] : memref<8x50x128xf32, #tpu.memory_space<vmem>> -> memref<1x50x128xf32, #tpu.memory_space<vmem>>
      %dma_wait3A_905 = tpu.memref_squeeze %dma_wait3A_904 : memref<1x50x128xf32, #tpu.memory_space<vmem>> -> memref<50x128xf32, #tpu.memory_space<vmem>>
      %dma_wait3A_906 = arith.constant 0 : i32
      %dma_wait3A_907 = arith.constant 0 : i32
      %dma_wait3A_908 = tpu.memref_slice %arg4[%add3A_901, %dma_wait3A_906, %dma_wait3A_907] : memref<16384x50x128xf32, #tpu.memory_space<hbm>> -> memref<1x50x128xf32, #tpu.memory_space<hbm>>
      %dma_wait3A_909 = tpu.memref_squeeze %dma_wait3A_908 : memref<1x50x128xf32, #tpu.memory_space<hbm>> -> memref<50x128xf32, #tpu.memory_space<hbm>>
      %dma_wait3A_910 = arith.constant 0 : i32
      %dma_wait3A_911 = arith.constant 0 : i32
      %dma_wait3A_912 = tpu.memref_slice %arg4[%add3A_901, %dma_wait3A_910, %dma_wait3A_911] : memref<16384x50x128xf32, #tpu.memory_space<hbm>> -> memref<1x50x128xf32, #tpu.memory_space<hbm>>
      %dma_wait3A_913 = tpu.memref_squeeze %dma_wait3A_912 : memref<1x50x128xf32, #tpu.memory_space<hbm>> -> memref<50x128xf32, #tpu.memory_space<hbm>>
      %dma_wait3A_914 = arith.constant 0 : i32
      %dma_wait3A_915 = arith.constant 0 : i32
      %dma_wait3A_916 = tpu.memref_slice %arg6[%select_n3A_900, %dma_wait3A_914, %dma_wait3A_915] : memref<8x50x128xf32, #tpu.memory_space<vmem>> -> memref<1x50x128xf32, #tpu.memory_space<vmem>>
      %dma_wait3A_917 = tpu.memref_squeeze %dma_wait3A_916 : memref<1x50x128xf32, #tpu.memory_space<vmem>> -> memref<50x128xf32, #tpu.memory_space<vmem>>
      tpu.wait_dma2 semaphore(%arg8 : memref<!tpu.dma_semaphore, #tpu.memory_space<semaphore_mem>>) src(%dma_wait3A_917 : memref<50x128xf32, #tpu.memory_space<vmem>>) dst(%dma_wait3A_913 : memref<50x128xf32, #tpu.memory_space<hbm>>)
      %add3A_918 = arith.constant 5 : i32
      %add3A_919 = arith.addi %add3A_862, %add3A_918 : i32
      %jit3A_920 = arith.constant 8 : i32
      %eq3A_921 = arith.constant 0 : i32
      %eq3A_922 = arith.cmpi eq, %jit3A_920, %eq3A_921 : i32
      %jit3A_923 = arith.constant 1 : i32
      %select_n3A_924 = arith.select %eq3A_922, %jit3A_923, %jit3A_920 : i32
      %rem3A_925 = arith.remsi %add3A_919, %select_n3A_924 : i32
      %ne3A_926 = arith.constant 0 : i32
      %ne3A_927 = arith.cmpi ne, %rem3A_925, %ne3A_926 : i32
      %lt3A_928 = arith.constant 0 : i32
      %lt3A_929 = arith.cmpi slt, %rem3A_925, %lt3A_928 : i32
      %lt3A_930 = arith.constant 0 : i32
      %lt3A_931 = arith.cmpi slt, %select_n3A_924, %lt3A_930 : i32
      %ne3A_932 = arith.xori %lt3A_929, %lt3A_931 : i1
      %and3A_933 = arith.andi %ne3A_932, %ne3A_927 : i1
      %add3A_934 = arith.addi %rem3A_925, %select_n3A_924 : i32
      %select_n3A_935 = arith.select %and3A_933, %add3A_934, %rem3A_925 : i32
      %dma_start3A_936 = arith.constant 0 : i32
      %dma_start3A_937 = arith.constant 0 : i32
      %dma_start3A_938 = tpu.memref_slice %arg6[%select_n3A_935, %dma_start3A_936, %dma_start3A_937] : memref<8x50x128xf32, #tpu.memory_space<vmem>> -> memref<1x50x128xf32, #tpu.memory_space<vmem>>
      %dma_start3A_939 = tpu.memref_squeeze %dma_start3A_938 : memref<1x50x128xf32, #tpu.memory_space<vmem>> -> memref<50x128xf32, #tpu.memory_space<vmem>>
      %dma_start3A_940 = arith.constant 0 : i32
      %dma_start3A_941 = tpu.memref_slice %arg5[%add3A_919, %dma_start3A_940] : memref<512x128xi32, #tpu.memory_space<vmem>> -> memref<1x50xi32, #tpu.memory_space<vmem>>
      %dma_start3A_942 = tpu.memref_squeeze %dma_start3A_941 : memref<1x50xi32, #tpu.memory_space<vmem>> -> memref<50xi32, #tpu.memory_space<vmem>>
      %dma_start3A_943 = arith.constant 0 : i32
      %dma_start3A_944 = arith.constant 0 : i32
      %dma_start3A_945 = tpu.memref_slice %arg2[%dma_start3A_943, %dma_start3A_944] : memref<100001x128xf32, #tpu.memory_space<hbm>> -> memref<100001x128xf32, #tpu.memory_space<hbm>>
      tpu.enqueue_indirect_dma source(%dma_start3A_945 : memref<100001x128xf32, #tpu.memory_space<hbm>>) target(%dma_start3A_939 : memref<50x128xf32, #tpu.memory_space<vmem>>) offsets(%dma_start3A_942 : memref<50xi32, #tpu.memory_space<vmem>>) semaphore(%arg7 : memref<!tpu.dma_semaphore, #tpu.memory_space<semaphore_mem>>)
      %jit3A_946 = arith.constant 8 : i32
      %eq3A_947 = arith.constant 0 : i32
      %eq3A_948 = arith.cmpi eq, %jit3A_946, %eq3A_947 : i32
      %jit3A_949 = arith.constant 1 : i32
      %select_n3A_950 = arith.select %eq3A_948, %jit3A_949, %jit3A_946 : i32
      %rem3A_951 = arith.remsi %add3A_862, %select_n3A_950 : i32
      %ne3A_952 = arith.constant 0 : i32
      %ne3A_953 = arith.cmpi ne, %rem3A_951, %ne3A_952 : i32
      %lt3A_954 = arith.constant 0 : i32
      %lt3A_955 = arith.cmpi slt, %rem3A_951, %lt3A_954 : i32
      %lt3A_956 = arith.constant 0 : i32
      %lt3A_957 = arith.cmpi slt, %select_n3A_950, %lt3A_956 : i32
      %ne3A_958 = arith.xori %lt3A_955, %lt3A_957 : i1
      %and3A_959 = arith.andi %ne3A_958, %ne3A_953 : i1
      %add3A_960 = arith.addi %rem3A_951, %select_n3A_950 : i32
      %select_n3A_961 = arith.select %and3A_959, %add3A_960, %rem3A_951 : i32
      %add3A_962 = arith.addi %mul3A_2, %add3A_862 : i32
      %dma_start3A_963 = arith.constant 0 : i32
      %dma_start3A_964 = arith.constant 0 : i32
      %dma_start3A_965 = tpu.memref_slice %arg6[%select_n3A_961, %dma_start3A_963, %dma_start3A_964] : memref<8x50x128xf32, #tpu.memory_space<vmem>> -> memref<1x50x128xf32, #tpu.memory_space<vmem>>
      %dma_start3A_966 = tpu.memref_squeeze %dma_start3A_965 : memref<1x50x128xf32, #tpu.memory_space<vmem>> -> memref<50x128xf32, #tpu.memory_space<vmem>>
      %dma_start3A_967 = arith.constant 0 : i32
      %dma_start3A_968 = arith.constant 0 : i32
      %dma_start3A_969 = tpu.memref_slice %arg4[%add3A_962, %dma_start3A_967, %dma_start3A_968] : memref<16384x50x128xf32, #tpu.memory_space<hbm>> -> memref<1x50x128xf32, #tpu.memory_space<hbm>>
      %dma_start3A_970 = tpu.memref_squeeze %dma_start3A_969 : memref<1x50x128xf32, #tpu.memory_space<hbm>> -> memref<50x128xf32, #tpu.memory_space<hbm>>
      %dma_start3A_971 = arith.constant 0 : i32
      %dma_start3A_972 = arith.constant 0 : i32
      %dma_start3A_973 = tpu.memref_slice %arg4[%add3A_962, %dma_start3A_971, %dma_start3A_972] : memref<16384x50x128xf32, #tpu.memory_space<hbm>> -> memref<1x50x128xf32, #tpu.memory_space<hbm>>
      %dma_start3A_974 = tpu.memref_squeeze %dma_start3A_973 : memref<1x50x128xf32, #tpu.memory_space<hbm>> -> memref<50x128xf32, #tpu.memory_space<hbm>>
      %dma_start3A_975 = arith.constant 0 : i32
      %dma_start3A_976 = arith.constant 0 : i32
      %dma_start3A_977 = tpu.memref_slice %arg6[%select_n3A_961, %dma_start3A_975, %dma_start3A_976] : memref<8x50x128xf32, #tpu.memory_space<vmem>> -> memref<1x50x128xf32, #tpu.memory_space<vmem>>
      %dma_start3A_978 = tpu.memref_squeeze %dma_start3A_977 : memref<1x50x128xf32, #tpu.memory_space<vmem>> -> memref<50x128xf32, #tpu.memory_space<vmem>>
      tpu.enqueue_dma source(%dma_start3A_978 : memref<50x128xf32, #tpu.memory_space<vmem>>) target(%dma_start3A_974 : memref<50x128xf32, #tpu.memory_space<hbm>>) target_semaphore(%arg8 : memref<!tpu.dma_semaphore, #tpu.memory_space<semaphore_mem>>)
      %mul3A_979 = arith.constant 8 : i32
      %mul3A_980 = arith.muli %add3A_858, %mul3A_979 : i32
      %add3A_981 = arith.constant 1 : i32
      %add3A_982 = arith.addi %mul3A_980, %add3A_981 : i32
      %jit3A_983 = arith.constant 8 : i32
      %eq3A_984 = arith.constant 0 : i32
      %eq3A_985 = arith.cmpi eq, %jit3A_983, %eq3A_984 : i32
      %jit3A_986 = arith.constant 1 : i32
      %select_n3A_987 = arith.select %eq3A_985, %jit3A_986, %jit3A_983 : i32
      %rem3A_988 = arith.remsi %add3A_982, %select_n3A_987 : i32
      %ne3A_989 = arith.constant 0 : i32
      %ne3A_990 = arith.cmpi ne, %rem3A_988, %ne3A_989 : i32
      %lt3A_991 = arith.constant 0 : i32
      %lt3A_992 = arith.cmpi slt, %rem3A_988, %lt3A_991 : i32
      %lt3A_993 = arith.constant 0 : i32
      %lt3A_994 = arith.cmpi slt, %select_n3A_987, %lt3A_993 : i32
      %ne3A_995 = arith.xori %lt3A_992, %lt3A_994 : i1
      %and3A_996 = arith.andi %ne3A_995, %ne3A_990 : i1
      %add3A_997 = arith.addi %rem3A_988, %select_n3A_987 : i32
      %select_n3A_998 = arith.select %and3A_996, %add3A_997, %rem3A_988 : i32
      %dma_wait3A_999 = arith.constant 0 : i32
      %dma_wait3A_1000 = arith.constant 0 : i32
      %dma_wait3A_1001 = tpu.memref_slice %arg6[%select_n3A_998, %dma_wait3A_999, %dma_wait3A_1000] : memref<8x50x128xf32, #tpu.memory_space<vmem>> -> memref<1x50x128xf32, #tpu.memory_space<vmem>>
      %dma_wait3A_1002 = tpu.memref_squeeze %dma_wait3A_1001 : memref<1x50x128xf32, #tpu.memory_space<vmem>> -> memref<50x128xf32, #tpu.memory_space<vmem>>
      %dma_wait3A_1003 = arith.constant 0 : i32
      %dma_wait3A_1004 = tpu.memref_slice %arg5[%add3A_982, %dma_wait3A_1003] : memref<512x128xi32, #tpu.memory_space<vmem>> -> memref<1x50xi32, #tpu.memory_space<vmem>>
      %dma_wait3A_1005 = tpu.memref_squeeze %dma_wait3A_1004 : memref<1x50xi32, #tpu.memory_space<vmem>> -> memref<50xi32, #tpu.memory_space<vmem>>
      %dma_wait3A_1006 = arith.constant 0 : i32
      %dma_wait3A_1007 = arith.constant 0 : i32
      %dma_wait3A_1008 = tpu.memref_slice %arg2[%dma_wait3A_1006, %dma_wait3A_1007] : memref<100001x128xf32, #tpu.memory_space<hbm>> -> memref<100001x128xf32, #tpu.memory_space<hbm>>
      tpu.wait_indirect_dma semaphore(%arg7 : memref<!tpu.dma_semaphore, #tpu.memory_space<semaphore_mem>>) src(%dma_wait3A_1008 : memref<100001x128xf32, #tpu.memory_space<hbm>>) dst(%dma_wait3A_1002 : memref<50x128xf32, #tpu.memory_space<vmem>>)
      %add3A_1009 = arith.constant 5 : i32
      %add3A_1010 = arith.addi %add3A_982, %add3A_1009 : i32
      %sub3A_1011 = arith.constant 8 : i32
      %sub3A_1012 = arith.subi %add3A_1010, %sub3A_1011 : i32
      %jit3A_1013 = arith.constant 8 : i32
      %eq3A_1014 = arith.constant 0 : i32
      %eq3A_1015 = arith.cmpi eq, %jit3A_1013, %eq3A_1014 : i32
      %jit3A_1016 = arith.constant 1 : i32
      %select_n3A_1017 = arith.select %eq3A_1015, %jit3A_1016, %jit3A_1013 : i32
      %rem3A_1018 = arith.remsi %sub3A_1012, %select_n3A_1017 : i32
      %ne3A_1019 = arith.constant 0 : i32
      %ne3A_1020 = arith.cmpi ne, %rem3A_1018, %ne3A_1019 : i32
      %lt3A_1021 = arith.constant 0 : i32
      %lt3A_1022 = arith.cmpi slt, %rem3A_1018, %lt3A_1021 : i32
      %lt3A_1023 = arith.constant 0 : i32
      %lt3A_1024 = arith.cmpi slt, %select_n3A_1017, %lt3A_1023 : i32
      %ne3A_1025 = arith.xori %lt3A_1022, %lt3A_1024 : i1
      %and3A_1026 = arith.andi %ne3A_1025, %ne3A_1020 : i1
      %add3A_1027 = arith.addi %rem3A_1018, %select_n3A_1017 : i32
      %select_n3A_1028 = arith.select %and3A_1026, %add3A_1027, %rem3A_1018 : i32
      %add3A_1029 = arith.addi %mul3A_2, %sub3A_1012 : i32
      %dma_wait3A_1030 = arith.constant 0 : i32
      %dma_wait3A_1031 = arith.constant 0 : i32
      %dma_wait3A_1032 = tpu.memref_slice %arg6[%select_n3A_1028, %dma_wait3A_1030, %dma_wait3A_1031] : memref<8x50x128xf32, #tpu.memory_space<vmem>> -> memref<1x50x128xf32, #tpu.memory_space<vmem>>
      %dma_wait3A_1033 = tpu.memref_squeeze %dma_wait3A_1032 : memref<1x50x128xf32, #tpu.memory_space<vmem>> -> memref<50x128xf32, #tpu.memory_space<vmem>>
      %dma_wait3A_1034 = arith.constant 0 : i32
      %dma_wait3A_1035 = arith.constant 0 : i32
      %dma_wait3A_1036 = tpu.memref_slice %arg4[%add3A_1029, %dma_wait3A_1034, %dma_wait3A_1035] : memref<16384x50x128xf32, #tpu.memory_space<hbm>> -> memref<1x50x128xf32, #tpu.memory_space<hbm>>
      %dma_wait3A_1037 = tpu.memref_squeeze %dma_wait3A_1036 : memref<1x50x128xf32, #tpu.memory_space<hbm>> -> memref<50x128xf32, #tpu.memory_space<hbm>>
      %dma_wait3A_1038 = arith.constant 0 : i32
      %dma_wait3A_1039 = arith.constant 0 : i32
      %dma_wait3A_1040 = tpu.memref_slice %arg4[%add3A_1029, %dma_wait3A_1038, %dma_wait3A_1039] : memref<16384x50x128xf32, #tpu.memory_space<hbm>> -> memref<1x50x128xf32, #tpu.memory_space<hbm>>
      %dma_wait3A_1041 = tpu.memref_squeeze %dma_wait3A_1040 : memref<1x50x128xf32, #tpu.memory_space<hbm>> -> memref<50x128xf32, #tpu.memory_space<hbm>>
      %dma_wait3A_1042 = arith.constant 0 : i32
      %dma_wait3A_1043 = arith.constant 0 : i32
      %dma_wait3A_1044 = tpu.memref_slice %arg6[%select_n3A_1028, %dma_wait3A_1042, %dma_wait3A_1043] : memref<8x50x128xf32, #tpu.memory_space<vmem>> -> memref<1x50x128xf32, #tpu.memory_space<vmem>>
      %dma_wait3A_1045 = tpu.memref_squeeze %dma_wait3A_1044 : memref<1x50x128xf32, #tpu.memory_space<vmem>> -> memref<50x128xf32, #tpu.memory_space<vmem>>
      tpu.wait_dma2 semaphore(%arg8 : memref<!tpu.dma_semaphore, #tpu.memory_space<semaphore_mem>>) src(%dma_wait3A_1045 : memref<50x128xf32, #tpu.memory_space<vmem>>) dst(%dma_wait3A_1041 : memref<50x128xf32, #tpu.memory_space<hbm>>)
      %add3A_1046 = arith.constant 5 : i32
      %add3A_1047 = arith.addi %add3A_982, %add3A_1046 : i32
      %jit3A_1048 = arith.constant 8 : i32
      %eq3A_1049 = arith.constant 0 : i32
      %eq3A_1050 = arith.cmpi eq, %jit3A_1048, %eq3A_1049 : i32
      %jit3A_1051 = arith.constant 1 : i32
      %select_n3A_1052 = arith.select %eq3A_1050, %jit3A_1051, %jit3A_1048 : i32
      %rem3A_1053 = arith.remsi %add3A_1047, %select_n3A_1052 : i32
      %ne3A_1054 = arith.constant 0 : i32
      %ne3A_1055 = arith.cmpi ne, %rem3A_1053, %ne3A_1054 : i32
      %lt3A_1056 = arith.constant 0 : i32
      %lt3A_1057 = arith.cmpi slt, %rem3A_1053, %lt3A_1056 : i32
      %lt3A_1058 = arith.constant 0 : i32
      %lt3A_1059 = arith.cmpi slt, %select_n3A_1052, %lt3A_1058 : i32
      %ne3A_1060 = arith.xori %lt3A_1057, %lt3A_1059 : i1
      %and3A_1061 = arith.andi %ne3A_1060, %ne3A_1055 : i1
      %add3A_1062 = arith.addi %rem3A_1053, %select_n3A_1052 : i32
      %select_n3A_1063 = arith.select %and3A_1061, %add3A_1062, %rem3A_1053 : i32
      %dma_start3A_1064 = arith.constant 0 : i32
      %dma_start3A_1065 = arith.constant 0 : i32
      %dma_start3A_1066 = tpu.memref_slice %arg6[%select_n3A_1063, %dma_start3A_1064, %dma_start3A_1065] : memref<8x50x128xf32, #tpu.memory_space<vmem>> -> memref<1x50x128xf32, #tpu.memory_space<vmem>>
      %dma_start3A_1067 = tpu.memref_squeeze %dma_start3A_1066 : memref<1x50x128xf32, #tpu.memory_space<vmem>> -> memref<50x128xf32, #tpu.memory_space<vmem>>
      %dma_start3A_1068 = arith.constant 0 : i32
      %dma_start3A_1069 = tpu.memref_slice %arg5[%add3A_1047, %dma_start3A_1068] : memref<512x128xi32, #tpu.memory_space<vmem>> -> memref<1x50xi32, #tpu.memory_space<vmem>>
      %dma_start3A_1070 = tpu.memref_squeeze %dma_start3A_1069 : memref<1x50xi32, #tpu.memory_space<vmem>> -> memref<50xi32, #tpu.memory_space<vmem>>
      %dma_start3A_1071 = arith.constant 0 : i32
      %dma_start3A_1072 = arith.constant 0 : i32
      %dma_start3A_1073 = tpu.memref_slice %arg2[%dma_start3A_1071, %dma_start3A_1072] : memref<100001x128xf32, #tpu.memory_space<hbm>> -> memref<100001x128xf32, #tpu.memory_space<hbm>>
      tpu.enqueue_indirect_dma source(%dma_start3A_1073 : memref<100001x128xf32, #tpu.memory_space<hbm>>) target(%dma_start3A_1067 : memref<50x128xf32, #tpu.memory_space<vmem>>) offsets(%dma_start3A_1070 : memref<50xi32, #tpu.memory_space<vmem>>) semaphore(%arg7 : memref<!tpu.dma_semaphore, #tpu.memory_space<semaphore_mem>>)
      %jit3A_1074 = arith.constant 8 : i32
      %eq3A_1075 = arith.constant 0 : i32
      %eq3A_1076 = arith.cmpi eq, %jit3A_1074, %eq3A_1075 : i32
      %jit3A_1077 = arith.constant 1 : i32
      %select_n3A_1078 = arith.select %eq3A_1076, %jit3A_1077, %jit3A_1074 : i32
      %rem3A_1079 = arith.remsi %add3A_982, %select_n3A_1078 : i32
      %ne3A_1080 = arith.constant 0 : i32
      %ne3A_1081 = arith.cmpi ne, %rem3A_1079, %ne3A_1080 : i32
      %lt3A_1082 = arith.constant 0 : i32
      %lt3A_1083 = arith.cmpi slt, %rem3A_1079, %lt3A_1082 : i32
      %lt3A_1084 = arith.constant 0 : i32
      %lt3A_1085 = arith.cmpi slt, %select_n3A_1078, %lt3A_1084 : i32
      %ne3A_1086 = arith.xori %lt3A_1083, %lt3A_1085 : i1
      %and3A_1087 = arith.andi %ne3A_1086, %ne3A_1081 : i1
      %add3A_1088 = arith.addi %rem3A_1079, %select_n3A_1078 : i32
      %select_n3A_1089 = arith.select %and3A_1087, %add3A_1088, %rem3A_1079 : i32
      %add3A_1090 = arith.addi %mul3A_2, %add3A_982 : i32
      %dma_start3A_1091 = arith.constant 0 : i32
      %dma_start3A_1092 = arith.constant 0 : i32
      %dma_start3A_1093 = tpu.memref_slice %arg6[%select_n3A_1089, %dma_start3A_1091, %dma_start3A_1092] : memref<8x50x128xf32, #tpu.memory_space<vmem>> -> memref<1x50x128xf32, #tpu.memory_space<vmem>>
      %dma_start3A_1094 = tpu.memref_squeeze %dma_start3A_1093 : memref<1x50x128xf32, #tpu.memory_space<vmem>> -> memref<50x128xf32, #tpu.memory_space<vmem>>
      %dma_start3A_1095 = arith.constant 0 : i32
      %dma_start3A_1096 = arith.constant 0 : i32
      %dma_start3A_1097 = tpu.memref_slice %arg4[%add3A_1090, %dma_start3A_1095, %dma_start3A_1096] : memref<16384x50x128xf32, #tpu.memory_space<hbm>> -> memref<1x50x128xf32, #tpu.memory_space<hbm>>
      %dma_start3A_1098 = tpu.memref_squeeze %dma_start3A_1097 : memref<1x50x128xf32, #tpu.memory_space<hbm>> -> memref<50x128xf32, #tpu.memory_space<hbm>>
      %dma_start3A_1099 = arith.constant 0 : i32
      %dma_start3A_1100 = arith.constant 0 : i32
      %dma_start3A_1101 = tpu.memref_slice %arg4[%add3A_1090, %dma_start3A_1099, %dma_start3A_1100] : memref<16384x50x128xf32, #tpu.memory_space<hbm>> -> memref<1x50x128xf32, #tpu.memory_space<hbm>>
      %dma_start3A_1102 = tpu.memref_squeeze %dma_start3A_1101 : memref<1x50x128xf32, #tpu.memory_space<hbm>> -> memref<50x128xf32, #tpu.memory_space<hbm>>
      %dma_start3A_1103 = arith.constant 0 : i32
      %dma_start3A_1104 = arith.constant 0 : i32
      %dma_start3A_1105 = tpu.memref_slice %arg6[%select_n3A_1089, %dma_start3A_1103, %dma_start3A_1104] : memref<8x50x128xf32, #tpu.memory_space<vmem>> -> memref<1x50x128xf32, #tpu.memory_space<vmem>>
      %dma_start3A_1106 = tpu.memref_squeeze %dma_start3A_1105 : memref<1x50x128xf32, #tpu.memory_space<vmem>> -> memref<50x128xf32, #tpu.memory_space<vmem>>
      tpu.enqueue_dma source(%dma_start3A_1106 : memref<50x128xf32, #tpu.memory_space<vmem>>) target(%dma_start3A_1102 : memref<50x128xf32, #tpu.memory_space<hbm>>) target_semaphore(%arg8 : memref<!tpu.dma_semaphore, #tpu.memory_space<semaphore_mem>>)
      %mul3A_1107 = arith.constant 8 : i32
      %mul3A_1108 = arith.muli %add3A_858, %mul3A_1107 : i32
      %add3A_1109 = arith.constant 2 : i32
      %add3A_1110 = arith.addi %mul3A_1108, %add3A_1109 : i32
      %jit3A_1111 = arith.constant 8 : i32
      %eq3A_1112 = arith.constant 0 : i32
      %eq3A_1113 = arith.cmpi eq, %jit3A_1111, %eq3A_1112 : i32
      %jit3A_1114 = arith.constant 1 : i32
      %select_n3A_1115 = arith.select %eq3A_1113, %jit3A_1114, %jit3A_1111 : i32
      %rem3A_1116 = arith.remsi %add3A_1110, %select_n3A_1115 : i32
      %ne3A_1117 = arith.constant 0 : i32
      %ne3A_1118 = arith.cmpi ne, %rem3A_1116, %ne3A_1117 : i32
      %lt3A_1119 = arith.constant 0 : i32
      %lt3A_1120 = arith.cmpi slt, %rem3A_1116, %lt3A_1119 : i32
      %lt3A_1121 = arith.constant 0 : i32
      %lt3A_1122 = arith.cmpi slt, %select_n3A_1115, %lt3A_1121 : i32
      %ne3A_1123 = arith.xori %lt3A_1120, %lt3A_1122 : i1
      %and3A_1124 = arith.andi %ne3A_1123, %ne3A_1118 : i1
      %add3A_1125 = arith.addi %rem3A_1116, %select_n3A_1115 : i32
      %select_n3A_1126 = arith.select %and3A_1124, %add3A_1125, %rem3A_1116 : i32
      %dma_wait3A_1127 = arith.constant 0 : i32
      %dma_wait3A_1128 = arith.constant 0 : i32
      %dma_wait3A_1129 = tpu.memref_slice %arg6[%select_n3A_1126, %dma_wait3A_1127, %dma_wait3A_1128] : memref<8x50x128xf32, #tpu.memory_space<vmem>> -> memref<1x50x128xf32, #tpu.memory_space<vmem>>
      %dma_wait3A_1130 = tpu.memref_squeeze %dma_wait3A_1129 : memref<1x50x128xf32, #tpu.memory_space<vmem>> -> memref<50x128xf32, #tpu.memory_space<vmem>>
      %dma_wait3A_1131 = arith.constant 0 : i32
      %dma_wait3A_1132 = tpu.memref_slice %arg5[%add3A_1110, %dma_wait3A_1131] : memref<512x128xi32, #tpu.memory_space<vmem>> -> memref<1x50xi32, #tpu.memory_space<vmem>>
      %dma_wait3A_1133 = tpu.memref_squeeze %dma_wait3A_1132 : memref<1x50xi32, #tpu.memory_space<vmem>> -> memref<50xi32, #tpu.memory_space<vmem>>
      %dma_wait3A_1134 = arith.constant 0 : i32
      %dma_wait3A_1135 = arith.constant 0 : i32
      %dma_wait3A_1136 = tpu.memref_slice %arg2[%dma_wait3A_1134, %dma_wait3A_1135] : memref<100001x128xf32, #tpu.memory_space<hbm>> -> memref<100001x128xf32, #tpu.memory_space<hbm>>
      tpu.wait_indirect_dma semaphore(%arg7 : memref<!tpu.dma_semaphore, #tpu.memory_space<semaphore_mem>>) src(%dma_wait3A_1136 : memref<100001x128xf32, #tpu.memory_space<hbm>>) dst(%dma_wait3A_1130 : memref<50x128xf32, #tpu.memory_space<vmem>>)
      %add3A_1137 = arith.constant 5 : i32
      %add3A_1138 = arith.addi %add3A_1110, %add3A_1137 : i32
      %sub3A_1139 = arith.constant 8 : i32
      %sub3A_1140 = arith.subi %add3A_1138, %sub3A_1139 : i32
      %jit3A_1141 = arith.constant 8 : i32
      %eq3A_1142 = arith.constant 0 : i32
      %eq3A_1143 = arith.cmpi eq, %jit3A_1141, %eq3A_1142 : i32
      %jit3A_1144 = arith.constant 1 : i32
      %select_n3A_1145 = arith.select %eq3A_1143, %jit3A_1144, %jit3A_1141 : i32
      %rem3A_1146 = arith.remsi %sub3A_1140, %select_n3A_1145 : i32
      %ne3A_1147 = arith.constant 0 : i32
      %ne3A_1148 = arith.cmpi ne, %rem3A_1146, %ne3A_1147 : i32
      %lt3A_1149 = arith.constant 0 : i32
      %lt3A_1150 = arith.cmpi slt, %rem3A_1146, %lt3A_1149 : i32
      %lt3A_1151 = arith.constant 0 : i32
      %lt3A_1152 = arith.cmpi slt, %select_n3A_1145, %lt3A_1151 : i32
      %ne3A_1153 = arith.xori %lt3A_1150, %lt3A_1152 : i1
      %and3A_1154 = arith.andi %ne3A_1153, %ne3A_1148 : i1
      %add3A_1155 = arith.addi %rem3A_1146, %select_n3A_1145 : i32
      %select_n3A_1156 = arith.select %and3A_1154, %add3A_1155, %rem3A_1146 : i32
      %add3A_1157 = arith.addi %mul3A_2, %sub3A_1140 : i32
      %dma_wait3A_1158 = arith.constant 0 : i32
      %dma_wait3A_1159 = arith.constant 0 : i32
      %dma_wait3A_1160 = tpu.memref_slice %arg6[%select_n3A_1156, %dma_wait3A_1158, %dma_wait3A_1159] : memref<8x50x128xf32, #tpu.memory_space<vmem>> -> memref<1x50x128xf32, #tpu.memory_space<vmem>>
      %dma_wait3A_1161 = tpu.memref_squeeze %dma_wait3A_1160 : memref<1x50x128xf32, #tpu.memory_space<vmem>> -> memref<50x128xf32, #tpu.memory_space<vmem>>
      %dma_wait3A_1162 = arith.constant 0 : i32
      %dma_wait3A_1163 = arith.constant 0 : i32
      %dma_wait3A_1164 = tpu.memref_slice %arg4[%add3A_1157, %dma_wait3A_1162, %dma_wait3A_1163] : memref<16384x50x128xf32, #tpu.memory_space<hbm>> -> memref<1x50x128xf32, #tpu.memory_space<hbm>>
      %dma_wait3A_1165 = tpu.memref_squeeze %dma_wait3A_1164 : memref<1x50x128xf32, #tpu.memory_space<hbm>> -> memref<50x128xf32, #tpu.memory_space<hbm>>
      %dma_wait3A_1166 = arith.constant 0 : i32
      %dma_wait3A_1167 = arith.constant 0 : i32
      %dma_wait3A_1168 = tpu.memref_slice %arg4[%add3A_1157, %dma_wait3A_1166, %dma_wait3A_1167] : memref<16384x50x128xf32, #tpu.memory_space<hbm>> -> memref<1x50x128xf32, #tpu.memory_space<hbm>>
      %dma_wait3A_1169 = tpu.memref_squeeze %dma_wait3A_1168 : memref<1x50x128xf32, #tpu.memory_space<hbm>> -> memref<50x128xf32, #tpu.memory_space<hbm>>
      %dma_wait3A_1170 = arith.constant 0 : i32
      %dma_wait3A_1171 = arith.constant 0 : i32
      %dma_wait3A_1172 = tpu.memref_slice %arg6[%select_n3A_1156, %dma_wait3A_1170, %dma_wait3A_1171] : memref<8x50x128xf32, #tpu.memory_space<vmem>> -> memref<1x50x128xf32, #tpu.memory_space<vmem>>
      %dma_wait3A_1173 = tpu.memref_squeeze %dma_wait3A_1172 : memref<1x50x128xf32, #tpu.memory_space<vmem>> -> memref<50x128xf32, #tpu.memory_space<vmem>>
      tpu.wait_dma2 semaphore(%arg8 : memref<!tpu.dma_semaphore, #tpu.memory_space<semaphore_mem>>) src(%dma_wait3A_1173 : memref<50x128xf32, #tpu.memory_space<vmem>>) dst(%dma_wait3A_1169 : memref<50x128xf32, #tpu.memory_space<hbm>>)
      %add3A_1174 = arith.constant 5 : i32
      %add3A_1175 = arith.addi %add3A_1110, %add3A_1174 : i32
      %jit3A_1176 = arith.constant 8 : i32
      %eq3A_1177 = arith.constant 0 : i32
      %eq3A_1178 = arith.cmpi eq, %jit3A_1176, %eq3A_1177 : i32
      %jit3A_1179 = arith.constant 1 : i32
      %select_n3A_1180 = arith.select %eq3A_1178, %jit3A_1179, %jit3A_1176 : i32
      %rem3A_1181 = arith.remsi %add3A_1175, %select_n3A_1180 : i32
      %ne3A_1182 = arith.constant 0 : i32
      %ne3A_1183 = arith.cmpi ne, %rem3A_1181, %ne3A_1182 : i32
      %lt3A_1184 = arith.constant 0 : i32
      %lt3A_1185 = arith.cmpi slt, %rem3A_1181, %lt3A_1184 : i32
      %lt3A_1186 = arith.constant 0 : i32
      %lt3A_1187 = arith.cmpi slt, %select_n3A_1180, %lt3A_1186 : i32
      %ne3A_1188 = arith.xori %lt3A_1185, %lt3A_1187 : i1
      %and3A_1189 = arith.andi %ne3A_1188, %ne3A_1183 : i1
      %add3A_1190 = arith.addi %rem3A_1181, %select_n3A_1180 : i32
      %select_n3A_1191 = arith.select %and3A_1189, %add3A_1190, %rem3A_1181 : i32
      %dma_start3A_1192 = arith.constant 0 : i32
      %dma_start3A_1193 = arith.constant 0 : i32
      %dma_start3A_1194 = tpu.memref_slice %arg6[%select_n3A_1191, %dma_start3A_1192, %dma_start3A_1193] : memref<8x50x128xf32, #tpu.memory_space<vmem>> -> memref<1x50x128xf32, #tpu.memory_space<vmem>>
      %dma_start3A_1195 = tpu.memref_squeeze %dma_start3A_1194 : memref<1x50x128xf32, #tpu.memory_space<vmem>> -> memref<50x128xf32, #tpu.memory_space<vmem>>
      %dma_start3A_1196 = arith.constant 0 : i32
      %dma_start3A_1197 = tpu.memref_slice %arg5[%add3A_1175, %dma_start3A_1196] : memref<512x128xi32, #tpu.memory_space<vmem>> -> memref<1x50xi32, #tpu.memory_space<vmem>>
      %dma_start3A_1198 = tpu.memref_squeeze %dma_start3A_1197 : memref<1x50xi32, #tpu.memory_space<vmem>> -> memref<50xi32, #tpu.memory_space<vmem>>
      %dma_start3A_1199 = arith.constant 0 : i32
      %dma_start3A_1200 = arith.constant 0 : i32
      %dma_start3A_1201 = tpu.memref_slice %arg2[%dma_start3A_1199, %dma_start3A_1200] : memref<100001x128xf32, #tpu.memory_space<hbm>> -> memref<100001x128xf32, #tpu.memory_space<hbm>>
      tpu.enqueue_indirect_dma source(%dma_start3A_1201 : memref<100001x128xf32, #tpu.memory_space<hbm>>) target(%dma_start3A_1195 : memref<50x128xf32, #tpu.memory_space<vmem>>) offsets(%dma_start3A_1198 : memref<50xi32, #tpu.memory_space<vmem>>) semaphore(%arg7 : memref<!tpu.dma_semaphore, #tpu.memory_space<semaphore_mem>>)
      %jit3A_1202 = arith.constant 8 : i32
      %eq3A_1203 = arith.constant 0 : i32
      %eq3A_1204 = arith.cmpi eq, %jit3A_1202, %eq3A_1203 : i32
      %jit3A_1205 = arith.constant 1 : i32
      %select_n3A_1206 = arith.select %eq3A_1204, %jit3A_1205, %jit3A_1202 : i32
      %rem3A_1207 = arith.remsi %add3A_1110, %select_n3A_1206 : i32
      %ne3A_1208 = arith.constant 0 : i32
      %ne3A_1209 = arith.cmpi ne, %rem3A_1207, %ne3A_1208 : i32
      %lt3A_1210 = arith.constant 0 : i32
      %lt3A_1211 = arith.cmpi slt, %rem3A_1207, %lt3A_1210 : i32
      %lt3A_1212 = arith.constant 0 : i32
      %lt3A_1213 = arith.cmpi slt, %select_n3A_1206, %lt3A_1212 : i32
      %ne3A_1214 = arith.xori %lt3A_1211, %lt3A_1213 : i1
      %and3A_1215 = arith.andi %ne3A_1214, %ne3A_1209 : i1
      %add3A_1216 = arith.addi %rem3A_1207, %select_n3A_1206 : i32
      %select_n3A_1217 = arith.select %and3A_1215, %add3A_1216, %rem3A_1207 : i32
      %add3A_1218 = arith.addi %mul3A_2, %add3A_1110 : i32
      %dma_start3A_1219 = arith.constant 0 : i32
      %dma_start3A_1220 = arith.constant 0 : i32
      %dma_start3A_1221 = tpu.memref_slice %arg6[%select_n3A_1217, %dma_start3A_1219, %dma_start3A_1220] : memref<8x50x128xf32, #tpu.memory_space<vmem>> -> memref<1x50x128xf32, #tpu.memory_space<vmem>>
      %dma_start3A_1222 = tpu.memref_squeeze %dma_start3A_1221 : memref<1x50x128xf32, #tpu.memory_space<vmem>> -> memref<50x128xf32, #tpu.memory_space<vmem>>
      %dma_start3A_1223 = arith.constant 0 : i32
      %dma_start3A_1224 = arith.constant 0 : i32
      %dma_start3A_1225 = tpu.memref_slice %arg4[%add3A_1218, %dma_start3A_1223, %dma_start3A_1224] : memref<16384x50x128xf32, #tpu.memory_space<hbm>> -> memref<1x50x128xf32, #tpu.memory_space<hbm>>
      %dma_start3A_1226 = tpu.memref_squeeze %dma_start3A_1225 : memref<1x50x128xf32, #tpu.memory_space<hbm>> -> memref<50x128xf32, #tpu.memory_space<hbm>>
      %dma_start3A_1227 = arith.constant 0 : i32
      %dma_start3A_1228 = arith.constant 0 : i32
      %dma_start3A_1229 = tpu.memref_slice %arg4[%add3A_1218, %dma_start3A_1227, %dma_start3A_1228] : memref<16384x50x128xf32, #tpu.memory_space<hbm>> -> memref<1x50x128xf32, #tpu.memory_space<hbm>>
      %dma_start3A_1230 = tpu.memref_squeeze %dma_start3A_1229 : memref<1x50x128xf32, #tpu.memory_space<hbm>> -> memref<50x128xf32, #tpu.memory_space<hbm>>
      %dma_start3A_1231 = arith.constant 0 : i32
      %dma_start3A_1232 = arith.constant 0 : i32
      %dma_start3A_1233 = tpu.memref_slice %arg6[%select_n3A_1217, %dma_start3A_1231, %dma_start3A_1232] : memref<8x50x128xf32, #tpu.memory_space<vmem>> -> memref<1x50x128xf32, #tpu.memory_space<vmem>>
      %dma_start3A_1234 = tpu.memref_squeeze %dma_start3A_1233 : memref<1x50x128xf32, #tpu.memory_space<vmem>> -> memref<50x128xf32, #tpu.memory_space<vmem>>
      tpu.enqueue_dma source(%dma_start3A_1234 : memref<50x128xf32, #tpu.memory_space<vmem>>) target(%dma_start3A_1230 : memref<50x128xf32, #tpu.memory_space<hbm>>) target_semaphore(%arg8 : memref<!tpu.dma_semaphore, #tpu.memory_space<semaphore_mem>>)
      %mul3A_1235 = arith.constant 8 : i32
      %mul3A_1236 = arith.muli %add3A_858, %mul3A_1235 : i32
      %add3A_1237 = arith.constant 3 : i32
      %add3A_1238 = arith.addi %mul3A_1236, %add3A_1237 : i32
      %jit3A_1239 = arith.constant 8 : i32
      %eq3A_1240 = arith.constant 0 : i32
      %eq3A_1241 = arith.cmpi eq, %jit3A_1239, %eq3A_1240 : i32
      %jit3A_1242 = arith.constant 1 : i32
      %select_n3A_1243 = arith.select %eq3A_1241, %jit3A_1242, %jit3A_1239 : i32
      %rem3A_1244 = arith.remsi %add3A_1238, %select_n3A_1243 : i32
      %ne3A_1245 = arith.constant 0 : i32
      %ne3A_1246 = arith.cmpi ne, %rem3A_1244, %ne3A_1245 : i32
      %lt3A_1247 = arith.constant 0 : i32
      %lt3A_1248 = arith.cmpi slt, %rem3A_1244, %lt3A_1247 : i32
      %lt3A_1249 = arith.constant 0 : i32
      %lt3A_1250 = arith.cmpi slt, %select_n3A_1243, %lt3A_1249 : i32
      %ne3A_1251 = arith.xori %lt3A_1248, %lt3A_1250 : i1
      %and3A_1252 = arith.andi %ne3A_1251, %ne3A_1246 : i1
      %add3A_1253 = arith.addi %rem3A_1244, %select_n3A_1243 : i32
      %select_n3A_1254 = arith.select %and3A_1252, %add3A_1253, %rem3A_1244 : i32
      %dma_wait3A_1255 = arith.constant 0 : i32
      %dma_wait3A_1256 = arith.constant 0 : i32
      %dma_wait3A_1257 = tpu.memref_slice %arg6[%select_n3A_1254, %dma_wait3A_1255, %dma_wait3A_1256] : memref<8x50x128xf32, #tpu.memory_space<vmem>> -> memref<1x50x128xf32, #tpu.memory_space<vmem>>
      %dma_wait3A_1258 = tpu.memref_squeeze %dma_wait3A_1257 : memref<1x50x128xf32, #tpu.memory_space<vmem>> -> memref<50x128xf32, #tpu.memory_space<vmem>>
      %dma_wait3A_1259 = arith.constant 0 : i32
      %dma_wait3A_1260 = tpu.memref_slice %arg5[%add3A_1238, %dma_wait3A_1259] : memref<512x128xi32, #tpu.memory_space<vmem>> -> memref<1x50xi32, #tpu.memory_space<vmem>>
      %dma_wait3A_1261 = tpu.memref_squeeze %dma_wait3A_1260 : memref<1x50xi32, #tpu.memory_space<vmem>> -> memref<50xi32, #tpu.memory_space<vmem>>
      %dma_wait3A_1262 = arith.constant 0 : i32
      %dma_wait3A_1263 = arith.constant 0 : i32
      %dma_wait3A_1264 = tpu.memref_slice %arg2[%dma_wait3A_1262, %dma_wait3A_1263] : memref<100001x128xf32, #tpu.memory_space<hbm>> -> memref<100001x128xf32, #tpu.memory_space<hbm>>
      tpu.wait_indirect_dma semaphore(%arg7 : memref<!tpu.dma_semaphore, #tpu.memory_space<semaphore_mem>>) src(%dma_wait3A_1264 : memref<100001x128xf32, #tpu.memory_space<hbm>>) dst(%dma_wait3A_1258 : memref<50x128xf32, #tpu.memory_space<vmem>>)
      %add3A_1265 = arith.constant 5 : i32
      %add3A_1266 = arith.addi %add3A_1238, %add3A_1265 : i32
      %sub3A_1267 = arith.constant 8 : i32
      %sub3A_1268 = arith.subi %add3A_1266, %sub3A_1267 : i32
      %jit3A_1269 = arith.constant 8 : i32
      %eq3A_1270 = arith.constant 0 : i32
      %eq3A_1271 = arith.cmpi eq, %jit3A_1269, %eq3A_1270 : i32
      %jit3A_1272 = arith.constant 1 : i32
      %select_n3A_1273 = arith.select %eq3A_1271, %jit3A_1272, %jit3A_1269 : i32
      %rem3A_1274 = arith.remsi %sub3A_1268, %select_n3A_1273 : i32
      %ne3A_1275 = arith.constant 0 : i32
      %ne3A_1276 = arith.cmpi ne, %rem3A_1274, %ne3A_1275 : i32
      %lt3A_1277 = arith.constant 0 : i32
      %lt3A_1278 = arith.cmpi slt, %rem3A_1274, %lt3A_1277 : i32
      %lt3A_1279 = arith.constant 0 : i32
      %lt3A_1280 = arith.cmpi slt, %select_n3A_1273, %lt3A_1279 : i32
      %ne3A_1281 = arith.xori %lt3A_1278, %lt3A_1280 : i1
      %and3A_1282 = arith.andi %ne3A_1281, %ne3A_1276 : i1
      %add3A_1283 = arith.addi %rem3A_1274, %select_n3A_1273 : i32
      %select_n3A_1284 = arith.select %and3A_1282, %add3A_1283, %rem3A_1274 : i32
      %add3A_1285 = arith.addi %mul3A_2, %sub3A_1268 : i32
      %dma_wait3A_1286 = arith.constant 0 : i32
      %dma_wait3A_1287 = arith.constant 0 : i32
      %dma_wait3A_1288 = tpu.memref_slice %arg6[%select_n3A_1284, %dma_wait3A_1286, %dma_wait3A_1287] : memref<8x50x128xf32, #tpu.memory_space<vmem>> -> memref<1x50x128xf32, #tpu.memory_space<vmem>>
      %dma_wait3A_1289 = tpu.memref_squeeze %dma_wait3A_1288 : memref<1x50x128xf32, #tpu.memory_space<vmem>> -> memref<50x128xf32, #tpu.memory_space<vmem>>
      %dma_wait3A_1290 = arith.constant 0 : i32
      %dma_wait3A_1291 = arith.constant 0 : i32
      %dma_wait3A_1292 = tpu.memref_slice %arg4[%add3A_1285, %dma_wait3A_1290, %dma_wait3A_1291] : memref<16384x50x128xf32, #tpu.memory_space<hbm>> -> memref<1x50x128xf32, #tpu.memory_space<hbm>>
      %dma_wait3A_1293 = tpu.memref_squeeze %dma_wait3A_1292 : memref<1x50x128xf32, #tpu.memory_space<hbm>> -> memref<50x128xf32, #tpu.memory_space<hbm>>
      %dma_wait3A_1294 = arith.constant 0 : i32
      %dma_wait3A_1295 = arith.constant 0 : i32
      %dma_wait3A_1296 = tpu.memref_slice %arg4[%add3A_1285, %dma_wait3A_1294, %dma_wait3A_1295] : memref<16384x50x128xf32, #tpu.memory_space<hbm>> -> memref<1x50x128xf32, #tpu.memory_space<hbm>>
      %dma_wait3A_1297 = tpu.memref_squeeze %dma_wait3A_1296 : memref<1x50x128xf32, #tpu.memory_space<hbm>> -> memref<50x128xf32, #tpu.memory_space<hbm>>
      %dma_wait3A_1298 = arith.constant 0 : i32
      %dma_wait3A_1299 = arith.constant 0 : i32
      %dma_wait3A_1300 = tpu.memref_slice %arg6[%select_n3A_1284, %dma_wait3A_1298, %dma_wait3A_1299] : memref<8x50x128xf32, #tpu.memory_space<vmem>> -> memref<1x50x128xf32, #tpu.memory_space<vmem>>
      %dma_wait3A_1301 = tpu.memref_squeeze %dma_wait3A_1300 : memref<1x50x128xf32, #tpu.memory_space<vmem>> -> memref<50x128xf32, #tpu.memory_space<vmem>>
      tpu.wait_dma2 semaphore(%arg8 : memref<!tpu.dma_semaphore, #tpu.memory_space<semaphore_mem>>) src(%dma_wait3A_1301 : memref<50x128xf32, #tpu.memory_space<vmem>>) dst(%dma_wait3A_1297 : memref<50x128xf32, #tpu.memory_space<hbm>>)
      %add3A_1302 = arith.constant 5 : i32
      %add3A_1303 = arith.addi %add3A_1238, %add3A_1302 : i32
      %jit3A_1304 = arith.constant 8 : i32
      %eq3A_1305 = arith.constant 0 : i32
      %eq3A_1306 = arith.cmpi eq, %jit3A_1304, %eq3A_1305 : i32
      %jit3A_1307 = arith.constant 1 : i32
      %select_n3A_1308 = arith.select %eq3A_1306, %jit3A_1307, %jit3A_1304 : i32
      %rem3A_1309 = arith.remsi %add3A_1303, %select_n3A_1308 : i32
      %ne3A_1310 = arith.constant 0 : i32
      %ne3A_1311 = arith.cmpi ne, %rem3A_1309, %ne3A_1310 : i32
      %lt3A_1312 = arith.constant 0 : i32
      %lt3A_1313 = arith.cmpi slt, %rem3A_1309, %lt3A_1312 : i32
      %lt3A_1314 = arith.constant 0 : i32
      %lt3A_1315 = arith.cmpi slt, %select_n3A_1308, %lt3A_1314 : i32
      %ne3A_1316 = arith.xori %lt3A_1313, %lt3A_1315 : i1
      %and3A_1317 = arith.andi %ne3A_1316, %ne3A_1311 : i1
      %add3A_1318 = arith.addi %rem3A_1309, %select_n3A_1308 : i32
      %select_n3A_1319 = arith.select %and3A_1317, %add3A_1318, %rem3A_1309 : i32
      %dma_start3A_1320 = arith.constant 0 : i32
      %dma_start3A_1321 = arith.constant 0 : i32
      %dma_start3A_1322 = tpu.memref_slice %arg6[%select_n3A_1319, %dma_start3A_1320, %dma_start3A_1321] : memref<8x50x128xf32, #tpu.memory_space<vmem>> -> memref<1x50x128xf32, #tpu.memory_space<vmem>>
      %dma_start3A_1323 = tpu.memref_squeeze %dma_start3A_1322 : memref<1x50x128xf32, #tpu.memory_space<vmem>> -> memref<50x128xf32, #tpu.memory_space<vmem>>
      %dma_start3A_1324 = arith.constant 0 : i32
      %dma_start3A_1325 = tpu.memref_slice %arg5[%add3A_1303, %dma_start3A_1324] : memref<512x128xi32, #tpu.memory_space<vmem>> -> memref<1x50xi32, #tpu.memory_space<vmem>>
      %dma_start3A_1326 = tpu.memref_squeeze %dma_start3A_1325 : memref<1x50xi32, #tpu.memory_space<vmem>> -> memref<50xi32, #tpu.memory_space<vmem>>
      %dma_start3A_1327 = arith.constant 0 : i32
      %dma_start3A_1328 = arith.constant 0 : i32
      %dma_start3A_1329 = tpu.memref_slice %arg2[%dma_start3A_1327, %dma_start3A_1328] : memref<100001x128xf32, #tpu.memory_space<hbm>> -> memref<100001x128xf32, #tpu.memory_space<hbm>>
      tpu.enqueue_indirect_dma source(%dma_start3A_1329 : memref<100001x128xf32, #tpu.memory_space<hbm>>) target(%dma_start3A_1323 : memref<50x128xf32, #tpu.memory_space<vmem>>) offsets(%dma_start3A_1326 : memref<50xi32, #tpu.memory_space<vmem>>) semaphore(%arg7 : memref<!tpu.dma_semaphore, #tpu.memory_space<semaphore_mem>>)
      %jit3A_1330 = arith.constant 8 : i32
      %eq3A_1331 = arith.constant 0 : i32
      %eq3A_1332 = arith.cmpi eq, %jit3A_1330, %eq3A_1331 : i32
      %jit3A_1333 = arith.constant 1 : i32
      %select_n3A_1334 = arith.select %eq3A_1332, %jit3A_1333, %jit3A_1330 : i32
      %rem3A_1335 = arith.remsi %add3A_1238, %select_n3A_1334 : i32
      %ne3A_1336 = arith.constant 0 : i32
      %ne3A_1337 = arith.cmpi ne, %rem3A_1335, %ne3A_1336 : i32
      %lt3A_1338 = arith.constant 0 : i32
      %lt3A_1339 = arith.cmpi slt, %rem3A_1335, %lt3A_1338 : i32
      %lt3A_1340 = arith.constant 0 : i32
      %lt3A_1341 = arith.cmpi slt, %select_n3A_1334, %lt3A_1340 : i32
      %ne3A_1342 = arith.xori %lt3A_1339, %lt3A_1341 : i1
      %and3A_1343 = arith.andi %ne3A_1342, %ne3A_1337 : i1
      %add3A_1344 = arith.addi %rem3A_1335, %select_n3A_1334 : i32
      %select_n3A_1345 = arith.select %and3A_1343, %add3A_1344, %rem3A_1335 : i32
      %add3A_1346 = arith.addi %mul3A_2, %add3A_1238 : i32
      %dma_start3A_1347 = arith.constant 0 : i32
      %dma_start3A_1348 = arith.constant 0 : i32
      %dma_start3A_1349 = tpu.memref_slice %arg6[%select_n3A_1345, %dma_start3A_1347, %dma_start3A_1348] : memref<8x50x128xf32, #tpu.memory_space<vmem>> -> memref<1x50x128xf32, #tpu.memory_space<vmem>>
      %dma_start3A_1350 = tpu.memref_squeeze %dma_start3A_1349 : memref<1x50x128xf32, #tpu.memory_space<vmem>> -> memref<50x128xf32, #tpu.memory_space<vmem>>
      %dma_start3A_1351 = arith.constant 0 : i32
      %dma_start3A_1352 = arith.constant 0 : i32
      %dma_start3A_1353 = tpu.memref_slice %arg4[%add3A_1346, %dma_start3A_1351, %dma_start3A_1352] : memref<16384x50x128xf32, #tpu.memory_space<hbm>> -> memref<1x50x128xf32, #tpu.memory_space<hbm>>
      %dma_start3A_1354 = tpu.memref_squeeze %dma_start3A_1353 : memref<1x50x128xf32, #tpu.memory_space<hbm>> -> memref<50x128xf32, #tpu.memory_space<hbm>>
      %dma_start3A_1355 = arith.constant 0 : i32
      %dma_start3A_1356 = arith.constant 0 : i32
      %dma_start3A_1357 = tpu.memref_slice %arg4[%add3A_1346, %dma_start3A_1355, %dma_start3A_1356] : memref<16384x50x128xf32, #tpu.memory_space<hbm>> -> memref<1x50x128xf32, #tpu.memory_space<hbm>>
      %dma_start3A_1358 = tpu.memref_squeeze %dma_start3A_1357 : memref<1x50x128xf32, #tpu.memory_space<hbm>> -> memref<50x128xf32, #tpu.memory_space<hbm>>
      %dma_start3A_1359 = arith.constant 0 : i32
      %dma_start3A_1360 = arith.constant 0 : i32
      %dma_start3A_1361 = tpu.memref_slice %arg6[%select_n3A_1345, %dma_start3A_1359, %dma_start3A_1360] : memref<8x50x128xf32, #tpu.memory_space<vmem>> -> memref<1x50x128xf32, #tpu.memory_space<vmem>>
      %dma_start3A_1362 = tpu.memref_squeeze %dma_start3A_1361 : memref<1x50x128xf32, #tpu.memory_space<vmem>> -> memref<50x128xf32, #tpu.memory_space<vmem>>
      tpu.enqueue_dma source(%dma_start3A_1362 : memref<50x128xf32, #tpu.memory_space<vmem>>) target(%dma_start3A_1358 : memref<50x128xf32, #tpu.memory_space<hbm>>) target_semaphore(%arg8 : memref<!tpu.dma_semaphore, #tpu.memory_space<semaphore_mem>>)
      %mul3A_1363 = arith.constant 8 : i32
      %mul3A_1364 = arith.muli %add3A_858, %mul3A_1363 : i32
      %add3A_1365 = arith.constant 4 : i32
      %add3A_1366 = arith.addi %mul3A_1364, %add3A_1365 : i32
      %jit3A_1367 = arith.constant 8 : i32
      %eq3A_1368 = arith.constant 0 : i32
      %eq3A_1369 = arith.cmpi eq, %jit3A_1367, %eq3A_1368 : i32
      %jit3A_1370 = arith.constant 1 : i32
      %select_n3A_1371 = arith.select %eq3A_1369, %jit3A_1370, %jit3A_1367 : i32
      %rem3A_1372 = arith.remsi %add3A_1366, %select_n3A_1371 : i32
      %ne3A_1373 = arith.constant 0 : i32
      %ne3A_1374 = arith.cmpi ne, %rem3A_1372, %ne3A_1373 : i32
      %lt3A_1375 = arith.constant 0 : i32
      %lt3A_1376 = arith.cmpi slt, %rem3A_1372, %lt3A_1375 : i32
      %lt3A_1377 = arith.constant 0 : i32
      %lt3A_1378 = arith.cmpi slt, %select_n3A_1371, %lt3A_1377 : i32
      %ne3A_1379 = arith.xori %lt3A_1376, %lt3A_1378 : i1
      %and3A_1380 = arith.andi %ne3A_1379, %ne3A_1374 : i1
      %add3A_1381 = arith.addi %rem3A_1372, %select_n3A_1371 : i32
      %select_n3A_1382 = arith.select %and3A_1380, %add3A_1381, %rem3A_1372 : i32
      %dma_wait3A_1383 = arith.constant 0 : i32
      %dma_wait3A_1384 = arith.constant 0 : i32
      %dma_wait3A_1385 = tpu.memref_slice %arg6[%select_n3A_1382, %dma_wait3A_1383, %dma_wait3A_1384] : memref<8x50x128xf32, #tpu.memory_space<vmem>> -> memref<1x50x128xf32, #tpu.memory_space<vmem>>
      %dma_wait3A_1386 = tpu.memref_squeeze %dma_wait3A_1385 : memref<1x50x128xf32, #tpu.memory_space<vmem>> -> memref<50x128xf32, #tpu.memory_space<vmem>>
      %dma_wait3A_1387 = arith.constant 0 : i32
      %dma_wait3A_1388 = tpu.memref_slice %arg5[%add3A_1366, %dma_wait3A_1387] : memref<512x128xi32, #tpu.memory_space<vmem>> -> memref<1x50xi32, #tpu.memory_space<vmem>>
      %dma_wait3A_1389 = tpu.memref_squeeze %dma_wait3A_1388 : memref<1x50xi32, #tpu.memory_space<vmem>> -> memref<50xi32, #tpu.memory_space<vmem>>
      %dma_wait3A_1390 = arith.constant 0 : i32
      %dma_wait3A_1391 = arith.constant 0 : i32
      %dma_wait3A_1392 = tpu.memref_slice %arg2[%dma_wait3A_1390, %dma_wait3A_1391] : memref<100001x128xf32, #tpu.memory_space<hbm>> -> memref<100001x128xf32, #tpu.memory_space<hbm>>
      tpu.wait_indirect_dma semaphore(%arg7 : memref<!tpu.dma_semaphore, #tpu.memory_space<semaphore_mem>>) src(%dma_wait3A_1392 : memref<100001x128xf32, #tpu.memory_space<hbm>>) dst(%dma_wait3A_1386 : memref<50x128xf32, #tpu.memory_space<vmem>>)
      %add3A_1393 = arith.constant 5 : i32
      %add3A_1394 = arith.addi %add3A_1366, %add3A_1393 : i32
      %sub3A_1395 = arith.constant 8 : i32
      %sub3A_1396 = arith.subi %add3A_1394, %sub3A_1395 : i32
      %jit3A_1397 = arith.constant 8 : i32
      %eq3A_1398 = arith.constant 0 : i32
      %eq3A_1399 = arith.cmpi eq, %jit3A_1397, %eq3A_1398 : i32
      %jit3A_1400 = arith.constant 1 : i32
      %select_n3A_1401 = arith.select %eq3A_1399, %jit3A_1400, %jit3A_1397 : i32
      %rem3A_1402 = arith.remsi %sub3A_1396, %select_n3A_1401 : i32
      %ne3A_1403 = arith.constant 0 : i32
      %ne3A_1404 = arith.cmpi ne, %rem3A_1402, %ne3A_1403 : i32
      %lt3A_1405 = arith.constant 0 : i32
      %lt3A_1406 = arith.cmpi slt, %rem3A_1402, %lt3A_1405 : i32
      %lt3A_1407 = arith.constant 0 : i32
      %lt3A_1408 = arith.cmpi slt, %select_n3A_1401, %lt3A_1407 : i32
      %ne3A_1409 = arith.xori %lt3A_1406, %lt3A_1408 : i1
      %and3A_1410 = arith.andi %ne3A_1409, %ne3A_1404 : i1
      %add3A_1411 = arith.addi %rem3A_1402, %select_n3A_1401 : i32
      %select_n3A_1412 = arith.select %and3A_1410, %add3A_1411, %rem3A_1402 : i32
      %add3A_1413 = arith.addi %mul3A_2, %sub3A_1396 : i32
      %dma_wait3A_1414 = arith.constant 0 : i32
      %dma_wait3A_1415 = arith.constant 0 : i32
      %dma_wait3A_1416 = tpu.memref_slice %arg6[%select_n3A_1412, %dma_wait3A_1414, %dma_wait3A_1415] : memref<8x50x128xf32, #tpu.memory_space<vmem>> -> memref<1x50x128xf32, #tpu.memory_space<vmem>>
      %dma_wait3A_1417 = tpu.memref_squeeze %dma_wait3A_1416 : memref<1x50x128xf32, #tpu.memory_space<vmem>> -> memref<50x128xf32, #tpu.memory_space<vmem>>
      %dma_wait3A_1418 = arith.constant 0 : i32
      %dma_wait3A_1419 = arith.constant 0 : i32
      %dma_wait3A_1420 = tpu.memref_slice %arg4[%add3A_1413, %dma_wait3A_1418, %dma_wait3A_1419] : memref<16384x50x128xf32, #tpu.memory_space<hbm>> -> memref<1x50x128xf32, #tpu.memory_space<hbm>>
      %dma_wait3A_1421 = tpu.memref_squeeze %dma_wait3A_1420 : memref<1x50x128xf32, #tpu.memory_space<hbm>> -> memref<50x128xf32, #tpu.memory_space<hbm>>
      %dma_wait3A_1422 = arith.constant 0 : i32
      %dma_wait3A_1423 = arith.constant 0 : i32
      %dma_wait3A_1424 = tpu.memref_slice %arg4[%add3A_1413, %dma_wait3A_1422, %dma_wait3A_1423] : memref<16384x50x128xf32, #tpu.memory_space<hbm>> -> memref<1x50x128xf32, #tpu.memory_space<hbm>>
      %dma_wait3A_1425 = tpu.memref_squeeze %dma_wait3A_1424 : memref<1x50x128xf32, #tpu.memory_space<hbm>> -> memref<50x128xf32, #tpu.memory_space<hbm>>
      %dma_wait3A_1426 = arith.constant 0 : i32
      %dma_wait3A_1427 = arith.constant 0 : i32
      %dma_wait3A_1428 = tpu.memref_slice %arg6[%select_n3A_1412, %dma_wait3A_1426, %dma_wait3A_1427] : memref<8x50x128xf32, #tpu.memory_space<vmem>> -> memref<1x50x128xf32, #tpu.memory_space<vmem>>
      %dma_wait3A_1429 = tpu.memref_squeeze %dma_wait3A_1428 : memref<1x50x128xf32, #tpu.memory_space<vmem>> -> memref<50x128xf32, #tpu.memory_space<vmem>>
      tpu.wait_dma2 semaphore(%arg8 : memref<!tpu.dma_semaphore, #tpu.memory_space<semaphore_mem>>) src(%dma_wait3A_1429 : memref<50x128xf32, #tpu.memory_space<vmem>>) dst(%dma_wait3A_1425 : memref<50x128xf32, #tpu.memory_space<hbm>>)
      %add3A_1430 = arith.constant 5 : i32
      %add3A_1431 = arith.addi %add3A_1366, %add3A_1430 : i32
      %jit3A_1432 = arith.constant 8 : i32
      %eq3A_1433 = arith.constant 0 : i32
      %eq3A_1434 = arith.cmpi eq, %jit3A_1432, %eq3A_1433 : i32
      %jit3A_1435 = arith.constant 1 : i32
      %select_n3A_1436 = arith.select %eq3A_1434, %jit3A_1435, %jit3A_1432 : i32
      %rem3A_1437 = arith.remsi %add3A_1431, %select_n3A_1436 : i32
      %ne3A_1438 = arith.constant 0 : i32
      %ne3A_1439 = arith.cmpi ne, %rem3A_1437, %ne3A_1438 : i32
      %lt3A_1440 = arith.constant 0 : i32
      %lt3A_1441 = arith.cmpi slt, %rem3A_1437, %lt3A_1440 : i32
      %lt3A_1442 = arith.constant 0 : i32
      %lt3A_1443 = arith.cmpi slt, %select_n3A_1436, %lt3A_1442 : i32
      %ne3A_1444 = arith.xori %lt3A_1441, %lt3A_1443 : i1
      %and3A_1445 = arith.andi %ne3A_1444, %ne3A_1439 : i1
      %add3A_1446 = arith.addi %rem3A_1437, %select_n3A_1436 : i32
      %select_n3A_1447 = arith.select %and3A_1445, %add3A_1446, %rem3A_1437 : i32
      %dma_start3A_1448 = arith.constant 0 : i32
      %dma_start3A_1449 = arith.constant 0 : i32
      %dma_start3A_1450 = tpu.memref_slice %arg6[%select_n3A_1447, %dma_start3A_1448, %dma_start3A_1449] : memref<8x50x128xf32, #tpu.memory_space<vmem>> -> memref<1x50x128xf32, #tpu.memory_space<vmem>>
      %dma_start3A_1451 = tpu.memref_squeeze %dma_start3A_1450 : memref<1x50x128xf32, #tpu.memory_space<vmem>> -> memref<50x128xf32, #tpu.memory_space<vmem>>
      %dma_start3A_1452 = arith.constant 0 : i32
      %dma_start3A_1453 = tpu.memref_slice %arg5[%add3A_1431, %dma_start3A_1452] : memref<512x128xi32, #tpu.memory_space<vmem>> -> memref<1x50xi32, #tpu.memory_space<vmem>>
      %dma_start3A_1454 = tpu.memref_squeeze %dma_start3A_1453 : memref<1x50xi32, #tpu.memory_space<vmem>> -> memref<50xi32, #tpu.memory_space<vmem>>
      %dma_start3A_1455 = arith.constant 0 : i32
      %dma_start3A_1456 = arith.constant 0 : i32
      %dma_start3A_1457 = tpu.memref_slice %arg2[%dma_start3A_1455, %dma_start3A_1456] : memref<100001x128xf32, #tpu.memory_space<hbm>> -> memref<100001x128xf32, #tpu.memory_space<hbm>>
      tpu.enqueue_indirect_dma source(%dma_start3A_1457 : memref<100001x128xf32, #tpu.memory_space<hbm>>) target(%dma_start3A_1451 : memref<50x128xf32, #tpu.memory_space<vmem>>) offsets(%dma_start3A_1454 : memref<50xi32, #tpu.memory_space<vmem>>) semaphore(%arg7 : memref<!tpu.dma_semaphore, #tpu.memory_space<semaphore_mem>>)
      %jit3A_1458 = arith.constant 8 : i32
      %eq3A_1459 = arith.constant 0 : i32
      %eq3A_1460 = arith.cmpi eq, %jit3A_1458, %eq3A_1459 : i32
      %jit3A_1461 = arith.constant 1 : i32
      %select_n3A_1462 = arith.select %eq3A_1460, %jit3A_1461, %jit3A_1458 : i32
      %rem3A_1463 = arith.remsi %add3A_1366, %select_n3A_1462 : i32
      %ne3A_1464 = arith.constant 0 : i32
      %ne3A_1465 = arith.cmpi ne, %rem3A_1463, %ne3A_1464 : i32
      %lt3A_1466 = arith.constant 0 : i32
      %lt3A_1467 = arith.cmpi slt, %rem3A_1463, %lt3A_1466 : i32
      %lt3A_1468 = arith.constant 0 : i32
      %lt3A_1469 = arith.cmpi slt, %select_n3A_1462, %lt3A_1468 : i32
      %ne3A_1470 = arith.xori %lt3A_1467, %lt3A_1469 : i1
      %and3A_1471 = arith.andi %ne3A_1470, %ne3A_1465 : i1
      %add3A_1472 = arith.addi %rem3A_1463, %select_n3A_1462 : i32
      %select_n3A_1473 = arith.select %and3A_1471, %add3A_1472, %rem3A_1463 : i32
      %add3A_1474 = arith.addi %mul3A_2, %add3A_1366 : i32
      %dma_start3A_1475 = arith.constant 0 : i32
      %dma_start3A_1476 = arith.constant 0 : i32
      %dma_start3A_1477 = tpu.memref_slice %arg6[%select_n3A_1473, %dma_start3A_1475, %dma_start3A_1476] : memref<8x50x128xf32, #tpu.memory_space<vmem>> -> memref<1x50x128xf32, #tpu.memory_space<vmem>>
      %dma_start3A_1478 = tpu.memref_squeeze %dma_start3A_1477 : memref<1x50x128xf32, #tpu.memory_space<vmem>> -> memref<50x128xf32, #tpu.memory_space<vmem>>
      %dma_start3A_1479 = arith.constant 0 : i32
      %dma_start3A_1480 = arith.constant 0 : i32
      %dma_start3A_1481 = tpu.memref_slice %arg4[%add3A_1474, %dma_start3A_1479, %dma_start3A_1480] : memref<16384x50x128xf32, #tpu.memory_space<hbm>> -> memref<1x50x128xf32, #tpu.memory_space<hbm>>
      %dma_start3A_1482 = tpu.memref_squeeze %dma_start3A_1481 : memref<1x50x128xf32, #tpu.memory_space<hbm>> -> memref<50x128xf32, #tpu.memory_space<hbm>>
      %dma_start3A_1483 = arith.constant 0 : i32
      %dma_start3A_1484 = arith.constant 0 : i32
      %dma_start3A_1485 = tpu.memref_slice %arg4[%add3A_1474, %dma_start3A_1483, %dma_start3A_1484] : memref<16384x50x128xf32, #tpu.memory_space<hbm>> -> memref<1x50x128xf32, #tpu.memory_space<hbm>>
      %dma_start3A_1486 = tpu.memref_squeeze %dma_start3A_1485 : memref<1x50x128xf32, #tpu.memory_space<hbm>> -> memref<50x128xf32, #tpu.memory_space<hbm>>
      %dma_start3A_1487 = arith.constant 0 : i32
      %dma_start3A_1488 = arith.constant 0 : i32
      %dma_start3A_1489 = tpu.memref_slice %arg6[%select_n3A_1473, %dma_start3A_1487, %dma_start3A_1488] : memref<8x50x128xf32, #tpu.memory_space<vmem>> -> memref<1x50x128xf32, #tpu.memory_space<vmem>>
      %dma_start3A_1490 = tpu.memref_squeeze %dma_start3A_1489 : memref<1x50x128xf32, #tpu.memory_space<vmem>> -> memref<50x128xf32, #tpu.memory_space<vmem>>
      tpu.enqueue_dma source(%dma_start3A_1490 : memref<50x128xf32, #tpu.memory_space<vmem>>) target(%dma_start3A_1486 : memref<50x128xf32, #tpu.memory_space<hbm>>) target_semaphore(%arg8 : memref<!tpu.dma_semaphore, #tpu.memory_space<semaphore_mem>>)
      %mul3A_1491 = arith.constant 8 : i32
      %mul3A_1492 = arith.muli %add3A_858, %mul3A_1491 : i32
      %add3A_1493 = arith.constant 5 : i32
      %add3A_1494 = arith.addi %mul3A_1492, %add3A_1493 : i32
      %jit3A_1495 = arith.constant 8 : i32
      %eq3A_1496 = arith.constant 0 : i32
      %eq3A_1497 = arith.cmpi eq, %jit3A_1495, %eq3A_1496 : i32
      %jit3A_1498 = arith.constant 1 : i32
      %select_n3A_1499 = arith.select %eq3A_1497, %jit3A_1498, %jit3A_1495 : i32
      %rem3A_1500 = arith.remsi %add3A_1494, %select_n3A_1499 : i32
      %ne3A_1501 = arith.constant 0 : i32
      %ne3A_1502 = arith.cmpi ne, %rem3A_1500, %ne3A_1501 : i32
      %lt3A_1503 = arith.constant 0 : i32
      %lt3A_1504 = arith.cmpi slt, %rem3A_1500, %lt3A_1503 : i32
      %lt3A_1505 = arith.constant 0 : i32
      %lt3A_1506 = arith.cmpi slt, %select_n3A_1499, %lt3A_1505 : i32
      %ne3A_1507 = arith.xori %lt3A_1504, %lt3A_1506 : i1
      %and3A_1508 = arith.andi %ne3A_1507, %ne3A_1502 : i1
      %add3A_1509 = arith.addi %rem3A_1500, %select_n3A_1499 : i32
      %select_n3A_1510 = arith.select %and3A_1508, %add3A_1509, %rem3A_1500 : i32
      %dma_wait3A_1511 = arith.constant 0 : i32
      %dma_wait3A_1512 = arith.constant 0 : i32
      %dma_wait3A_1513 = tpu.memref_slice %arg6[%select_n3A_1510, %dma_wait3A_1511, %dma_wait3A_1512] : memref<8x50x128xf32, #tpu.memory_space<vmem>> -> memref<1x50x128xf32, #tpu.memory_space<vmem>>
      %dma_wait3A_1514 = tpu.memref_squeeze %dma_wait3A_1513 : memref<1x50x128xf32, #tpu.memory_space<vmem>> -> memref<50x128xf32, #tpu.memory_space<vmem>>
      %dma_wait3A_1515 = arith.constant 0 : i32
      %dma_wait3A_1516 = tpu.memref_slice %arg5[%add3A_1494, %dma_wait3A_1515] : memref<512x128xi32, #tpu.memory_space<vmem>> -> memref<1x50xi32, #tpu.memory_space<vmem>>
      %dma_wait3A_1517 = tpu.memref_squeeze %dma_wait3A_1516 : memref<1x50xi32, #tpu.memory_space<vmem>> -> memref<50xi32, #tpu.memory_space<vmem>>
      %dma_wait3A_1518 = arith.constant 0 : i32
      %dma_wait3A_1519 = arith.constant 0 : i32
      %dma_wait3A_1520 = tpu.memref_slice %arg2[%dma_wait3A_1518, %dma_wait3A_1519] : memref<100001x128xf32, #tpu.memory_space<hbm>> -> memref<100001x128xf32, #tpu.memory_space<hbm>>
      tpu.wait_indirect_dma semaphore(%arg7 : memref<!tpu.dma_semaphore, #tpu.memory_space<semaphore_mem>>) src(%dma_wait3A_1520 : memref<100001x128xf32, #tpu.memory_space<hbm>>) dst(%dma_wait3A_1514 : memref<50x128xf32, #tpu.memory_space<vmem>>)
      %add3A_1521 = arith.constant 5 : i32
      %add3A_1522 = arith.addi %add3A_1494, %add3A_1521 : i32
      %sub3A_1523 = arith.constant 8 : i32
      %sub3A_1524 = arith.subi %add3A_1522, %sub3A_1523 : i32
      %jit3A_1525 = arith.constant 8 : i32
      %eq3A_1526 = arith.constant 0 : i32
      %eq3A_1527 = arith.cmpi eq, %jit3A_1525, %eq3A_1526 : i32
      %jit3A_1528 = arith.constant 1 : i32
      %select_n3A_1529 = arith.select %eq3A_1527, %jit3A_1528, %jit3A_1525 : i32
      %rem3A_1530 = arith.remsi %sub3A_1524, %select_n3A_1529 : i32
      %ne3A_1531 = arith.constant 0 : i32
      %ne3A_1532 = arith.cmpi ne, %rem3A_1530, %ne3A_1531 : i32
      %lt3A_1533 = arith.constant 0 : i32
      %lt3A_1534 = arith.cmpi slt, %rem3A_1530, %lt3A_1533 : i32
      %lt3A_1535 = arith.constant 0 : i32
      %lt3A_1536 = arith.cmpi slt, %select_n3A_1529, %lt3A_1535 : i32
      %ne3A_1537 = arith.xori %lt3A_1534, %lt3A_1536 : i1
      %and3A_1538 = arith.andi %ne3A_1537, %ne3A_1532 : i1
      %add3A_1539 = arith.addi %rem3A_1530, %select_n3A_1529 : i32
      %select_n3A_1540 = arith.select %and3A_1538, %add3A_1539, %rem3A_1530 : i32
      %add3A_1541 = arith.addi %mul3A_2, %sub3A_1524 : i32
      %dma_wait3A_1542 = arith.constant 0 : i32
      %dma_wait3A_1543 = arith.constant 0 : i32
      %dma_wait3A_1544 = tpu.memref_slice %arg6[%select_n3A_1540, %dma_wait3A_1542, %dma_wait3A_1543] : memref<8x50x128xf32, #tpu.memory_space<vmem>> -> memref<1x50x128xf32, #tpu.memory_space<vmem>>
      %dma_wait3A_1545 = tpu.memref_squeeze %dma_wait3A_1544 : memref<1x50x128xf32, #tpu.memory_space<vmem>> -> memref<50x128xf32, #tpu.memory_space<vmem>>
      %dma_wait3A_1546 = arith.constant 0 : i32
      %dma_wait3A_1547 = arith.constant 0 : i32
      %dma_wait3A_1548 = tpu.memref_slice %arg4[%add3A_1541, %dma_wait3A_1546, %dma_wait3A_1547] : memref<16384x50x128xf32, #tpu.memory_space<hbm>> -> memref<1x50x128xf32, #tpu.memory_space<hbm>>
      %dma_wait3A_1549 = tpu.memref_squeeze %dma_wait3A_1548 : memref<1x50x128xf32, #tpu.memory_space<hbm>> -> memref<50x128xf32, #tpu.memory_space<hbm>>
      %dma_wait3A_1550 = arith.constant 0 : i32
      %dma_wait3A_1551 = arith.constant 0 : i32
      %dma_wait3A_1552 = tpu.memref_slice %arg4[%add3A_1541, %dma_wait3A_1550, %dma_wait3A_1551] : memref<16384x50x128xf32, #tpu.memory_space<hbm>> -> memref<1x50x128xf32, #tpu.memory_space<hbm>>
      %dma_wait3A_1553 = tpu.memref_squeeze %dma_wait3A_1552 : memref<1x50x128xf32, #tpu.memory_space<hbm>> -> memref<50x128xf32, #tpu.memory_space<hbm>>
      %dma_wait3A_1554 = arith.constant 0 : i32
      %dma_wait3A_1555 = arith.constant 0 : i32
      %dma_wait3A_1556 = tpu.memref_slice %arg6[%select_n3A_1540, %dma_wait3A_1554, %dma_wait3A_1555] : memref<8x50x128xf32, #tpu.memory_space<vmem>> -> memref<1x50x128xf32, #tpu.memory_space<vmem>>
      %dma_wait3A_1557 = tpu.memref_squeeze %dma_wait3A_1556 : memref<1x50x128xf32, #tpu.memory_space<vmem>> -> memref<50x128xf32, #tpu.memory_space<vmem>>
      tpu.wait_dma2 semaphore(%arg8 : memref<!tpu.dma_semaphore, #tpu.memory_space<semaphore_mem>>) src(%dma_wait3A_1557 : memref<50x128xf32, #tpu.memory_space<vmem>>) dst(%dma_wait3A_1553 : memref<50x128xf32, #tpu.memory_space<hbm>>)
      %add3A_1558 = arith.constant 5 : i32
      %add3A_1559 = arith.addi %add3A_1494, %add3A_1558 : i32
      %jit3A_1560 = arith.constant 8 : i32
      %eq3A_1561 = arith.constant 0 : i32
      %eq3A_1562 = arith.cmpi eq, %jit3A_1560, %eq3A_1561 : i32
      %jit3A_1563 = arith.constant 1 : i32
      %select_n3A_1564 = arith.select %eq3A_1562, %jit3A_1563, %jit3A_1560 : i32
      %rem3A_1565 = arith.remsi %add3A_1559, %select_n3A_1564 : i32
      %ne3A_1566 = arith.constant 0 : i32
      %ne3A_1567 = arith.cmpi ne, %rem3A_1565, %ne3A_1566 : i32
      %lt3A_1568 = arith.constant 0 : i32
      %lt3A_1569 = arith.cmpi slt, %rem3A_1565, %lt3A_1568 : i32
      %lt3A_1570 = arith.constant 0 : i32
      %lt3A_1571 = arith.cmpi slt, %select_n3A_1564, %lt3A_1570 : i32
      %ne3A_1572 = arith.xori %lt3A_1569, %lt3A_1571 : i1
      %and3A_1573 = arith.andi %ne3A_1572, %ne3A_1567 : i1
      %add3A_1574 = arith.addi %rem3A_1565, %select_n3A_1564 : i32
      %select_n3A_1575 = arith.select %and3A_1573, %add3A_1574, %rem3A_1565 : i32
      %dma_start3A_1576 = arith.constant 0 : i32
      %dma_start3A_1577 = arith.constant 0 : i32
      %dma_start3A_1578 = tpu.memref_slice %arg6[%select_n3A_1575, %dma_start3A_1576, %dma_start3A_1577] : memref<8x50x128xf32, #tpu.memory_space<vmem>> -> memref<1x50x128xf32, #tpu.memory_space<vmem>>
      %dma_start3A_1579 = tpu.memref_squeeze %dma_start3A_1578 : memref<1x50x128xf32, #tpu.memory_space<vmem>> -> memref<50x128xf32, #tpu.memory_space<vmem>>
      %dma_start3A_1580 = arith.constant 0 : i32
      %dma_start3A_1581 = tpu.memref_slice %arg5[%add3A_1559, %dma_start3A_1580] : memref<512x128xi32, #tpu.memory_space<vmem>> -> memref<1x50xi32, #tpu.memory_space<vmem>>
      %dma_start3A_1582 = tpu.memref_squeeze %dma_start3A_1581 : memref<1x50xi32, #tpu.memory_space<vmem>> -> memref<50xi32, #tpu.memory_space<vmem>>
      %dma_start3A_1583 = arith.constant 0 : i32
      %dma_start3A_1584 = arith.constant 0 : i32
      %dma_start3A_1585 = tpu.memref_slice %arg2[%dma_start3A_1583, %dma_start3A_1584] : memref<100001x128xf32, #tpu.memory_space<hbm>> -> memref<100001x128xf32, #tpu.memory_space<hbm>>
      tpu.enqueue_indirect_dma source(%dma_start3A_1585 : memref<100001x128xf32, #tpu.memory_space<hbm>>) target(%dma_start3A_1579 : memref<50x128xf32, #tpu.memory_space<vmem>>) offsets(%dma_start3A_1582 : memref<50xi32, #tpu.memory_space<vmem>>) semaphore(%arg7 : memref<!tpu.dma_semaphore, #tpu.memory_space<semaphore_mem>>)
      %jit3A_1586 = arith.constant 8 : i32
      %eq3A_1587 = arith.constant 0 : i32
      %eq3A_1588 = arith.cmpi eq, %jit3A_1586, %eq3A_1587 : i32
      %jit3A_1589 = arith.constant 1 : i32
      %select_n3A_1590 = arith.select %eq3A_1588, %jit3A_1589, %jit3A_1586 : i32
      %rem3A_1591 = arith.remsi %add3A_1494, %select_n3A_1590 : i32
      %ne3A_1592 = arith.constant 0 : i32
      %ne3A_1593 = arith.cmpi ne, %rem3A_1591, %ne3A_1592 : i32
      %lt3A_1594 = arith.constant 0 : i32
      %lt3A_1595 = arith.cmpi slt, %rem3A_1591, %lt3A_1594 : i32
      %lt3A_1596 = arith.constant 0 : i32
      %lt3A_1597 = arith.cmpi slt, %select_n3A_1590, %lt3A_1596 : i32
      %ne3A_1598 = arith.xori %lt3A_1595, %lt3A_1597 : i1
      %and3A_1599 = arith.andi %ne3A_1598, %ne3A_1593 : i1
      %add3A_1600 = arith.addi %rem3A_1591, %select_n3A_1590 : i32
      %select_n3A_1601 = arith.select %and3A_1599, %add3A_1600, %rem3A_1591 : i32
      %add3A_1602 = arith.addi %mul3A_2, %add3A_1494 : i32
      %dma_start3A_1603 = arith.constant 0 : i32
      %dma_start3A_1604 = arith.constant 0 : i32
      %dma_start3A_1605 = tpu.memref_slice %arg6[%select_n3A_1601, %dma_start3A_1603, %dma_start3A_1604] : memref<8x50x128xf32, #tpu.memory_space<vmem>> -> memref<1x50x128xf32, #tpu.memory_space<vmem>>
      %dma_start3A_1606 = tpu.memref_squeeze %dma_start3A_1605 : memref<1x50x128xf32, #tpu.memory_space<vmem>> -> memref<50x128xf32, #tpu.memory_space<vmem>>
      %dma_start3A_1607 = arith.constant 0 : i32
      %dma_start3A_1608 = arith.constant 0 : i32
      %dma_start3A_1609 = tpu.memref_slice %arg4[%add3A_1602, %dma_start3A_1607, %dma_start3A_1608] : memref<16384x50x128xf32, #tpu.memory_space<hbm>> -> memref<1x50x128xf32, #tpu.memory_space<hbm>>
      %dma_start3A_1610 = tpu.memref_squeeze %dma_start3A_1609 : memref<1x50x128xf32, #tpu.memory_space<hbm>> -> memref<50x128xf32, #tpu.memory_space<hbm>>
      %dma_start3A_1611 = arith.constant 0 : i32
      %dma_start3A_1612 = arith.constant 0 : i32
      %dma_start3A_1613 = tpu.memref_slice %arg4[%add3A_1602, %dma_start3A_1611, %dma_start3A_1612] : memref<16384x50x128xf32, #tpu.memory_space<hbm>> -> memref<1x50x128xf32, #tpu.memory_space<hbm>>
      %dma_start3A_1614 = tpu.memref_squeeze %dma_start3A_1613 : memref<1x50x128xf32, #tpu.memory_space<hbm>> -> memref<50x128xf32, #tpu.memory_space<hbm>>
      %dma_start3A_1615 = arith.constant 0 : i32
      %dma_start3A_1616 = arith.constant 0 : i32
      %dma_start3A_1617 = tpu.memref_slice %arg6[%select_n3A_1601, %dma_start3A_1615, %dma_start3A_1616] : memref<8x50x128xf32, #tpu.memory_space<vmem>> -> memref<1x50x128xf32, #tpu.memory_space<vmem>>
      %dma_start3A_1618 = tpu.memref_squeeze %dma_start3A_1617 : memref<1x50x128xf32, #tpu.memory_space<vmem>> -> memref<50x128xf32, #tpu.memory_space<vmem>>
      tpu.enqueue_dma source(%dma_start3A_1618 : memref<50x128xf32, #tpu.memory_space<vmem>>) target(%dma_start3A_1614 : memref<50x128xf32, #tpu.memory_space<hbm>>) target_semaphore(%arg8 : memref<!tpu.dma_semaphore, #tpu.memory_space<semaphore_mem>>)
      %mul3A_1619 = arith.constant 8 : i32
      %mul3A_1620 = arith.muli %add3A_858, %mul3A_1619 : i32
      %add3A_1621 = arith.constant 6 : i32
      %add3A_1622 = arith.addi %mul3A_1620, %add3A_1621 : i32
      %jit3A_1623 = arith.constant 8 : i32
      %eq3A_1624 = arith.constant 0 : i32
      %eq3A_1625 = arith.cmpi eq, %jit3A_1623, %eq3A_1624 : i32
      %jit3A_1626 = arith.constant 1 : i32
      %select_n3A_1627 = arith.select %eq3A_1625, %jit3A_1626, %jit3A_1623 : i32
      %rem3A_1628 = arith.remsi %add3A_1622, %select_n3A_1627 : i32
      %ne3A_1629 = arith.constant 0 : i32
      %ne3A_1630 = arith.cmpi ne, %rem3A_1628, %ne3A_1629 : i32
      %lt3A_1631 = arith.constant 0 : i32
      %lt3A_1632 = arith.cmpi slt, %rem3A_1628, %lt3A_1631 : i32
      %lt3A_1633 = arith.constant 0 : i32
      %lt3A_1634 = arith.cmpi slt, %select_n3A_1627, %lt3A_1633 : i32
      %ne3A_1635 = arith.xori %lt3A_1632, %lt3A_1634 : i1
      %and3A_1636 = arith.andi %ne3A_1635, %ne3A_1630 : i1
      %add3A_1637 = arith.addi %rem3A_1628, %select_n3A_1627 : i32
      %select_n3A_1638 = arith.select %and3A_1636, %add3A_1637, %rem3A_1628 : i32
      %dma_wait3A_1639 = arith.constant 0 : i32
      %dma_wait3A_1640 = arith.constant 0 : i32
      %dma_wait3A_1641 = tpu.memref_slice %arg6[%select_n3A_1638, %dma_wait3A_1639, %dma_wait3A_1640] : memref<8x50x128xf32, #tpu.memory_space<vmem>> -> memref<1x50x128xf32, #tpu.memory_space<vmem>>
      %dma_wait3A_1642 = tpu.memref_squeeze %dma_wait3A_1641 : memref<1x50x128xf32, #tpu.memory_space<vmem>> -> memref<50x128xf32, #tpu.memory_space<vmem>>
      %dma_wait3A_1643 = arith.constant 0 : i32
      %dma_wait3A_1644 = tpu.memref_slice %arg5[%add3A_1622, %dma_wait3A_1643] : memref<512x128xi32, #tpu.memory_space<vmem>> -> memref<1x50xi32, #tpu.memory_space<vmem>>
      %dma_wait3A_1645 = tpu.memref_squeeze %dma_wait3A_1644 : memref<1x50xi32, #tpu.memory_space<vmem>> -> memref<50xi32, #tpu.memory_space<vmem>>
      %dma_wait3A_1646 = arith.constant 0 : i32
      %dma_wait3A_1647 = arith.constant 0 : i32
      %dma_wait3A_1648 = tpu.memref_slice %arg2[%dma_wait3A_1646, %dma_wait3A_1647] : memref<100001x128xf32, #tpu.memory_space<hbm>> -> memref<100001x128xf32, #tpu.memory_space<hbm>>
      tpu.wait_indirect_dma semaphore(%arg7 : memref<!tpu.dma_semaphore, #tpu.memory_space<semaphore_mem>>) src(%dma_wait3A_1648 : memref<100001x128xf32, #tpu.memory_space<hbm>>) dst(%dma_wait3A_1642 : memref<50x128xf32, #tpu.memory_space<vmem>>)
      %add3A_1649 = arith.constant 5 : i32
      %add3A_1650 = arith.addi %add3A_1622, %add3A_1649 : i32
      %sub3A_1651 = arith.constant 8 : i32
      %sub3A_1652 = arith.subi %add3A_1650, %sub3A_1651 : i32
      %jit3A_1653 = arith.constant 8 : i32
      %eq3A_1654 = arith.constant 0 : i32
      %eq3A_1655 = arith.cmpi eq, %jit3A_1653, %eq3A_1654 : i32
      %jit3A_1656 = arith.constant 1 : i32
      %select_n3A_1657 = arith.select %eq3A_1655, %jit3A_1656, %jit3A_1653 : i32
      %rem3A_1658 = arith.remsi %sub3A_1652, %select_n3A_1657 : i32
      %ne3A_1659 = arith.constant 0 : i32
      %ne3A_1660 = arith.cmpi ne, %rem3A_1658, %ne3A_1659 : i32
      %lt3A_1661 = arith.constant 0 : i32
      %lt3A_1662 = arith.cmpi slt, %rem3A_1658, %lt3A_1661 : i32
      %lt3A_1663 = arith.constant 0 : i32
      %lt3A_1664 = arith.cmpi slt, %select_n3A_1657, %lt3A_1663 : i32
      %ne3A_1665 = arith.xori %lt3A_1662, %lt3A_1664 : i1
      %and3A_1666 = arith.andi %ne3A_1665, %ne3A_1660 : i1
      %add3A_1667 = arith.addi %rem3A_1658, %select_n3A_1657 : i32
      %select_n3A_1668 = arith.select %and3A_1666, %add3A_1667, %rem3A_1658 : i32
      %add3A_1669 = arith.addi %mul3A_2, %sub3A_1652 : i32
      %dma_wait3A_1670 = arith.constant 0 : i32
      %dma_wait3A_1671 = arith.constant 0 : i32
      %dma_wait3A_1672 = tpu.memref_slice %arg6[%select_n3A_1668, %dma_wait3A_1670, %dma_wait3A_1671] : memref<8x50x128xf32, #tpu.memory_space<vmem>> -> memref<1x50x128xf32, #tpu.memory_space<vmem>>
      %dma_wait3A_1673 = tpu.memref_squeeze %dma_wait3A_1672 : memref<1x50x128xf32, #tpu.memory_space<vmem>> -> memref<50x128xf32, #tpu.memory_space<vmem>>
      %dma_wait3A_1674 = arith.constant 0 : i32
      %dma_wait3A_1675 = arith.constant 0 : i32
      %dma_wait3A_1676 = tpu.memref_slice %arg4[%add3A_1669, %dma_wait3A_1674, %dma_wait3A_1675] : memref<16384x50x128xf32, #tpu.memory_space<hbm>> -> memref<1x50x128xf32, #tpu.memory_space<hbm>>
      %dma_wait3A_1677 = tpu.memref_squeeze %dma_wait3A_1676 : memref<1x50x128xf32, #tpu.memory_space<hbm>> -> memref<50x128xf32, #tpu.memory_space<hbm>>
      %dma_wait3A_1678 = arith.constant 0 : i32
      %dma_wait3A_1679 = arith.constant 0 : i32
      %dma_wait3A_1680 = tpu.memref_slice %arg4[%add3A_1669, %dma_wait3A_1678, %dma_wait3A_1679] : memref<16384x50x128xf32, #tpu.memory_space<hbm>> -> memref<1x50x128xf32, #tpu.memory_space<hbm>>
      %dma_wait3A_1681 = tpu.memref_squeeze %dma_wait3A_1680 : memref<1x50x128xf32, #tpu.memory_space<hbm>> -> memref<50x128xf32, #tpu.memory_space<hbm>>
      %dma_wait3A_1682 = arith.constant 0 : i32
      %dma_wait3A_1683 = arith.constant 0 : i32
      %dma_wait3A_1684 = tpu.memref_slice %arg6[%select_n3A_1668, %dma_wait3A_1682, %dma_wait3A_1683] : memref<8x50x128xf32, #tpu.memory_space<vmem>> -> memref<1x50x128xf32, #tpu.memory_space<vmem>>
      %dma_wait3A_1685 = tpu.memref_squeeze %dma_wait3A_1684 : memref<1x50x128xf32, #tpu.memory_space<vmem>> -> memref<50x128xf32, #tpu.memory_space<vmem>>
      tpu.wait_dma2 semaphore(%arg8 : memref<!tpu.dma_semaphore, #tpu.memory_space<semaphore_mem>>) src(%dma_wait3A_1685 : memref<50x128xf32, #tpu.memory_space<vmem>>) dst(%dma_wait3A_1681 : memref<50x128xf32, #tpu.memory_space<hbm>>)
      %add3A_1686 = arith.constant 5 : i32
      %add3A_1687 = arith.addi %add3A_1622, %add3A_1686 : i32
      %jit3A_1688 = arith.constant 8 : i32
      %eq3A_1689 = arith.constant 0 : i32
      %eq3A_1690 = arith.cmpi eq, %jit3A_1688, %eq3A_1689 : i32
      %jit3A_1691 = arith.constant 1 : i32
      %select_n3A_1692 = arith.select %eq3A_1690, %jit3A_1691, %jit3A_1688 : i32
      %rem3A_1693 = arith.remsi %add3A_1687, %select_n3A_1692 : i32
      %ne3A_1694 = arith.constant 0 : i32
      %ne3A_1695 = arith.cmpi ne, %rem3A_1693, %ne3A_1694 : i32
      %lt3A_1696 = arith.constant 0 : i32
      %lt3A_1697 = arith.cmpi slt, %rem3A_1693, %lt3A_1696 : i32
      %lt3A_1698 = arith.constant 0 : i32
      %lt3A_1699 = arith.cmpi slt, %select_n3A_1692, %lt3A_1698 : i32
      %ne3A_1700 = arith.xori %lt3A_1697, %lt3A_1699 : i1
      %and3A_1701 = arith.andi %ne3A_1700, %ne3A_1695 : i1
      %add3A_1702 = arith.addi %rem3A_1693, %select_n3A_1692 : i32
      %select_n3A_1703 = arith.select %and3A_1701, %add3A_1702, %rem3A_1693 : i32
      %dma_start3A_1704 = arith.constant 0 : i32
      %dma_start3A_1705 = arith.constant 0 : i32
      %dma_start3A_1706 = tpu.memref_slice %arg6[%select_n3A_1703, %dma_start3A_1704, %dma_start3A_1705] : memref<8x50x128xf32, #tpu.memory_space<vmem>> -> memref<1x50x128xf32, #tpu.memory_space<vmem>>
      %dma_start3A_1707 = tpu.memref_squeeze %dma_start3A_1706 : memref<1x50x128xf32, #tpu.memory_space<vmem>> -> memref<50x128xf32, #tpu.memory_space<vmem>>
      %dma_start3A_1708 = arith.constant 0 : i32
      %dma_start3A_1709 = tpu.memref_slice %arg5[%add3A_1687, %dma_start3A_1708] : memref<512x128xi32, #tpu.memory_space<vmem>> -> memref<1x50xi32, #tpu.memory_space<vmem>>
      %dma_start3A_1710 = tpu.memref_squeeze %dma_start3A_1709 : memref<1x50xi32, #tpu.memory_space<vmem>> -> memref<50xi32, #tpu.memory_space<vmem>>
      %dma_start3A_1711 = arith.constant 0 : i32
      %dma_start3A_1712 = arith.constant 0 : i32
      %dma_start3A_1713 = tpu.memref_slice %arg2[%dma_start3A_1711, %dma_start3A_1712] : memref<100001x128xf32, #tpu.memory_space<hbm>> -> memref<100001x128xf32, #tpu.memory_space<hbm>>
      tpu.enqueue_indirect_dma source(%dma_start3A_1713 : memref<100001x128xf32, #tpu.memory_space<hbm>>) target(%dma_start3A_1707 : memref<50x128xf32, #tpu.memory_space<vmem>>) offsets(%dma_start3A_1710 : memref<50xi32, #tpu.memory_space<vmem>>) semaphore(%arg7 : memref<!tpu.dma_semaphore, #tpu.memory_space<semaphore_mem>>)
      %jit3A_1714 = arith.constant 8 : i32
      %eq3A_1715 = arith.constant 0 : i32
      %eq3A_1716 = arith.cmpi eq, %jit3A_1714, %eq3A_1715 : i32
      %jit3A_1717 = arith.constant 1 : i32
      %select_n3A_1718 = arith.select %eq3A_1716, %jit3A_1717, %jit3A_1714 : i32
      %rem3A_1719 = arith.remsi %add3A_1622, %select_n3A_1718 : i32
      %ne3A_1720 = arith.constant 0 : i32
      %ne3A_1721 = arith.cmpi ne, %rem3A_1719, %ne3A_1720 : i32
      %lt3A_1722 = arith.constant 0 : i32
      %lt3A_1723 = arith.cmpi slt, %rem3A_1719, %lt3A_1722 : i32
      %lt3A_1724 = arith.constant 0 : i32
      %lt3A_1725 = arith.cmpi slt, %select_n3A_1718, %lt3A_1724 : i32
      %ne3A_1726 = arith.xori %lt3A_1723, %lt3A_1725 : i1
      %and3A_1727 = arith.andi %ne3A_1726, %ne3A_1721 : i1
      %add3A_1728 = arith.addi %rem3A_1719, %select_n3A_1718 : i32
      %select_n3A_1729 = arith.select %and3A_1727, %add3A_1728, %rem3A_1719 : i32
      %add3A_1730 = arith.addi %mul3A_2, %add3A_1622 : i32
      %dma_start3A_1731 = arith.constant 0 : i32
      %dma_start3A_1732 = arith.constant 0 : i32
      %dma_start3A_1733 = tpu.memref_slice %arg6[%select_n3A_1729, %dma_start3A_1731, %dma_start3A_1732] : memref<8x50x128xf32, #tpu.memory_space<vmem>> -> memref<1x50x128xf32, #tpu.memory_space<vmem>>
      %dma_start3A_1734 = tpu.memref_squeeze %dma_start3A_1733 : memref<1x50x128xf32, #tpu.memory_space<vmem>> -> memref<50x128xf32, #tpu.memory_space<vmem>>
      %dma_start3A_1735 = arith.constant 0 : i32
      %dma_start3A_1736 = arith.constant 0 : i32
      %dma_start3A_1737 = tpu.memref_slice %arg4[%add3A_1730, %dma_start3A_1735, %dma_start3A_1736] : memref<16384x50x128xf32, #tpu.memory_space<hbm>> -> memref<1x50x128xf32, #tpu.memory_space<hbm>>
      %dma_start3A_1738 = tpu.memref_squeeze %dma_start3A_1737 : memref<1x50x128xf32, #tpu.memory_space<hbm>> -> memref<50x128xf32, #tpu.memory_space<hbm>>
      %dma_start3A_1739 = arith.constant 0 : i32
      %dma_start3A_1740 = arith.constant 0 : i32
      %dma_start3A_1741 = tpu.memref_slice %arg4[%add3A_1730, %dma_start3A_1739, %dma_start3A_1740] : memref<16384x50x128xf32, #tpu.memory_space<hbm>> -> memref<1x50x128xf32, #tpu.memory_space<hbm>>
      %dma_start3A_1742 = tpu.memref_squeeze %dma_start3A_1741 : memref<1x50x128xf32, #tpu.memory_space<hbm>> -> memref<50x128xf32, #tpu.memory_space<hbm>>
      %dma_start3A_1743 = arith.constant 0 : i32
      %dma_start3A_1744 = arith.constant 0 : i32
      %dma_start3A_1745 = tpu.memref_slice %arg6[%select_n3A_1729, %dma_start3A_1743, %dma_start3A_1744] : memref<8x50x128xf32, #tpu.memory_space<vmem>> -> memref<1x50x128xf32, #tpu.memory_space<vmem>>
      %dma_start3A_1746 = tpu.memref_squeeze %dma_start3A_1745 : memref<1x50x128xf32, #tpu.memory_space<vmem>> -> memref<50x128xf32, #tpu.memory_space<vmem>>
      tpu.enqueue_dma source(%dma_start3A_1746 : memref<50x128xf32, #tpu.memory_space<vmem>>) target(%dma_start3A_1742 : memref<50x128xf32, #tpu.memory_space<hbm>>) target_semaphore(%arg8 : memref<!tpu.dma_semaphore, #tpu.memory_space<semaphore_mem>>)
      %mul3A_1747 = arith.constant 8 : i32
      %mul3A_1748 = arith.muli %add3A_858, %mul3A_1747 : i32
      %add3A_1749 = arith.constant 7 : i32
      %add3A_1750 = arith.addi %mul3A_1748, %add3A_1749 : i32
      %jit3A_1751 = arith.constant 8 : i32
      %eq3A_1752 = arith.constant 0 : i32
      %eq3A_1753 = arith.cmpi eq, %jit3A_1751, %eq3A_1752 : i32
      %jit3A_1754 = arith.constant 1 : i32
      %select_n3A_1755 = arith.select %eq3A_1753, %jit3A_1754, %jit3A_1751 : i32
      %rem3A_1756 = arith.remsi %add3A_1750, %select_n3A_1755 : i32
      %ne3A_1757 = arith.constant 0 : i32
      %ne3A_1758 = arith.cmpi ne, %rem3A_1756, %ne3A_1757 : i32
      %lt3A_1759 = arith.constant 0 : i32
      %lt3A_1760 = arith.cmpi slt, %rem3A_1756, %lt3A_1759 : i32
      %lt3A_1761 = arith.constant 0 : i32
      %lt3A_1762 = arith.cmpi slt, %select_n3A_1755, %lt3A_1761 : i32
      %ne3A_1763 = arith.xori %lt3A_1760, %lt3A_1762 : i1
      %and3A_1764 = arith.andi %ne3A_1763, %ne3A_1758 : i1
      %add3A_1765 = arith.addi %rem3A_1756, %select_n3A_1755 : i32
      %select_n3A_1766 = arith.select %and3A_1764, %add3A_1765, %rem3A_1756 : i32
      %dma_wait3A_1767 = arith.constant 0 : i32
      %dma_wait3A_1768 = arith.constant 0 : i32
      %dma_wait3A_1769 = tpu.memref_slice %arg6[%select_n3A_1766, %dma_wait3A_1767, %dma_wait3A_1768] : memref<8x50x128xf32, #tpu.memory_space<vmem>> -> memref<1x50x128xf32, #tpu.memory_space<vmem>>
      %dma_wait3A_1770 = tpu.memref_squeeze %dma_wait3A_1769 : memref<1x50x128xf32, #tpu.memory_space<vmem>> -> memref<50x128xf32, #tpu.memory_space<vmem>>
      %dma_wait3A_1771 = arith.constant 0 : i32
      %dma_wait3A_1772 = tpu.memref_slice %arg5[%add3A_1750, %dma_wait3A_1771] : memref<512x128xi32, #tpu.memory_space<vmem>> -> memref<1x50xi32, #tpu.memory_space<vmem>>
      %dma_wait3A_1773 = tpu.memref_squeeze %dma_wait3A_1772 : memref<1x50xi32, #tpu.memory_space<vmem>> -> memref<50xi32, #tpu.memory_space<vmem>>
      %dma_wait3A_1774 = arith.constant 0 : i32
      %dma_wait3A_1775 = arith.constant 0 : i32
      %dma_wait3A_1776 = tpu.memref_slice %arg2[%dma_wait3A_1774, %dma_wait3A_1775] : memref<100001x128xf32, #tpu.memory_space<hbm>> -> memref<100001x128xf32, #tpu.memory_space<hbm>>
      tpu.wait_indirect_dma semaphore(%arg7 : memref<!tpu.dma_semaphore, #tpu.memory_space<semaphore_mem>>) src(%dma_wait3A_1776 : memref<100001x128xf32, #tpu.memory_space<hbm>>) dst(%dma_wait3A_1770 : memref<50x128xf32, #tpu.memory_space<vmem>>)
      %add3A_1777 = arith.constant 5 : i32
      %add3A_1778 = arith.addi %add3A_1750, %add3A_1777 : i32
      %sub3A_1779 = arith.constant 8 : i32
      %sub3A_1780 = arith.subi %add3A_1778, %sub3A_1779 : i32
      %jit3A_1781 = arith.constant 8 : i32
      %eq3A_1782 = arith.constant 0 : i32
      %eq3A_1783 = arith.cmpi eq, %jit3A_1781, %eq3A_1782 : i32
      %jit3A_1784 = arith.constant 1 : i32
      %select_n3A_1785 = arith.select %eq3A_1783, %jit3A_1784, %jit3A_1781 : i32
      %rem3A_1786 = arith.remsi %sub3A_1780, %select_n3A_1785 : i32
      %ne3A_1787 = arith.constant 0 : i32
      %ne3A_1788 = arith.cmpi ne, %rem3A_1786, %ne3A_1787 : i32
      %lt3A_1789 = arith.constant 0 : i32
      %lt3A_1790 = arith.cmpi slt, %rem3A_1786, %lt3A_1789 : i32
      %lt3A_1791 = arith.constant 0 : i32
      %lt3A_1792 = arith.cmpi slt, %select_n3A_1785, %lt3A_1791 : i32
      %ne3A_1793 = arith.xori %lt3A_1790, %lt3A_1792 : i1
      %and3A_1794 = arith.andi %ne3A_1793, %ne3A_1788 : i1
      %add3A_1795 = arith.addi %rem3A_1786, %select_n3A_1785 : i32
      %select_n3A_1796 = arith.select %and3A_1794, %add3A_1795, %rem3A_1786 : i32
      %add3A_1797 = arith.addi %mul3A_2, %sub3A_1780 : i32
      %dma_wait3A_1798 = arith.constant 0 : i32
      %dma_wait3A_1799 = arith.constant 0 : i32
      %dma_wait3A_1800 = tpu.memref_slice %arg6[%select_n3A_1796, %dma_wait3A_1798, %dma_wait3A_1799] : memref<8x50x128xf32, #tpu.memory_space<vmem>> -> memref<1x50x128xf32, #tpu.memory_space<vmem>>
      %dma_wait3A_1801 = tpu.memref_squeeze %dma_wait3A_1800 : memref<1x50x128xf32, #tpu.memory_space<vmem>> -> memref<50x128xf32, #tpu.memory_space<vmem>>
      %dma_wait3A_1802 = arith.constant 0 : i32
      %dma_wait3A_1803 = arith.constant 0 : i32
      %dma_wait3A_1804 = tpu.memref_slice %arg4[%add3A_1797, %dma_wait3A_1802, %dma_wait3A_1803] : memref<16384x50x128xf32, #tpu.memory_space<hbm>> -> memref<1x50x128xf32, #tpu.memory_space<hbm>>
      %dma_wait3A_1805 = tpu.memref_squeeze %dma_wait3A_1804 : memref<1x50x128xf32, #tpu.memory_space<hbm>> -> memref<50x128xf32, #tpu.memory_space<hbm>>
      %dma_wait3A_1806 = arith.constant 0 : i32
      %dma_wait3A_1807 = arith.constant 0 : i32
      %dma_wait3A_1808 = tpu.memref_slice %arg4[%add3A_1797, %dma_wait3A_1806, %dma_wait3A_1807] : memref<16384x50x128xf32, #tpu.memory_space<hbm>> -> memref<1x50x128xf32, #tpu.memory_space<hbm>>
      %dma_wait3A_1809 = tpu.memref_squeeze %dma_wait3A_1808 : memref<1x50x128xf32, #tpu.memory_space<hbm>> -> memref<50x128xf32, #tpu.memory_space<hbm>>
      %dma_wait3A_1810 = arith.constant 0 : i32
      %dma_wait3A_1811 = arith.constant 0 : i32
      %dma_wait3A_1812 = tpu.memref_slice %arg6[%select_n3A_1796, %dma_wait3A_1810, %dma_wait3A_1811] : memref<8x50x128xf32, #tpu.memory_space<vmem>> -> memref<1x50x128xf32, #tpu.memory_space<vmem>>
      %dma_wait3A_1813 = tpu.memref_squeeze %dma_wait3A_1812 : memref<1x50x128xf32, #tpu.memory_space<vmem>> -> memref<50x128xf32, #tpu.memory_space<vmem>>
      tpu.wait_dma2 semaphore(%arg8 : memref<!tpu.dma_semaphore, #tpu.memory_space<semaphore_mem>>) src(%dma_wait3A_1813 : memref<50x128xf32, #tpu.memory_space<vmem>>) dst(%dma_wait3A_1809 : memref<50x128xf32, #tpu.memory_space<hbm>>)
      %add3A_1814 = arith.constant 5 : i32
      %add3A_1815 = arith.addi %add3A_1750, %add3A_1814 : i32
      %jit3A_1816 = arith.constant 8 : i32
      %eq3A_1817 = arith.constant 0 : i32
      %eq3A_1818 = arith.cmpi eq, %jit3A_1816, %eq3A_1817 : i32
      %jit3A_1819 = arith.constant 1 : i32
      %select_n3A_1820 = arith.select %eq3A_1818, %jit3A_1819, %jit3A_1816 : i32
      %rem3A_1821 = arith.remsi %add3A_1815, %select_n3A_1820 : i32
      %ne3A_1822 = arith.constant 0 : i32
      %ne3A_1823 = arith.cmpi ne, %rem3A_1821, %ne3A_1822 : i32
      %lt3A_1824 = arith.constant 0 : i32
      %lt3A_1825 = arith.cmpi slt, %rem3A_1821, %lt3A_1824 : i32
      %lt3A_1826 = arith.constant 0 : i32
      %lt3A_1827 = arith.cmpi slt, %select_n3A_1820, %lt3A_1826 : i32
      %ne3A_1828 = arith.xori %lt3A_1825, %lt3A_1827 : i1
      %and3A_1829 = arith.andi %ne3A_1828, %ne3A_1823 : i1
      %add3A_1830 = arith.addi %rem3A_1821, %select_n3A_1820 : i32
      %select_n3A_1831 = arith.select %and3A_1829, %add3A_1830, %rem3A_1821 : i32
      %dma_start3A_1832 = arith.constant 0 : i32
      %dma_start3A_1833 = arith.constant 0 : i32
      %dma_start3A_1834 = tpu.memref_slice %arg6[%select_n3A_1831, %dma_start3A_1832, %dma_start3A_1833] : memref<8x50x128xf32, #tpu.memory_space<vmem>> -> memref<1x50x128xf32, #tpu.memory_space<vmem>>
      %dma_start3A_1835 = tpu.memref_squeeze %dma_start3A_1834 : memref<1x50x128xf32, #tpu.memory_space<vmem>> -> memref<50x128xf32, #tpu.memory_space<vmem>>
      %dma_start3A_1836 = arith.constant 0 : i32
      %dma_start3A_1837 = tpu.memref_slice %arg5[%add3A_1815, %dma_start3A_1836] : memref<512x128xi32, #tpu.memory_space<vmem>> -> memref<1x50xi32, #tpu.memory_space<vmem>>
      %dma_start3A_1838 = tpu.memref_squeeze %dma_start3A_1837 : memref<1x50xi32, #tpu.memory_space<vmem>> -> memref<50xi32, #tpu.memory_space<vmem>>
      %dma_start3A_1839 = arith.constant 0 : i32
      %dma_start3A_1840 = arith.constant 0 : i32
      %dma_start3A_1841 = tpu.memref_slice %arg2[%dma_start3A_1839, %dma_start3A_1840] : memref<100001x128xf32, #tpu.memory_space<hbm>> -> memref<100001x128xf32, #tpu.memory_space<hbm>>
      tpu.enqueue_indirect_dma source(%dma_start3A_1841 : memref<100001x128xf32, #tpu.memory_space<hbm>>) target(%dma_start3A_1835 : memref<50x128xf32, #tpu.memory_space<vmem>>) offsets(%dma_start3A_1838 : memref<50xi32, #tpu.memory_space<vmem>>) semaphore(%arg7 : memref<!tpu.dma_semaphore, #tpu.memory_space<semaphore_mem>>)
      %jit3A_1842 = arith.constant 8 : i32
      %eq3A_1843 = arith.constant 0 : i32
      %eq3A_1844 = arith.cmpi eq, %jit3A_1842, %eq3A_1843 : i32
      %jit3A_1845 = arith.constant 1 : i32
      %select_n3A_1846 = arith.select %eq3A_1844, %jit3A_1845, %jit3A_1842 : i32
      %rem3A_1847 = arith.remsi %add3A_1750, %select_n3A_1846 : i32
      %ne3A_1848 = arith.constant 0 : i32
      %ne3A_1849 = arith.cmpi ne, %rem3A_1847, %ne3A_1848 : i32
      %lt3A_1850 = arith.constant 0 : i32
      %lt3A_1851 = arith.cmpi slt, %rem3A_1847, %lt3A_1850 : i32
      %lt3A_1852 = arith.constant 0 : i32
      %lt3A_1853 = arith.cmpi slt, %select_n3A_1846, %lt3A_1852 : i32
      %ne3A_1854 = arith.xori %lt3A_1851, %lt3A_1853 : i1
      %and3A_1855 = arith.andi %ne3A_1854, %ne3A_1849 : i1
      %add3A_1856 = arith.addi %rem3A_1847, %select_n3A_1846 : i32
      %select_n3A_1857 = arith.select %and3A_1855, %add3A_1856, %rem3A_1847 : i32
      %add3A_1858 = arith.addi %mul3A_2, %add3A_1750 : i32
      %dma_start3A_1859 = arith.constant 0 : i32
      %dma_start3A_1860 = arith.constant 0 : i32
      %dma_start3A_1861 = tpu.memref_slice %arg6[%select_n3A_1857, %dma_start3A_1859, %dma_start3A_1860] : memref<8x50x128xf32, #tpu.memory_space<vmem>> -> memref<1x50x128xf32, #tpu.memory_space<vmem>>
      %dma_start3A_1862 = tpu.memref_squeeze %dma_start3A_1861 : memref<1x50x128xf32, #tpu.memory_space<vmem>> -> memref<50x128xf32, #tpu.memory_space<vmem>>
      %dma_start3A_1863 = arith.constant 0 : i32
      %dma_start3A_1864 = arith.constant 0 : i32
      %dma_start3A_1865 = tpu.memref_slice %arg4[%add3A_1858, %dma_start3A_1863, %dma_start3A_1864] : memref<16384x50x128xf32, #tpu.memory_space<hbm>> -> memref<1x50x128xf32, #tpu.memory_space<hbm>>
      %dma_start3A_1866 = tpu.memref_squeeze %dma_start3A_1865 : memref<1x50x128xf32, #tpu.memory_space<hbm>> -> memref<50x128xf32, #tpu.memory_space<hbm>>
      %dma_start3A_1867 = arith.constant 0 : i32
      %dma_start3A_1868 = arith.constant 0 : i32
      %dma_start3A_1869 = tpu.memref_slice %arg4[%add3A_1858, %dma_start3A_1867, %dma_start3A_1868] : memref<16384x50x128xf32, #tpu.memory_space<hbm>> -> memref<1x50x128xf32, #tpu.memory_space<hbm>>
      %dma_start3A_1870 = tpu.memref_squeeze %dma_start3A_1869 : memref<1x50x128xf32, #tpu.memory_space<hbm>> -> memref<50x128xf32, #tpu.memory_space<hbm>>
      %dma_start3A_1871 = arith.constant 0 : i32
      %dma_start3A_1872 = arith.constant 0 : i32
      %dma_start3A_1873 = tpu.memref_slice %arg6[%select_n3A_1857, %dma_start3A_1871, %dma_start3A_1872] : memref<8x50x128xf32, #tpu.memory_space<vmem>> -> memref<1x50x128xf32, #tpu.memory_space<vmem>>
      %dma_start3A_1874 = tpu.memref_squeeze %dma_start3A_1873 : memref<1x50x128xf32, #tpu.memory_space<vmem>> -> memref<50x128xf32, #tpu.memory_space<vmem>>
      tpu.enqueue_dma source(%dma_start3A_1874 : memref<50x128xf32, #tpu.memory_space<vmem>>) target(%dma_start3A_1870 : memref<50x128xf32, #tpu.memory_space<hbm>>) target_semaphore(%arg8 : memref<!tpu.dma_semaphore, #tpu.memory_space<semaphore_mem>>)
    }
    %scan3A_503 = arith.constant 62 : i32
    %dma_wait3A_504 = arith.constant 504 : i32
    %dma_wait3A_505 = arith.constant 0 : i32
    %dma_wait3A_506 = arith.constant 0 : i32
    %dma_wait3A_507 = arith.constant 0 : i32
    %dma_wait3A_508 = tpu.memref_slice %arg6[%dma_wait3A_505, %dma_wait3A_506, %dma_wait3A_507] : memref<8x50x128xf32, #tpu.memory_space<vmem>> -> memref<1x50x128xf32, #tpu.memory_space<vmem>>
    %dma_wait3A_509 = tpu.memref_squeeze %dma_wait3A_508 : memref<1x50x128xf32, #tpu.memory_space<vmem>> -> memref<50x128xf32, #tpu.memory_space<vmem>>
    %dma_wait3A_510 = arith.constant 0 : i32
    %dma_wait3A_511 = tpu.memref_slice %arg5[%dma_wait3A_504, %dma_wait3A_510] : memref<512x128xi32, #tpu.memory_space<vmem>> -> memref<1x50xi32, #tpu.memory_space<vmem>>
    %dma_wait3A_512 = tpu.memref_squeeze %dma_wait3A_511 : memref<1x50xi32, #tpu.memory_space<vmem>> -> memref<50xi32, #tpu.memory_space<vmem>>
    %dma_wait3A_513 = arith.constant 0 : i32
    %dma_wait3A_514 = arith.constant 0 : i32
    %dma_wait3A_515 = tpu.memref_slice %arg2[%dma_wait3A_513, %dma_wait3A_514] : memref<100001x128xf32, #tpu.memory_space<hbm>> -> memref<100001x128xf32, #tpu.memory_space<hbm>>
    tpu.wait_indirect_dma semaphore(%arg7 : memref<!tpu.dma_semaphore, #tpu.memory_space<semaphore_mem>>) src(%dma_wait3A_515 : memref<100001x128xf32, #tpu.memory_space<hbm>>) dst(%dma_wait3A_509 : memref<50x128xf32, #tpu.memory_space<vmem>>)
    %add3A_516 = arith.constant 501 : i32
    %add3A_517 = arith.addi %mul3A_2, %add3A_516 : i32
    %dma_wait3A_518 = arith.constant 5 : i32
    %dma_wait3A_519 = arith.constant 0 : i32
    %dma_wait3A_520 = arith.constant 0 : i32
    %dma_wait3A_521 = tpu.memref_slice %arg6[%dma_wait3A_518, %dma_wait3A_519, %dma_wait3A_520] : memref<8x50x128xf32, #tpu.memory_space<vmem>> -> memref<1x50x128xf32, #tpu.memory_space<vmem>>
    %dma_wait3A_522 = tpu.memref_squeeze %dma_wait3A_521 : memref<1x50x128xf32, #tpu.memory_space<vmem>> -> memref<50x128xf32, #tpu.memory_space<vmem>>
    %dma_wait3A_523 = arith.constant 0 : i32
    %dma_wait3A_524 = arith.constant 0 : i32
    %dma_wait3A_525 = tpu.memref_slice %arg4[%add3A_517, %dma_wait3A_523, %dma_wait3A_524] : memref<16384x50x128xf32, #tpu.memory_space<hbm>> -> memref<1x50x128xf32, #tpu.memory_space<hbm>>
    %dma_wait3A_526 = tpu.memref_squeeze %dma_wait3A_525 : memref<1x50x128xf32, #tpu.memory_space<hbm>> -> memref<50x128xf32, #tpu.memory_space<hbm>>
    %dma_wait3A_527 = arith.constant 0 : i32
    %dma_wait3A_528 = arith.constant 0 : i32
    %dma_wait3A_529 = tpu.memref_slice %arg4[%add3A_517, %dma_wait3A_527, %dma_wait3A_528] : memref<16384x50x128xf32, #tpu.memory_space<hbm>> -> memref<1x50x128xf32, #tpu.memory_space<hbm>>
    %dma_wait3A_530 = tpu.memref_squeeze %dma_wait3A_529 : memref<1x50x128xf32, #tpu.memory_space<hbm>> -> memref<50x128xf32, #tpu.memory_space<hbm>>
    %dma_wait3A_531 = arith.constant 0 : i32
    %dma_wait3A_532 = arith.constant 0 : i32
    %dma_wait3A_533 = tpu.memref_slice %arg6[%dma_wait3A_518, %dma_wait3A_531, %dma_wait3A_532] : memref<8x50x128xf32, #tpu.memory_space<vmem>> -> memref<1x50x128xf32, #tpu.memory_space<vmem>>
    %dma_wait3A_534 = tpu.memref_squeeze %dma_wait3A_533 : memref<1x50x128xf32, #tpu.memory_space<vmem>> -> memref<50x128xf32, #tpu.memory_space<vmem>>
    tpu.wait_dma2 semaphore(%arg8 : memref<!tpu.dma_semaphore, #tpu.memory_space<semaphore_mem>>) src(%dma_wait3A_534 : memref<50x128xf32, #tpu.memory_space<vmem>>) dst(%dma_wait3A_530 : memref<50x128xf32, #tpu.memory_space<hbm>>)
    %dma_start3A_535 = arith.constant 509 : i32
    %dma_start3A_536 = arith.constant 5 : i32
    %dma_start3A_537 = arith.constant 0 : i32
    %dma_start3A_538 = arith.constant 0 : i32
    %dma_start3A_539 = tpu.memref_slice %arg6[%dma_start3A_536, %dma_start3A_537, %dma_start3A_538] : memref<8x50x128xf32, #tpu.memory_space<vmem>> -> memref<1x50x128xf32, #tpu.memory_space<vmem>>
    %dma_start3A_540 = tpu.memref_squeeze %dma_start3A_539 : memref<1x50x128xf32, #tpu.memory_space<vmem>> -> memref<50x128xf32, #tpu.memory_space<vmem>>
    %dma_start3A_541 = arith.constant 0 : i32
    %dma_start3A_542 = tpu.memref_slice %arg5[%dma_start3A_535, %dma_start3A_541] : memref<512x128xi32, #tpu.memory_space<vmem>> -> memref<1x50xi32, #tpu.memory_space<vmem>>
    %dma_start3A_543 = tpu.memref_squeeze %dma_start3A_542 : memref<1x50xi32, #tpu.memory_space<vmem>> -> memref<50xi32, #tpu.memory_space<vmem>>
    %dma_start3A_544 = arith.constant 0 : i32
    %dma_start3A_545 = arith.constant 0 : i32
    %dma_start3A_546 = tpu.memref_slice %arg2[%dma_start3A_544, %dma_start3A_545] : memref<100001x128xf32, #tpu.memory_space<hbm>> -> memref<100001x128xf32, #tpu.memory_space<hbm>>
    tpu.enqueue_indirect_dma source(%dma_start3A_546 : memref<100001x128xf32, #tpu.memory_space<hbm>>) target(%dma_start3A_540 : memref<50x128xf32, #tpu.memory_space<vmem>>) offsets(%dma_start3A_543 : memref<50xi32, #tpu.memory_space<vmem>>) semaphore(%arg7 : memref<!tpu.dma_semaphore, #tpu.memory_space<semaphore_mem>>)
    %add3A_547 = arith.constant 504 : i32
    %add3A_548 = arith.addi %mul3A_2, %add3A_547 : i32
    %dma_start3A_549 = arith.constant 0 : i32
    %dma_start3A_550 = arith.constant 0 : i32
    %dma_start3A_551 = arith.constant 0 : i32
    %dma_start3A_552 = tpu.memref_slice %arg6[%dma_start3A_549, %dma_start3A_550, %dma_start3A_551] : memref<8x50x128xf32, #tpu.memory_space<vmem>> -> memref<1x50x128xf32, #tpu.memory_space<vmem>>
    %dma_start3A_553 = tpu.memref_squeeze %dma_start3A_552 : memref<1x50x128xf32, #tpu.memory_space<vmem>> -> memref<50x128xf32, #tpu.memory_space<vmem>>
    %dma_start3A_554 = arith.constant 0 : i32
    %dma_start3A_555 = arith.constant 0 : i32
    %dma_start3A_556 = tpu.memref_slice %arg4[%add3A_548, %dma_start3A_554, %dma_start3A_555] : memref<16384x50x128xf32, #tpu.memory_space<hbm>> -> memref<1x50x128xf32, #tpu.memory_space<hbm>>
    %dma_start3A_557 = tpu.memref_squeeze %dma_start3A_556 : memref<1x50x128xf32, #tpu.memory_space<hbm>> -> memref<50x128xf32, #tpu.memory_space<hbm>>
    %dma_start3A_558 = arith.constant 0 : i32
    %dma_start3A_559 = arith.constant 0 : i32
    %dma_start3A_560 = tpu.memref_slice %arg4[%add3A_548, %dma_start3A_558, %dma_start3A_559] : memref<16384x50x128xf32, #tpu.memory_space<hbm>> -> memref<1x50x128xf32, #tpu.memory_space<hbm>>
    %dma_start3A_561 = tpu.memref_squeeze %dma_start3A_560 : memref<1x50x128xf32, #tpu.memory_space<hbm>> -> memref<50x128xf32, #tpu.memory_space<hbm>>
    %dma_start3A_562 = arith.constant 0 : i32
    %dma_start3A_563 = arith.constant 0 : i32
    %dma_start3A_564 = tpu.memref_slice %arg6[%dma_start3A_549, %dma_start3A_562, %dma_start3A_563] : memref<8x50x128xf32, #tpu.memory_space<vmem>> -> memref<1x50x128xf32, #tpu.memory_space<vmem>>
    %dma_start3A_565 = tpu.memref_squeeze %dma_start3A_564 : memref<1x50x128xf32, #tpu.memory_space<vmem>> -> memref<50x128xf32, #tpu.memory_space<vmem>>
    tpu.enqueue_dma source(%dma_start3A_565 : memref<50x128xf32, #tpu.memory_space<vmem>>) target(%dma_start3A_561 : memref<50x128xf32, #tpu.memory_space<hbm>>) target_semaphore(%arg8 : memref<!tpu.dma_semaphore, #tpu.memory_space<semaphore_mem>>)
    %dma_wait3A_566 = arith.constant 505 : i32
    %dma_wait3A_567 = arith.constant 1 : i32
    %dma_wait3A_568 = arith.constant 0 : i32
    %dma_wait3A_569 = arith.constant 0 : i32
    %dma_wait3A_570 = tpu.memref_slice %arg6[%dma_wait3A_567, %dma_wait3A_568, %dma_wait3A_569] : memref<8x50x128xf32, #tpu.memory_space<vmem>> -> memref<1x50x128xf32, #tpu.memory_space<vmem>>
    %dma_wait3A_571 = tpu.memref_squeeze %dma_wait3A_570 : memref<1x50x128xf32, #tpu.memory_space<vmem>> -> memref<50x128xf32, #tpu.memory_space<vmem>>
    %dma_wait3A_572 = arith.constant 0 : i32
    %dma_wait3A_573 = tpu.memref_slice %arg5[%dma_wait3A_566, %dma_wait3A_572] : memref<512x128xi32, #tpu.memory_space<vmem>> -> memref<1x50xi32, #tpu.memory_space<vmem>>
    %dma_wait3A_574 = tpu.memref_squeeze %dma_wait3A_573 : memref<1x50xi32, #tpu.memory_space<vmem>> -> memref<50xi32, #tpu.memory_space<vmem>>
    %dma_wait3A_575 = arith.constant 0 : i32
    %dma_wait3A_576 = arith.constant 0 : i32
    %dma_wait3A_577 = tpu.memref_slice %arg2[%dma_wait3A_575, %dma_wait3A_576] : memref<100001x128xf32, #tpu.memory_space<hbm>> -> memref<100001x128xf32, #tpu.memory_space<hbm>>
    tpu.wait_indirect_dma semaphore(%arg7 : memref<!tpu.dma_semaphore, #tpu.memory_space<semaphore_mem>>) src(%dma_wait3A_577 : memref<100001x128xf32, #tpu.memory_space<hbm>>) dst(%dma_wait3A_571 : memref<50x128xf32, #tpu.memory_space<vmem>>)
    %add3A_578 = arith.constant 502 : i32
    %add3A_579 = arith.addi %mul3A_2, %add3A_578 : i32
    %dma_wait3A_580 = arith.constant 6 : i32
    %dma_wait3A_581 = arith.constant 0 : i32
    %dma_wait3A_582 = arith.constant 0 : i32
    %dma_wait3A_583 = tpu.memref_slice %arg6[%dma_wait3A_580, %dma_wait3A_581, %dma_wait3A_582] : memref<8x50x128xf32, #tpu.memory_space<vmem>> -> memref<1x50x128xf32, #tpu.memory_space<vmem>>
    %dma_wait3A_584 = tpu.memref_squeeze %dma_wait3A_583 : memref<1x50x128xf32, #tpu.memory_space<vmem>> -> memref<50x128xf32, #tpu.memory_space<vmem>>
    %dma_wait3A_585 = arith.constant 0 : i32
    %dma_wait3A_586 = arith.constant 0 : i32
    %dma_wait3A_587 = tpu.memref_slice %arg4[%add3A_579, %dma_wait3A_585, %dma_wait3A_586] : memref<16384x50x128xf32, #tpu.memory_space<hbm>> -> memref<1x50x128xf32, #tpu.memory_space<hbm>>
    %dma_wait3A_588 = tpu.memref_squeeze %dma_wait3A_587 : memref<1x50x128xf32, #tpu.memory_space<hbm>> -> memref<50x128xf32, #tpu.memory_space<hbm>>
    %dma_wait3A_589 = arith.constant 0 : i32
    %dma_wait3A_590 = arith.constant 0 : i32
    %dma_wait3A_591 = tpu.memref_slice %arg4[%add3A_579, %dma_wait3A_589, %dma_wait3A_590] : memref<16384x50x128xf32, #tpu.memory_space<hbm>> -> memref<1x50x128xf32, #tpu.memory_space<hbm>>
    %dma_wait3A_592 = tpu.memref_squeeze %dma_wait3A_591 : memref<1x50x128xf32, #tpu.memory_space<hbm>> -> memref<50x128xf32, #tpu.memory_space<hbm>>
    %dma_wait3A_593 = arith.constant 0 : i32
    %dma_wait3A_594 = arith.constant 0 : i32
    %dma_wait3A_595 = tpu.memref_slice %arg6[%dma_wait3A_580, %dma_wait3A_593, %dma_wait3A_594] : memref<8x50x128xf32, #tpu.memory_space<vmem>> -> memref<1x50x128xf32, #tpu.memory_space<vmem>>
    %dma_wait3A_596 = tpu.memref_squeeze %dma_wait3A_595 : memref<1x50x128xf32, #tpu.memory_space<vmem>> -> memref<50x128xf32, #tpu.memory_space<vmem>>
    tpu.wait_dma2 semaphore(%arg8 : memref<!tpu.dma_semaphore, #tpu.memory_space<semaphore_mem>>) src(%dma_wait3A_596 : memref<50x128xf32, #tpu.memory_space<vmem>>) dst(%dma_wait3A_592 : memref<50x128xf32, #tpu.memory_space<hbm>>)
    %dma_start3A_597 = arith.constant 510 : i32
    %dma_start3A_598 = arith.constant 6 : i32
    %dma_start3A_599 = arith.constant 0 : i32
    %dma_start3A_600 = arith.constant 0 : i32
    %dma_start3A_601 = tpu.memref_slice %arg6[%dma_start3A_598, %dma_start3A_599, %dma_start3A_600] : memref<8x50x128xf32, #tpu.memory_space<vmem>> -> memref<1x50x128xf32, #tpu.memory_space<vmem>>
    %dma_start3A_602 = tpu.memref_squeeze %dma_start3A_601 : memref<1x50x128xf32, #tpu.memory_space<vmem>> -> memref<50x128xf32, #tpu.memory_space<vmem>>
    %dma_start3A_603 = arith.constant 0 : i32
    %dma_start3A_604 = tpu.memref_slice %arg5[%dma_start3A_597, %dma_start3A_603] : memref<512x128xi32, #tpu.memory_space<vmem>> -> memref<1x50xi32, #tpu.memory_space<vmem>>
    %dma_start3A_605 = tpu.memref_squeeze %dma_start3A_604 : memref<1x50xi32, #tpu.memory_space<vmem>> -> memref<50xi32, #tpu.memory_space<vmem>>
    %dma_start3A_606 = arith.constant 0 : i32
    %dma_start3A_607 = arith.constant 0 : i32
    %dma_start3A_608 = tpu.memref_slice %arg2[%dma_start3A_606, %dma_start3A_607] : memref<100001x128xf32, #tpu.memory_space<hbm>> -> memref<100001x128xf32, #tpu.memory_space<hbm>>
    tpu.enqueue_indirect_dma source(%dma_start3A_608 : memref<100001x128xf32, #tpu.memory_space<hbm>>) target(%dma_start3A_602 : memref<50x128xf32, #tpu.memory_space<vmem>>) offsets(%dma_start3A_605 : memref<50xi32, #tpu.memory_space<vmem>>) semaphore(%arg7 : memref<!tpu.dma_semaphore, #tpu.memory_space<semaphore_mem>>)
    %add3A_609 = arith.constant 505 : i32
    %add3A_610 = arith.addi %mul3A_2, %add3A_609 : i32
    %dma_start3A_611 = arith.constant 1 : i32
    %dma_start3A_612 = arith.constant 0 : i32
    %dma_start3A_613 = arith.constant 0 : i32
    %dma_start3A_614 = tpu.memref_slice %arg6[%dma_start3A_611, %dma_start3A_612, %dma_start3A_613] : memref<8x50x128xf32, #tpu.memory_space<vmem>> -> memref<1x50x128xf32, #tpu.memory_space<vmem>>
    %dma_start3A_615 = tpu.memref_squeeze %dma_start3A_614 : memref<1x50x128xf32, #tpu.memory_space<vmem>> -> memref<50x128xf32, #tpu.memory_space<vmem>>
    %dma_start3A_616 = arith.constant 0 : i32
    %dma_start3A_617 = arith.constant 0 : i32
    %dma_start3A_618 = tpu.memref_slice %arg4[%add3A_610, %dma_start3A_616, %dma_start3A_617] : memref<16384x50x128xf32, #tpu.memory_space<hbm>> -> memref<1x50x128xf32, #tpu.memory_space<hbm>>
    %dma_start3A_619 = tpu.memref_squeeze %dma_start3A_618 : memref<1x50x128xf32, #tpu.memory_space<hbm>> -> memref<50x128xf32, #tpu.memory_space<hbm>>
    %dma_start3A_620 = arith.constant 0 : i32
    %dma_start3A_621 = arith.constant 0 : i32
    %dma_start3A_622 = tpu.memref_slice %arg4[%add3A_610, %dma_start3A_620, %dma_start3A_621] : memref<16384x50x128xf32, #tpu.memory_space<hbm>> -> memref<1x50x128xf32, #tpu.memory_space<hbm>>
    %dma_start3A_623 = tpu.memref_squeeze %dma_start3A_622 : memref<1x50x128xf32, #tpu.memory_space<hbm>> -> memref<50x128xf32, #tpu.memory_space<hbm>>
    %dma_start3A_624 = arith.constant 0 : i32
    %dma_start3A_625 = arith.constant 0 : i32
    %dma_start3A_626 = tpu.memref_slice %arg6[%dma_start3A_611, %dma_start3A_624, %dma_start3A_625] : memref<8x50x128xf32, #tpu.memory_space<vmem>> -> memref<1x50x128xf32, #tpu.memory_space<vmem>>
    %dma_start3A_627 = tpu.memref_squeeze %dma_start3A_626 : memref<1x50x128xf32, #tpu.memory_space<vmem>> -> memref<50x128xf32, #tpu.memory_space<vmem>>
    tpu.enqueue_dma source(%dma_start3A_627 : memref<50x128xf32, #tpu.memory_space<vmem>>) target(%dma_start3A_623 : memref<50x128xf32, #tpu.memory_space<hbm>>) target_semaphore(%arg8 : memref<!tpu.dma_semaphore, #tpu.memory_space<semaphore_mem>>)
    %dma_wait3A_628 = arith.constant 506 : i32
    %dma_wait3A_629 = arith.constant 2 : i32
    %dma_wait3A_630 = arith.constant 0 : i32
    %dma_wait3A_631 = arith.constant 0 : i32
    %dma_wait3A_632 = tpu.memref_slice %arg6[%dma_wait3A_629, %dma_wait3A_630, %dma_wait3A_631] : memref<8x50x128xf32, #tpu.memory_space<vmem>> -> memref<1x50x128xf32, #tpu.memory_space<vmem>>
    %dma_wait3A_633 = tpu.memref_squeeze %dma_wait3A_632 : memref<1x50x128xf32, #tpu.memory_space<vmem>> -> memref<50x128xf32, #tpu.memory_space<vmem>>
    %dma_wait3A_634 = arith.constant 0 : i32
    %dma_wait3A_635 = tpu.memref_slice %arg5[%dma_wait3A_628, %dma_wait3A_634] : memref<512x128xi32, #tpu.memory_space<vmem>> -> memref<1x50xi32, #tpu.memory_space<vmem>>
    %dma_wait3A_636 = tpu.memref_squeeze %dma_wait3A_635 : memref<1x50xi32, #tpu.memory_space<vmem>> -> memref<50xi32, #tpu.memory_space<vmem>>
    %dma_wait3A_637 = arith.constant 0 : i32
    %dma_wait3A_638 = arith.constant 0 : i32
    %dma_wait3A_639 = tpu.memref_slice %arg2[%dma_wait3A_637, %dma_wait3A_638] : memref<100001x128xf32, #tpu.memory_space<hbm>> -> memref<100001x128xf32, #tpu.memory_space<hbm>>
    tpu.wait_indirect_dma semaphore(%arg7 : memref<!tpu.dma_semaphore, #tpu.memory_space<semaphore_mem>>) src(%dma_wait3A_639 : memref<100001x128xf32, #tpu.memory_space<hbm>>) dst(%dma_wait3A_633 : memref<50x128xf32, #tpu.memory_space<vmem>>)
    %add3A_640 = arith.constant 503 : i32
    %add3A_641 = arith.addi %mul3A_2, %add3A_640 : i32
    %dma_wait3A_642 = arith.constant 7 : i32
    %dma_wait3A_643 = arith.constant 0 : i32
    %dma_wait3A_644 = arith.constant 0 : i32
    %dma_wait3A_645 = tpu.memref_slice %arg6[%dma_wait3A_642, %dma_wait3A_643, %dma_wait3A_644] : memref<8x50x128xf32, #tpu.memory_space<vmem>> -> memref<1x50x128xf32, #tpu.memory_space<vmem>>
    %dma_wait3A_646 = tpu.memref_squeeze %dma_wait3A_645 : memref<1x50x128xf32, #tpu.memory_space<vmem>> -> memref<50x128xf32, #tpu.memory_space<vmem>>
    %dma_wait3A_647 = arith.constant 0 : i32
    %dma_wait3A_648 = arith.constant 0 : i32
    %dma_wait3A_649 = tpu.memref_slice %arg4[%add3A_641, %dma_wait3A_647, %dma_wait3A_648] : memref<16384x50x128xf32, #tpu.memory_space<hbm>> -> memref<1x50x128xf32, #tpu.memory_space<hbm>>
    %dma_wait3A_650 = tpu.memref_squeeze %dma_wait3A_649 : memref<1x50x128xf32, #tpu.memory_space<hbm>> -> memref<50x128xf32, #tpu.memory_space<hbm>>
    %dma_wait3A_651 = arith.constant 0 : i32
    %dma_wait3A_652 = arith.constant 0 : i32
    %dma_wait3A_653 = tpu.memref_slice %arg4[%add3A_641, %dma_wait3A_651, %dma_wait3A_652] : memref<16384x50x128xf32, #tpu.memory_space<hbm>> -> memref<1x50x128xf32, #tpu.memory_space<hbm>>
    %dma_wait3A_654 = tpu.memref_squeeze %dma_wait3A_653 : memref<1x50x128xf32, #tpu.memory_space<hbm>> -> memref<50x128xf32, #tpu.memory_space<hbm>>
    %dma_wait3A_655 = arith.constant 0 : i32
    %dma_wait3A_656 = arith.constant 0 : i32
    %dma_wait3A_657 = tpu.memref_slice %arg6[%dma_wait3A_642, %dma_wait3A_655, %dma_wait3A_656] : memref<8x50x128xf32, #tpu.memory_space<vmem>> -> memref<1x50x128xf32, #tpu.memory_space<vmem>>
    %dma_wait3A_658 = tpu.memref_squeeze %dma_wait3A_657 : memref<1x50x128xf32, #tpu.memory_space<vmem>> -> memref<50x128xf32, #tpu.memory_space<vmem>>
    tpu.wait_dma2 semaphore(%arg8 : memref<!tpu.dma_semaphore, #tpu.memory_space<semaphore_mem>>) src(%dma_wait3A_658 : memref<50x128xf32, #tpu.memory_space<vmem>>) dst(%dma_wait3A_654 : memref<50x128xf32, #tpu.memory_space<hbm>>)
    %dma_start3A_659 = arith.constant 511 : i32
    %dma_start3A_660 = arith.constant 7 : i32
    %dma_start3A_661 = arith.constant 0 : i32
    %dma_start3A_662 = arith.constant 0 : i32
    %dma_start3A_663 = tpu.memref_slice %arg6[%dma_start3A_660, %dma_start3A_661, %dma_start3A_662] : memref<8x50x128xf32, #tpu.memory_space<vmem>> -> memref<1x50x128xf32, #tpu.memory_space<vmem>>
    %dma_start3A_664 = tpu.memref_squeeze %dma_start3A_663 : memref<1x50x128xf32, #tpu.memory_space<vmem>> -> memref<50x128xf32, #tpu.memory_space<vmem>>
    %dma_start3A_665 = arith.constant 0 : i32
    %dma_start3A_666 = tpu.memref_slice %arg5[%dma_start3A_659, %dma_start3A_665] : memref<512x128xi32, #tpu.memory_space<vmem>> -> memref<1x50xi32, #tpu.memory_space<vmem>>
    %dma_start3A_667 = tpu.memref_squeeze %dma_start3A_666 : memref<1x50xi32, #tpu.memory_space<vmem>> -> memref<50xi32, #tpu.memory_space<vmem>>
    %dma_start3A_668 = arith.constant 0 : i32
    %dma_start3A_669 = arith.constant 0 : i32
    %dma_start3A_670 = tpu.memref_slice %arg2[%dma_start3A_668, %dma_start3A_669] : memref<100001x128xf32, #tpu.memory_space<hbm>> -> memref<100001x128xf32, #tpu.memory_space<hbm>>
    tpu.enqueue_indirect_dma source(%dma_start3A_670 : memref<100001x128xf32, #tpu.memory_space<hbm>>) target(%dma_start3A_664 : memref<50x128xf32, #tpu.memory_space<vmem>>) offsets(%dma_start3A_667 : memref<50xi32, #tpu.memory_space<vmem>>) semaphore(%arg7 : memref<!tpu.dma_semaphore, #tpu.memory_space<semaphore_mem>>)
    %add3A_671 = arith.constant 506 : i32
    %add3A_672 = arith.addi %mul3A_2, %add3A_671 : i32
    %dma_start3A_673 = arith.constant 2 : i32
    %dma_start3A_674 = arith.constant 0 : i32
    %dma_start3A_675 = arith.constant 0 : i32
    %dma_start3A_676 = tpu.memref_slice %arg6[%dma_start3A_673, %dma_start3A_674, %dma_start3A_675] : memref<8x50x128xf32, #tpu.memory_space<vmem>> -> memref<1x50x128xf32, #tpu.memory_space<vmem>>
    %dma_start3A_677 = tpu.memref_squeeze %dma_start3A_676 : memref<1x50x128xf32, #tpu.memory_space<vmem>> -> memref<50x128xf32, #tpu.memory_space<vmem>>
    %dma_start3A_678 = arith.constant 0 : i32
    %dma_start3A_679 = arith.constant 0 : i32
    %dma_start3A_680 = tpu.memref_slice %arg4[%add3A_672, %dma_start3A_678, %dma_start3A_679] : memref<16384x50x128xf32, #tpu.memory_space<hbm>> -> memref<1x50x128xf32, #tpu.memory_space<hbm>>
    %dma_start3A_681 = tpu.memref_squeeze %dma_start3A_680 : memref<1x50x128xf32, #tpu.memory_space<hbm>> -> memref<50x128xf32, #tpu.memory_space<hbm>>
    %dma_start3A_682 = arith.constant 0 : i32
    %dma_start3A_683 = arith.constant 0 : i32
    %dma_start3A_684 = tpu.memref_slice %arg4[%add3A_672, %dma_start3A_682, %dma_start3A_683] : memref<16384x50x128xf32, #tpu.memory_space<hbm>> -> memref<1x50x128xf32, #tpu.memory_space<hbm>>
    %dma_start3A_685 = tpu.memref_squeeze %dma_start3A_684 : memref<1x50x128xf32, #tpu.memory_space<hbm>> -> memref<50x128xf32, #tpu.memory_space<hbm>>
    %dma_start3A_686 = arith.constant 0 : i32
    %dma_start3A_687 = arith.constant 0 : i32
    %dma_start3A_688 = tpu.memref_slice %arg6[%dma_start3A_673, %dma_start3A_686, %dma_start3A_687] : memref<8x50x128xf32, #tpu.memory_space<vmem>> -> memref<1x50x128xf32, #tpu.memory_space<vmem>>
    %dma_start3A_689 = tpu.memref_squeeze %dma_start3A_688 : memref<1x50x128xf32, #tpu.memory_space<vmem>> -> memref<50x128xf32, #tpu.memory_space<vmem>>
    tpu.enqueue_dma source(%dma_start3A_689 : memref<50x128xf32, #tpu.memory_space<vmem>>) target(%dma_start3A_685 : memref<50x128xf32, #tpu.memory_space<hbm>>) target_semaphore(%arg8 : memref<!tpu.dma_semaphore, #tpu.memory_space<semaphore_mem>>)
    %dma_wait3A_690 = arith.constant 507 : i32
    %dma_wait3A_691 = arith.constant 3 : i32
    %dma_wait3A_692 = arith.constant 0 : i32
    %dma_wait3A_693 = arith.constant 0 : i32
    %dma_wait3A_694 = tpu.memref_slice %arg6[%dma_wait3A_691, %dma_wait3A_692, %dma_wait3A_693] : memref<8x50x128xf32, #tpu.memory_space<vmem>> -> memref<1x50x128xf32, #tpu.memory_space<vmem>>
    %dma_wait3A_695 = tpu.memref_squeeze %dma_wait3A_694 : memref<1x50x128xf32, #tpu.memory_space<vmem>> -> memref<50x128xf32, #tpu.memory_space<vmem>>
    %dma_wait3A_696 = arith.constant 0 : i32
    %dma_wait3A_697 = tpu.memref_slice %arg5[%dma_wait3A_690, %dma_wait3A_696] : memref<512x128xi32, #tpu.memory_space<vmem>> -> memref<1x50xi32, #tpu.memory_space<vmem>>
    %dma_wait3A_698 = tpu.memref_squeeze %dma_wait3A_697 : memref<1x50xi32, #tpu.memory_space<vmem>> -> memref<50xi32, #tpu.memory_space<vmem>>
    %dma_wait3A_699 = arith.constant 0 : i32
    %dma_wait3A_700 = arith.constant 0 : i32
    %dma_wait3A_701 = tpu.memref_slice %arg2[%dma_wait3A_699, %dma_wait3A_700] : memref<100001x128xf32, #tpu.memory_space<hbm>> -> memref<100001x128xf32, #tpu.memory_space<hbm>>
    tpu.wait_indirect_dma semaphore(%arg7 : memref<!tpu.dma_semaphore, #tpu.memory_space<semaphore_mem>>) src(%dma_wait3A_701 : memref<100001x128xf32, #tpu.memory_space<hbm>>) dst(%dma_wait3A_695 : memref<50x128xf32, #tpu.memory_space<vmem>>)
    %add3A_702 = arith.constant 507 : i32
    %add3A_703 = arith.addi %mul3A_2, %add3A_702 : i32
    %dma_start3A_704 = arith.constant 3 : i32
    %dma_start3A_705 = arith.constant 0 : i32
    %dma_start3A_706 = arith.constant 0 : i32
    %dma_start3A_707 = tpu.memref_slice %arg6[%dma_start3A_704, %dma_start3A_705, %dma_start3A_706] : memref<8x50x128xf32, #tpu.memory_space<vmem>> -> memref<1x50x128xf32, #tpu.memory_space<vmem>>
    %dma_start3A_708 = tpu.memref_squeeze %dma_start3A_707 : memref<1x50x128xf32, #tpu.memory_space<vmem>> -> memref<50x128xf32, #tpu.memory_space<vmem>>
    %dma_start3A_709 = arith.constant 0 : i32
    %dma_start3A_710 = arith.constant 0 : i32
    %dma_start3A_711 = tpu.memref_slice %arg4[%add3A_703, %dma_start3A_709, %dma_start3A_710] : memref<16384x50x128xf32, #tpu.memory_space<hbm>> -> memref<1x50x128xf32, #tpu.memory_space<hbm>>
    %dma_start3A_712 = tpu.memref_squeeze %dma_start3A_711 : memref<1x50x128xf32, #tpu.memory_space<hbm>> -> memref<50x128xf32, #tpu.memory_space<hbm>>
    %dma_start3A_713 = arith.constant 0 : i32
    %dma_start3A_714 = arith.constant 0 : i32
    %dma_start3A_715 = tpu.memref_slice %arg4[%add3A_703, %dma_start3A_713, %dma_start3A_714] : memref<16384x50x128xf32, #tpu.memory_space<hbm>> -> memref<1x50x128xf32, #tpu.memory_space<hbm>>
    %dma_start3A_716 = tpu.memref_squeeze %dma_start3A_715 : memref<1x50x128xf32, #tpu.memory_space<hbm>> -> memref<50x128xf32, #tpu.memory_space<hbm>>
    %dma_start3A_717 = arith.constant 0 : i32
    %dma_start3A_718 = arith.constant 0 : i32
    %dma_start3A_719 = tpu.memref_slice %arg6[%dma_start3A_704, %dma_start3A_717, %dma_start3A_718] : memref<8x50x128xf32, #tpu.memory_space<vmem>> -> memref<1x50x128xf32, #tpu.memory_space<vmem>>
    %dma_start3A_720 = tpu.memref_squeeze %dma_start3A_719 : memref<1x50x128xf32, #tpu.memory_space<vmem>> -> memref<50x128xf32, #tpu.memory_space<vmem>>
    tpu.enqueue_dma source(%dma_start3A_720 : memref<50x128xf32, #tpu.memory_space<vmem>>) target(%dma_start3A_716 : memref<50x128xf32, #tpu.memory_space<hbm>>) target_semaphore(%arg8 : memref<!tpu.dma_semaphore, #tpu.memory_space<semaphore_mem>>)
    %dma_wait3A_721 = arith.constant 508 : i32
    %dma_wait3A_722 = arith.constant 4 : i32
    %dma_wait3A_723 = arith.constant 0 : i32
    %dma_wait3A_724 = arith.constant 0 : i32
    %dma_wait3A_725 = tpu.memref_slice %arg6[%dma_wait3A_722, %dma_wait3A_723, %dma_wait3A_724] : memref<8x50x128xf32, #tpu.memory_space<vmem>> -> memref<1x50x128xf32, #tpu.memory_space<vmem>>
    %dma_wait3A_726 = tpu.memref_squeeze %dma_wait3A_725 : memref<1x50x128xf32, #tpu.memory_space<vmem>> -> memref<50x128xf32, #tpu.memory_space<vmem>>
    %dma_wait3A_727 = arith.constant 0 : i32
    %dma_wait3A_728 = tpu.memref_slice %arg5[%dma_wait3A_721, %dma_wait3A_727] : memref<512x128xi32, #tpu.memory_space<vmem>> -> memref<1x50xi32, #tpu.memory_space<vmem>>
    %dma_wait3A_729 = tpu.memref_squeeze %dma_wait3A_728 : memref<1x50xi32, #tpu.memory_space<vmem>> -> memref<50xi32, #tpu.memory_space<vmem>>
    %dma_wait3A_730 = arith.constant 0 : i32
    %dma_wait3A_731 = arith.constant 0 : i32
    %dma_wait3A_732 = tpu.memref_slice %arg2[%dma_wait3A_730, %dma_wait3A_731] : memref<100001x128xf32, #tpu.memory_space<hbm>> -> memref<100001x128xf32, #tpu.memory_space<hbm>>
    tpu.wait_indirect_dma semaphore(%arg7 : memref<!tpu.dma_semaphore, #tpu.memory_space<semaphore_mem>>) src(%dma_wait3A_732 : memref<100001x128xf32, #tpu.memory_space<hbm>>) dst(%dma_wait3A_726 : memref<50x128xf32, #tpu.memory_space<vmem>>)
    %add3A_733 = arith.constant 508 : i32
    %add3A_734 = arith.addi %mul3A_2, %add3A_733 : i32
    %dma_start3A_735 = arith.constant 4 : i32
    %dma_start3A_736 = arith.constant 0 : i32
    %dma_start3A_737 = arith.constant 0 : i32
    %dma_start3A_738 = tpu.memref_slice %arg6[%dma_start3A_735, %dma_start3A_736, %dma_start3A_737] : memref<8x50x128xf32, #tpu.memory_space<vmem>> -> memref<1x50x128xf32, #tpu.memory_space<vmem>>
    %dma_start3A_739 = tpu.memref_squeeze %dma_start3A_738 : memref<1x50x128xf32, #tpu.memory_space<vmem>> -> memref<50x128xf32, #tpu.memory_space<vmem>>
    %dma_start3A_740 = arith.constant 0 : i32
    %dma_start3A_741 = arith.constant 0 : i32
    %dma_start3A_742 = tpu.memref_slice %arg4[%add3A_734, %dma_start3A_740, %dma_start3A_741] : memref<16384x50x128xf32, #tpu.memory_space<hbm>> -> memref<1x50x128xf32, #tpu.memory_space<hbm>>
    %dma_start3A_743 = tpu.memref_squeeze %dma_start3A_742 : memref<1x50x128xf32, #tpu.memory_space<hbm>> -> memref<50x128xf32, #tpu.memory_space<hbm>>
    %dma_start3A_744 = arith.constant 0 : i32
    %dma_start3A_745 = arith.constant 0 : i32
    %dma_start3A_746 = tpu.memref_slice %arg4[%add3A_734, %dma_start3A_744, %dma_start3A_745] : memref<16384x50x128xf32, #tpu.memory_space<hbm>> -> memref<1x50x128xf32, #tpu.memory_space<hbm>>
    %dma_start3A_747 = tpu.memref_squeeze %dma_start3A_746 : memref<1x50x128xf32, #tpu.memory_space<hbm>> -> memref<50x128xf32, #tpu.memory_space<hbm>>
    %dma_start3A_748 = arith.constant 0 : i32
    %dma_start3A_749 = arith.constant 0 : i32
    %dma_start3A_750 = tpu.memref_slice %arg6[%dma_start3A_735, %dma_start3A_748, %dma_start3A_749] : memref<8x50x128xf32, #tpu.memory_space<vmem>> -> memref<1x50x128xf32, #tpu.memory_space<vmem>>
    %dma_start3A_751 = tpu.memref_squeeze %dma_start3A_750 : memref<1x50x128xf32, #tpu.memory_space<vmem>> -> memref<50x128xf32, #tpu.memory_space<vmem>>
    tpu.enqueue_dma source(%dma_start3A_751 : memref<50x128xf32, #tpu.memory_space<vmem>>) target(%dma_start3A_747 : memref<50x128xf32, #tpu.memory_space<hbm>>) target_semaphore(%arg8 : memref<!tpu.dma_semaphore, #tpu.memory_space<semaphore_mem>>)
    %dma_wait3A_752 = arith.constant 509 : i32
    %dma_wait3A_753 = arith.constant 5 : i32
    %dma_wait3A_754 = arith.constant 0 : i32
    %dma_wait3A_755 = arith.constant 0 : i32
    %dma_wait3A_756 = tpu.memref_slice %arg6[%dma_wait3A_753, %dma_wait3A_754, %dma_wait3A_755] : memref<8x50x128xf32, #tpu.memory_space<vmem>> -> memref<1x50x128xf32, #tpu.memory_space<vmem>>
    %dma_wait3A_757 = tpu.memref_squeeze %dma_wait3A_756 : memref<1x50x128xf32, #tpu.memory_space<vmem>> -> memref<50x128xf32, #tpu.memory_space<vmem>>
    %dma_wait3A_758 = arith.constant 0 : i32
    %dma_wait3A_759 = tpu.memref_slice %arg5[%dma_wait3A_752, %dma_wait3A_758] : memref<512x128xi32, #tpu.memory_space<vmem>> -> memref<1x50xi32, #tpu.memory_space<vmem>>
    %dma_wait3A_760 = tpu.memref_squeeze %dma_wait3A_759 : memref<1x50xi32, #tpu.memory_space<vmem>> -> memref<50xi32, #tpu.memory_space<vmem>>
    %dma_wait3A_761 = arith.constant 0 : i32
    %dma_wait3A_762 = arith.constant 0 : i32
    %dma_wait3A_763 = tpu.memref_slice %arg2[%dma_wait3A_761, %dma_wait3A_762] : memref<100001x128xf32, #tpu.memory_space<hbm>> -> memref<100001x128xf32, #tpu.memory_space<hbm>>
    tpu.wait_indirect_dma semaphore(%arg7 : memref<!tpu.dma_semaphore, #tpu.memory_space<semaphore_mem>>) src(%dma_wait3A_763 : memref<100001x128xf32, #tpu.memory_space<hbm>>) dst(%dma_wait3A_757 : memref<50x128xf32, #tpu.memory_space<vmem>>)
    %add3A_764 = arith.constant 509 : i32
    %add3A_765 = arith.addi %mul3A_2, %add3A_764 : i32
    %dma_start3A_766 = arith.constant 5 : i32
    %dma_start3A_767 = arith.constant 0 : i32
    %dma_start3A_768 = arith.constant 0 : i32
    %dma_start3A_769 = tpu.memref_slice %arg6[%dma_start3A_766, %dma_start3A_767, %dma_start3A_768] : memref<8x50x128xf32, #tpu.memory_space<vmem>> -> memref<1x50x128xf32, #tpu.memory_space<vmem>>
    %dma_start3A_770 = tpu.memref_squeeze %dma_start3A_769 : memref<1x50x128xf32, #tpu.memory_space<vmem>> -> memref<50x128xf32, #tpu.memory_space<vmem>>
    %dma_start3A_771 = arith.constant 0 : i32
    %dma_start3A_772 = arith.constant 0 : i32
    %dma_start3A_773 = tpu.memref_slice %arg4[%add3A_765, %dma_start3A_771, %dma_start3A_772] : memref<16384x50x128xf32, #tpu.memory_space<hbm>> -> memref<1x50x128xf32, #tpu.memory_space<hbm>>
    %dma_start3A_774 = tpu.memref_squeeze %dma_start3A_773 : memref<1x50x128xf32, #tpu.memory_space<hbm>> -> memref<50x128xf32, #tpu.memory_space<hbm>>
    %dma_start3A_775 = arith.constant 0 : i32
    %dma_start3A_776 = arith.constant 0 : i32
    %dma_start3A_777 = tpu.memref_slice %arg4[%add3A_765, %dma_start3A_775, %dma_start3A_776] : memref<16384x50x128xf32, #tpu.memory_space<hbm>> -> memref<1x50x128xf32, #tpu.memory_space<hbm>>
    %dma_start3A_778 = tpu.memref_squeeze %dma_start3A_777 : memref<1x50x128xf32, #tpu.memory_space<hbm>> -> memref<50x128xf32, #tpu.memory_space<hbm>>
    %dma_start3A_779 = arith.constant 0 : i32
    %dma_start3A_780 = arith.constant 0 : i32
    %dma_start3A_781 = tpu.memref_slice %arg6[%dma_start3A_766, %dma_start3A_779, %dma_start3A_780] : memref<8x50x128xf32, #tpu.memory_space<vmem>> -> memref<1x50x128xf32, #tpu.memory_space<vmem>>
    %dma_start3A_782 = tpu.memref_squeeze %dma_start3A_781 : memref<1x50x128xf32, #tpu.memory_space<vmem>> -> memref<50x128xf32, #tpu.memory_space<vmem>>
    tpu.enqueue_dma source(%dma_start3A_782 : memref<50x128xf32, #tpu.memory_space<vmem>>) target(%dma_start3A_778 : memref<50x128xf32, #tpu.memory_space<hbm>>) target_semaphore(%arg8 : memref<!tpu.dma_semaphore, #tpu.memory_space<semaphore_mem>>)
    %dma_wait3A_783 = arith.constant 510 : i32
    %dma_wait3A_784 = arith.constant 6 : i32
    %dma_wait3A_785 = arith.constant 0 : i32
    %dma_wait3A_786 = arith.constant 0 : i32
    %dma_wait3A_787 = tpu.memref_slice %arg6[%dma_wait3A_784, %dma_wait3A_785, %dma_wait3A_786] : memref<8x50x128xf32, #tpu.memory_space<vmem>> -> memref<1x50x128xf32, #tpu.memory_space<vmem>>
    %dma_wait3A_788 = tpu.memref_squeeze %dma_wait3A_787 : memref<1x50x128xf32, #tpu.memory_space<vmem>> -> memref<50x128xf32, #tpu.memory_space<vmem>>
    %dma_wait3A_789 = arith.constant 0 : i32
    %dma_wait3A_790 = tpu.memref_slice %arg5[%dma_wait3A_783, %dma_wait3A_789] : memref<512x128xi32, #tpu.memory_space<vmem>> -> memref<1x50xi32, #tpu.memory_space<vmem>>
    %dma_wait3A_791 = tpu.memref_squeeze %dma_wait3A_790 : memref<1x50xi32, #tpu.memory_space<vmem>> -> memref<50xi32, #tpu.memory_space<vmem>>
    %dma_wait3A_792 = arith.constant 0 : i32
    %dma_wait3A_793 = arith.constant 0 : i32
    %dma_wait3A_794 = tpu.memref_slice %arg2[%dma_wait3A_792, %dma_wait3A_793] : memref<100001x128xf32, #tpu.memory_space<hbm>> -> memref<100001x128xf32, #tpu.memory_space<hbm>>
    tpu.wait_indirect_dma semaphore(%arg7 : memref<!tpu.dma_semaphore, #tpu.memory_space<semaphore_mem>>) src(%dma_wait3A_794 : memref<100001x128xf32, #tpu.memory_space<hbm>>) dst(%dma_wait3A_788 : memref<50x128xf32, #tpu.memory_space<vmem>>)
    %add3A_795 = arith.constant 510 : i32
    %add3A_796 = arith.addi %mul3A_2, %add3A_795 : i32
    %dma_start3A_797 = arith.constant 6 : i32
    %dma_start3A_798 = arith.constant 0 : i32
    %dma_start3A_799 = arith.constant 0 : i32
    %dma_start3A_800 = tpu.memref_slice %arg6[%dma_start3A_797, %dma_start3A_798, %dma_start3A_799] : memref<8x50x128xf32, #tpu.memory_space<vmem>> -> memref<1x50x128xf32, #tpu.memory_space<vmem>>
    %dma_start3A_801 = tpu.memref_squeeze %dma_start3A_800 : memref<1x50x128xf32, #tpu.memory_space<vmem>> -> memref<50x128xf32, #tpu.memory_space<vmem>>
    %dma_start3A_802 = arith.constant 0 : i32
    %dma_start3A_803 = arith.constant 0 : i32
    %dma_start3A_804 = tpu.memref_slice %arg4[%add3A_796, %dma_start3A_802, %dma_start3A_803] : memref<16384x50x128xf32, #tpu.memory_space<hbm>> -> memref<1x50x128xf32, #tpu.memory_space<hbm>>
    %dma_start3A_805 = tpu.memref_squeeze %dma_start3A_804 : memref<1x50x128xf32, #tpu.memory_space<hbm>> -> memref<50x128xf32, #tpu.memory_space<hbm>>
    %dma_start3A_806 = arith.constant 0 : i32
    %dma_start3A_807 = arith.constant 0 : i32
    %dma_start3A_808 = tpu.memref_slice %arg4[%add3A_796, %dma_start3A_806, %dma_start3A_807] : memref<16384x50x128xf32, #tpu.memory_space<hbm>> -> memref<1x50x128xf32, #tpu.memory_space<hbm>>
    %dma_start3A_809 = tpu.memref_squeeze %dma_start3A_808 : memref<1x50x128xf32, #tpu.memory_space<hbm>> -> memref<50x128xf32, #tpu.memory_space<hbm>>
    %dma_start3A_810 = arith.constant 0 : i32
    %dma_start3A_811 = arith.constant 0 : i32
    %dma_start3A_812 = tpu.memref_slice %arg6[%dma_start3A_797, %dma_start3A_810, %dma_start3A_811] : memref<8x50x128xf32, #tpu.memory_space<vmem>> -> memref<1x50x128xf32, #tpu.memory_space<vmem>>
    %dma_start3A_813 = tpu.memref_squeeze %dma_start3A_812 : memref<1x50x128xf32, #tpu.memory_space<vmem>> -> memref<50x128xf32, #tpu.memory_space<vmem>>
    tpu.enqueue_dma source(%dma_start3A_813 : memref<50x128xf32, #tpu.memory_space<vmem>>) target(%dma_start3A_809 : memref<50x128xf32, #tpu.memory_space<hbm>>) target_semaphore(%arg8 : memref<!tpu.dma_semaphore, #tpu.memory_space<semaphore_mem>>)
    %dma_wait3A_814 = arith.constant 511 : i32
    %dma_wait3A_815 = arith.constant 7 : i32
    %dma_wait3A_816 = arith.constant 0 : i32
    %dma_wait3A_817 = arith.constant 0 : i32
    %dma_wait3A_818 = tpu.memref_slice %arg6[%dma_wait3A_815, %dma_wait3A_816, %dma_wait3A_817] : memref<8x50x128xf32, #tpu.memory_space<vmem>> -> memref<1x50x128xf32, #tpu.memory_space<vmem>>
    %dma_wait3A_819 = tpu.memref_squeeze %dma_wait3A_818 : memref<1x50x128xf32, #tpu.memory_space<vmem>> -> memref<50x128xf32, #tpu.memory_space<vmem>>
    %dma_wait3A_820 = arith.constant 0 : i32
    %dma_wait3A_821 = tpu.memref_slice %arg5[%dma_wait3A_814, %dma_wait3A_820] : memref<512x128xi32, #tpu.memory_space<vmem>> -> memref<1x50xi32, #tpu.memory_space<vmem>>
    %dma_wait3A_822 = tpu.memref_squeeze %dma_wait3A_821 : memref<1x50xi32, #tpu.memory_space<vmem>> -> memref<50xi32, #tpu.memory_space<vmem>>
    %dma_wait3A_823 = arith.constant 0 : i32
    %dma_wait3A_824 = arith.constant 0 : i32
    %dma_wait3A_825 = tpu.memref_slice %arg2[%dma_wait3A_823, %dma_wait3A_824] : memref<100001x128xf32, #tpu.memory_space<hbm>> -> memref<100001x128xf32, #tpu.memory_space<hbm>>
    tpu.wait_indirect_dma semaphore(%arg7 : memref<!tpu.dma_semaphore, #tpu.memory_space<semaphore_mem>>) src(%dma_wait3A_825 : memref<100001x128xf32, #tpu.memory_space<hbm>>) dst(%dma_wait3A_819 : memref<50x128xf32, #tpu.memory_space<vmem>>)
    %add3A_826 = arith.constant 511 : i32
    %add3A_827 = arith.addi %mul3A_2, %add3A_826 : i32
    %dma_start3A_828 = arith.constant 7 : i32
    %dma_start3A_829 = arith.constant 0 : i32
    %dma_start3A_830 = arith.constant 0 : i32
    %dma_start3A_831 = tpu.memref_slice %arg6[%dma_start3A_828, %dma_start3A_829, %dma_start3A_830] : memref<8x50x128xf32, #tpu.memory_space<vmem>> -> memref<1x50x128xf32, #tpu.memory_space<vmem>>
    %dma_start3A_832 = tpu.memref_squeeze %dma_start3A_831 : memref<1x50x128xf32, #tpu.memory_space<vmem>> -> memref<50x128xf32, #tpu.memory_space<vmem>>
    %dma_start3A_833 = arith.constant 0 : i32
    %dma_start3A_834 = arith.constant 0 : i32
    %dma_start3A_835 = tpu.memref_slice %arg4[%add3A_827, %dma_start3A_833, %dma_start3A_834] : memref<16384x50x128xf32, #tpu.memory_space<hbm>> -> memref<1x50x128xf32, #tpu.memory_space<hbm>>
    %dma_start3A_836 = tpu.memref_squeeze %dma_start3A_835 : memref<1x50x128xf32, #tpu.memory_space<hbm>> -> memref<50x128xf32, #tpu.memory_space<hbm>>
    %dma_start3A_837 = arith.constant 0 : i32
    %dma_start3A_838 = arith.constant 0 : i32
    %dma_start3A_839 = tpu.memref_slice %arg4[%add3A_827, %dma_start3A_837, %dma_start3A_838] : memref<16384x50x128xf32, #tpu.memory_space<hbm>> -> memref<1x50x128xf32, #tpu.memory_space<hbm>>
    %dma_start3A_840 = tpu.memref_squeeze %dma_start3A_839 : memref<1x50x128xf32, #tpu.memory_space<hbm>> -> memref<50x128xf32, #tpu.memory_space<hbm>>
    %dma_start3A_841 = arith.constant 0 : i32
    %dma_start3A_842 = arith.constant 0 : i32
    %dma_start3A_843 = tpu.memref_slice %arg6[%dma_start3A_828, %dma_start3A_841, %dma_start3A_842] : memref<8x50x128xf32, #tpu.memory_space<vmem>> -> memref<1x50x128xf32, #tpu.memory_space<vmem>>
    %dma_start3A_844 = tpu.memref_squeeze %dma_start3A_843 : memref<1x50x128xf32, #tpu.memory_space<vmem>> -> memref<50x128xf32, #tpu.memory_space<vmem>>
    tpu.enqueue_dma source(%dma_start3A_844 : memref<50x128xf32, #tpu.memory_space<vmem>>) target(%dma_start3A_840 : memref<50x128xf32, #tpu.memory_space<hbm>>) target_semaphore(%arg8 : memref<!tpu.dma_semaphore, #tpu.memory_space<semaphore_mem>>)
    %scan3A_845 = arith.constant 0 : i32
    %scan3A_846 = arith.constant 0 : i32
    %scan3A_847 = arith.addi %scan3A_845, %scan3A_846 : i32
    %scan3A_848 = arith.constant 0 : i32
    %scan3A_849 = arith.constant 0 : i32
    %scan3A_850 = arith.constant 8 : i32
    %scan3A_851 = arith.addi %scan3A_849, %scan3A_850 : i32
    %scan3A_852 = arith.constant 1 : i32
    scf.for %scan3A_854 = %scan3A_849 to %scan3A_851 step %scan3A_852  : i32 {
      %mul3A_855 = arith.constant 1 : i32
      %mul3A_856 = arith.muli %scan3A_854, %mul3A_855 : i32
      %add3A_857 = arith.constant 504 : i32
      %add3A_858 = arith.addi %add3A_857, %mul3A_856 : i32
      %jit3A = arith.constant 8 : i32
      %eq3A = arith.constant 0 : i32
      %eq3A_859 = arith.cmpi eq, %jit3A, %eq3A : i32
      %jit3A_860 = arith.constant 1 : i32
      %select_n3A = arith.select %eq3A_859, %jit3A_860, %jit3A : i32
      %rem3A = arith.remsi %add3A_858, %select_n3A : i32
      %ne3A = arith.constant 0 : i32
      %ne3A_861 = arith.cmpi ne, %rem3A, %ne3A : i32
      %lt3A = arith.constant 0 : i32
      %lt3A_862 = arith.cmpi slt, %rem3A, %lt3A : i32
      %lt3A_863 = arith.constant 0 : i32
      %lt3A_864 = arith.cmpi slt, %select_n3A, %lt3A_863 : i32
      %ne3A_865 = arith.xori %lt3A_862, %lt3A_864 : i1
      %and3A = arith.andi %ne3A_865, %ne3A_861 : i1
      %add3A_866 = arith.addi %rem3A, %select_n3A : i32
      %select_n3A_867 = arith.select %and3A, %add3A_866, %rem3A : i32
      %add3A_868 = arith.addi %mul3A_2, %add3A_858 : i32
      %dma_wait3A_869 = arith.constant 0 : i32
      %dma_wait3A_870 = arith.constant 0 : i32
      %dma_wait3A_871 = tpu.memref_slice %arg6[%select_n3A_867, %dma_wait3A_869, %dma_wait3A_870] : memref<8x50x128xf32, #tpu.memory_space<vmem>> -> memref<1x50x128xf32, #tpu.memory_space<vmem>>
      %dma_wait3A_872 = tpu.memref_squeeze %dma_wait3A_871 : memref<1x50x128xf32, #tpu.memory_space<vmem>> -> memref<50x128xf32, #tpu.memory_space<vmem>>
      %dma_wait3A_873 = arith.constant 0 : i32
      %dma_wait3A_874 = arith.constant 0 : i32
      %dma_wait3A_875 = tpu.memref_slice %arg4[%add3A_868, %dma_wait3A_873, %dma_wait3A_874] : memref<16384x50x128xf32, #tpu.memory_space<hbm>> -> memref<1x50x128xf32, #tpu.memory_space<hbm>>
      %dma_wait3A_876 = tpu.memref_squeeze %dma_wait3A_875 : memref<1x50x128xf32, #tpu.memory_space<hbm>> -> memref<50x128xf32, #tpu.memory_space<hbm>>
      %dma_wait3A_877 = arith.constant 0 : i32
      %dma_wait3A_878 = arith.constant 0 : i32
      %dma_wait3A_879 = tpu.memref_slice %arg4[%add3A_868, %dma_wait3A_877, %dma_wait3A_878] : memref<16384x50x128xf32, #tpu.memory_space<hbm>> -> memref<1x50x128xf32, #tpu.memory_space<hbm>>
      %dma_wait3A_880 = tpu.memref_squeeze %dma_wait3A_879 : memref<1x50x128xf32, #tpu.memory_space<hbm>> -> memref<50x128xf32, #tpu.memory_space<hbm>>
      %dma_wait3A_881 = arith.constant 0 : i32
      %dma_wait3A_882 = arith.constant 0 : i32
      %dma_wait3A_883 = tpu.memref_slice %arg6[%select_n3A_867, %dma_wait3A_881, %dma_wait3A_882] : memref<8x50x128xf32, #tpu.memory_space<vmem>> -> memref<1x50x128xf32, #tpu.memory_space<vmem>>
      %dma_wait3A_884 = tpu.memref_squeeze %dma_wait3A_883 : memref<1x50x128xf32, #tpu.memory_space<vmem>> -> memref<50x128xf32, #tpu.memory_space<vmem>>
      tpu.wait_dma2 semaphore(%arg8 : memref<!tpu.dma_semaphore, #tpu.memory_space<semaphore_mem>>) src(%dma_wait3A_884 : memref<50x128xf32, #tpu.memory_space<vmem>>) dst(%dma_wait3A_880 : memref<50x128xf32, #tpu.memory_space<hbm>>)
    }
    %scan3A_853 = arith.constant 8 : i32
    return
  }
}

</mosaic_0001>

<sc_bundles>
// kernel: kernel.3.cloned.1.call-start
scs
__scs_entry_jumppad:
0x0: {  	(pc) =	sbr.rel $0x88, $3  }
0x1: {  	(tag) =	ssettag $0x0;
	lr =	simm.s32 $0x1  }
0x2: {  	[smem:$0x3F9F] =	sst lr;
	_ =	strace $0xD0000000  }
0x3: {  	_ = 	snop  }
0x4: {  	_ = 	snop  }
0x5: {  	_ = 	snop  }
0x6: {  	_ = 	snop  }
0x7: {  	_ = 	snop  }
__scs_overlays_trampoline_lowered:
0x8: {  	[smem:$0x3FAE] =	sst s0  }
0x9: {  	[smem:$0x3FAF] =	sst s1  }
0xa: {  	[smem:$0x3FB0] =	sst s2  }
0xb: {  	[smem:$0x3FB1] =	sst s3  }
0xc: {  	[smem:$0x3FB2] =	sst s4  }
0xd: {  	[smem:$0x3FB3] =	sst s5  }
0xe: {  	[smem:$0x3FB4] =	sst s6  }
0xf: {  	[smem:$0x3FB5] =	sst s7  }
0x10: {  	[smem:$0x3FB6] =	sst s8  }
0x11: {  	[smem:$0x3FB7] =	sst s9;
	s0 =	simm.s32 @!p0 $0x0  }
0x12: {  	s1 =	sld [smem:$0x3F9D];
	s0 =	simm.s32 @p0 $0x1  }
0x13: {  	[smem:$0x3FB8] =	sst s0;
	s0 =	simm.s32 @!p1 $0x0  }
0x14: {  	s2 =	sld [smem:$0x3F9C];
	s0 =	simm.s32 @p1 $0x1  }
0x15: {  	[smem:$0x3FB9] =	sst s0;
	s0 =	simm.s32 @!p2 $0x0  }
0x16: {  	s3 =	sld [smem:$0x3FDB];
	s0 =	simm.s32 @p2 $0x1  }
0x17: {  	s4 =	simm.s32 $0x1BF5;
	[smem:$0x3FBB] =	sst s0  }
0x18: {  	s0 =	sld [smem:$0x3F9E];
	_ =	swait.ge [sflag:s4], $0x0  }
0x19: {  	s7 =	sld [smem:$0x3F9F]  }
0x1a: {  	s8 =	sadd.s32 $0xFFFFE003, lr  }
0x1b: {  	s9 =	sadd.s32 $0xFFFFFEF7, lr;
	s5 =	simm.s32 $0xFFFFFFFF;
	p2 =	slt.u32 s8, $0xFFFFF086  }
0x1c: {  	p1 =	slt.u32 s9, $0xF7A;
	s5 =	simm.s32 @!p2 $0x0  }
0x1d: {  	s5 =	simm.s32 @p1 $0x1;
	p0 =	seq.s32 s7, s2  }
0x1e: {  	s7 =	smul.u32 @!p0 $0xF7A, s2;
	p2 =	seq.s32 @!p0 s5, $0x0  }
0x1f: {  	s9 =	smul.u32 $0xF7A, s1;
	s8 =	simm.s32 @!p0 $0x1BF5;
	p2 =	por !p2, p0  }
0x20: {  	[sflag:s8] =	ssyncset.s32 @!p0 $0xFFFFF086;
	s6 =	sadd.s32 @!p0 s3, s7;
	s7 =	simm.s32 @!p0 $0x108  }
0x21: {  	s3 =	sadd.s32 s3, s9;
	s6 =	sadd.s32 @!p0 $0x88, s6;
	s7 =	simm.s32 @p2 $0x1082  }
0x22: {  	[simem:s7], [sflag:s8] =	dma.local @!p0 [hbm:s6], $0xF7A  }
0x23: {  	s9 =	sor.u32 $0xD0000000, s2;
	s6 =	simm.s32 $0x108;
	_ =	swait.ge @!p0 [sflag:s8], $0x0  }
0x24: {  	s3 =	sadd.s32 $0x88, s3;
	s6 =	simm.s32 @!p1 $0x1082;
	[sflag:s4] =	ssyncset.s32 $0xFFFFF086  }
0x25: {  	[simem:s6], [sflag:s4] =	dma.local [hbm:s3], $0xF7A  }
0x26: {  	[smem:$0x3F9F] =	sst s1;
	(tag) =	ssettag s2;
	_ =	strace s9  }
0x27: {  	s1 =	sld [smem:$0x3FAF]  }
0x28: {  	s2 =	sld [smem:$0x3FB0]  }
0x29: {  	s4 =	sld [smem:$0x3FB2]  }
0x2a: {  	p0 =	seq.s32 s5, $0x0;
	s5 =	sld [smem:$0x3FB3]  }
0x2b: {  	s6 =	sld [smem:$0x3FB4]  }
0x2c: {  	s7 =	sld [smem:$0x3FB5]  }
0x2d: {  	s3 =	simm.s32 $0x108;
	s8 =	sld [smem:$0x3FB6]  }
0x2e: {  	s3 =	simm.s32 @!p0 $0x1082;
	s9 =	sld [smem:$0x3FB7]  }
0x2f: {  	lr =	sadd.s32 s0, s3;
	s0 =	sld [smem:$0x3FAE]  }
0x30: {  	s3 =	sld [smem:$0x3FB1]  }
0x31: {  	[smem:$0x3FBA] =	sst s10  }
0x32: {  	s10 =	sld [smem:$0x3FB8];
	_ =	sdelay $0x3  }
0x33: {  	p0 =	seq.s32 s10, $0x1;
	s10 =	sld [smem:$0x3FBA];
	_ =	sdelay $0x3  }
0x34: {  	[smem:$0x3FBA] =	sst s10  }
0x35: {  	s10 =	sld [smem:$0x3FB9];
	_ =	sdelay $0x3  }
0x36: {  	p1 =	seq.s32 s10, $0x1;
	s10 =	sld [smem:$0x3FBA];
	_ =	sdelay $0x3  }
0x37: {  	[smem:$0x3FBA] =	sst s10  }
0x38: {  	s10 =	sld [smem:$0x3FBB]  }
0x39: {  	_ = 	snop;
	(pc) =	sbr.ind lr, $3  }
0x3a: {  	_ = 	snop  }
0x3b: {  	_ = 	snop  }
0x3c: {  	p2 =	seq.s32 s10, $0x1;
	s10 =	sld [smem:$0x3FBA]  }
0x3d: {  	_ =	shalt  }
0x3e: {  	_ =	shalt  }
0x3f: {  	_ =	shalt  }
0x40: {  	_ =	shalt  }
0x41: {  	_ =	shalt  }
0x42: {  	_ =	shalt  }
0x43: {  	_ =	shalt  }
0x44: {  	_ =	shalt  }
0x45: {  	_ =	shalt  }
0x46: {  	_ =	shalt  }
0x47: {  	_ =	shalt  }
0x48: {  	_ =	shalt  }
0x49: {  	_ =	shalt  }
0x4a: {  	_ =	shalt  }
0x4b: {  	_ =	shalt  }
0x4c: {  	_ =	shalt  }
0x4d: {  	_ =	shalt  }
0x4e: {  	_ =	shalt  }
0x4f: {  	_ =	shalt  }
0x50: {  	_ =	shalt  }
0x51: {  	_ =	shalt  }
0x52: {  	_ =	shalt  }
0x53: {  	_ =	shalt  }
0x54: {  	_ =	shalt  }
0x55: {  	_ =	shalt  }
0x56: {  	_ =	shalt  }
0x57: {  	_ =	shalt  }
0x58: {  	_ =	shalt  }
0x59: {  	_ =	shalt  }
0x5a: {  	_ =	shalt  }
0x5b: {  	_ =	shalt  }
0x5c: {  	_ =	shalt  }
0x5d: {  	_ =	shalt  }
0x5e: {  	_ =	shalt  }
0x5f: {  	_ =	shalt  }
0x60: {  	_ =	shalt  }
0x61: {  	_ =	shalt  }
0x62: {  	_ =	shalt  }
0x63: {  	_ =	shalt  }
0x64: {  	_ =	shalt  }
0x65: {  	_ =	shalt  }
0x66: {  	_ =	shalt  }
0x67: {  	_ =	shalt  }
0x68: {  	_ =	shalt  }
0x69: {  	_ =	shalt  }
0x6a: {  	_ =	shalt  }
0x6b: {  	_ =	shalt  }
0x6c: {  	_ =	shalt  }
0x6d: {  	_ =	shalt  }
0x6e: {  	_ =	shalt  }
0x6f: {  	_ =	shalt  }
0x70: {  	_ =	shalt  }
0x71: {  	_ =	shalt  }
0x72: {  	_ =	shalt  }
0x73: {  	_ =	shalt  }
0x74: {  	_ =	shalt  }
0x75: {  	_ =	shalt  }
0x76: {  	_ =	shalt  }
0x77: {  	_ =	shalt  }
0x78: {  	_ =	shalt  }
0x79: {  	_ =	shalt  }
0x7a: {  	_ =	shalt  }
0x7b: {  	_ =	shalt  }
0x7c: {  	_ =	shalt  }
0x7d: {  	_ =	shalt  }
0x7e: {  	_ =	shalt  }
0x7f: {  	_ =	shalt  }
0x80: {  	_ =	shalt  }
0x81: {  	_ =	shalt  }
0x82: {  	_ =	shalt  }
0x83: {  	_ =	shalt  }
0x84: {  	_ =	shalt  }
0x85: {  	_ =	shalt  }
0x86: {  	_ =	shalt  }
0x87: {  	_ =	shalt  }
.Lfunc_end0:
.L_simem_size_0:
called_computation.1_lowered:
.L_overlay_start_0:
0x88: {  	s2 =	sld [smem:$0x3FD9]  }
0x89: {  	s3 =	sld [smem:$0x3FFE];
	_ =	sdelay $0x1  }
0x8a: {  	s1 =	srdreg.scid  }
0x8b: {  	s0 =	sand.u32 $0x1, s1  }
0x8c: {  	s16 =	sshll.u32 s0, $0xA;
	s2 =	sadd.s32 s3, s2  }
0x8d: {  	s2 =	sadd.s32 s2, s16  }
0x8e: {  	[smem:$0x3FC6] =	sst s2  }
0x8f: {  	_ = 	snop  }
0x90: {  	(tm) =	ssettm $0x1  }
0x91: {  	s17 =	sld [smem:$0x3FFB];
	_ =	sdelay $0x3  }
0x92: {  	_ =	strace s17  }
0x93: {  	s2 =	sld [smem:$0x3FFC];
	_ =	sdelay $0x3  }
0x94: {  	_ =	strace s2  }
0x95: {  	s2 =	sld [smem:$0x3FFD];
	_ =	sdelay $0x3  }
0x96: {  	_ =	strace s2  }
0x97: {  	_ =	strace $0x8FFFFFFF  }
0x98: {  	s18 =	sld [smem:$0x3FDB];
	_ =	sdelay $0x1  }
0x99: {  	s19 =	simm.s32 $_scs_section_size  }
0x9a: {  	s4 =	simm.s32 $_size__tile_overlayer_lowered;
	s5 =	simm.s32 $_tile_overlayer_lowered  }
0x9b: {  	s22 =	simm.s32 $0x1BFF;
	s21 =	sshll.u32 s5, $0x1;
	s2 =	sadd.s32 s19, s18  }
0x9c: {  	s6 =	simm.s32 $0x0;
	s20 =	sshll.u32 s4, $0x1;
	s4 =	sadd.s32 s21, s2  }
0x9d: {  	[timem:s6], [sflag:s22] =	dma.local [hbm:s4], s20  }
0x9e: {  	_ =	swait.ge [sflag:s22], s20  }
0x9f: {  	s3 =	ssub.s32 $0x0, s20;
	[sflag:s22] =	ssyncset.done $0x0  }
0xa0: {  	[sflag:s22] =	ssyncadd.s32 s3;
	_ =	sdelay $0x1  }
0xa1: {  	s23 =	simm.s32 $0x1B8B  }
0xa2: {  	_ =	swait.ge [sflag:s23], $0x1  }
0xa3: {  	[sflag:s23] =	ssyncset.done $0x0  }
0xa4: {  	s25 =	simm.s32 $0x1B8E;
	s24 =	sld [smem:$0x3FFE];
	[sflag:s23] =	ssyncadd.s32 $0xFFFFFFFF  }
0xa5: {  	s26 =	simm.s32 $execute0_lowered;
	[smem:$0x3FD2] =	sst s25  }
0xa6: {  	s4 =	sshll.u32 s26, $0x1;
	_ =	strace $0x80000046;
	[dreg:$0x1] =	wrdreg $0xFFFFFFFF  }
0xa7: {  	s28 =	simm.s32 $_size_execute0_lowered;
	s2 =	sadd.s32 s2, s4;
	[dreg:$0x0] =	wrdreg $0x0  }
0xa8: {  	s4 =	sshll.u32 s28, $0x1;
	[dreg:$0x2] =	wrdreg s2  }
0xa9: {  	[dreg:$0x3] =	wrdreg s4  }
0xaa: {  	[dreg:$0x4] =	wrdreg $0xC0  }
0xab: {  	_ =	task [dreg:s6], $0x5FFFF  }
0xac: {  	[dreg:$0x1] =	wrdreg $0xFFFFFFFF  }
0xad: {  	[dreg:$0x0] =	wrdreg $0x60  }
0xae: {  	[dreg:$0x2] =	wrdreg s24  }
0xaf: {  	[dreg:$0x3] =	wrdreg $0x9  }
0xb0: {  	_ =	task.clear_ibuf [dreg:s6], $0x4FFFF;
	_ =	strace $0x90000046  }
0xb1: {  	s29 =	simm.s32 $0x9;
	_ =	strace $0x80000048  }
0xb2: {  	_ =	swait.ge [sflag:s29], $0x1  }
0xb3: {  	[sflag:s29] =	ssyncadd.s32 $0xFFFFFFFF  }
0xb4: {  	_ =	strace $0x90000048  }
0xb5: {  	_ =	sfence  }
0xb6: {  	s30 =	sld [smem:$0x0];
	_ =	sdelay $0x2  }
0xb7: {  	s31 =	sshll.u32 s1, $0xD;
	s1 =	sshrl.u32 s1, $0x2  }
0xb8: {  	s3 =	sand.u32 $0x4000, s31;
	s1 =	sadd.s32 s1, s30  }
0xb9: {  	s0 =	sor.u32 s3, s0;
	s1 =	sshll.u32 s1, $0x11  }
0xba: {  	s0 =	sor.u32 s1, s0  }
0xbb: {  	s0 =	sadd.s32 $0x8F2B, s0  }
0xbc: {  	[sflag:s0] =	ssyncadd.remote.s32 $0x1  }
0xbd: {  	_ =	sfence.sel $0xFFFF  }
0xbe: {  	[dreg:$0x0] =	wrdreg $0xFFFFFFFF;
	(pc) =	sbr.abs _section_cstart, $3  }
0xbf: {  	[dreg:$0x1] =	wrdreg $0xFFFFFFFF  }
0xc0: {  	_ =	task.clear_ibuf [dreg:s6], $0x2FFFF;
	_ =	strace $0x9FFFFFFF  }
0xc1: {  	(tm) =	ssettm $0x7FFFFFFF  }
tec
execute0_lowered:
.L_overlay_start_1:
0x0: {  	(tag) =	ssettag $0x1  }
0x1: {  	s0 =	rddreg [dreg:$0x0]  }
0x2: {  	s2 =	simm.s32 $0x0;
	s1 =	srdreg.scid;
	s9 =	stileid.u32  }
0x3: {  	s28 =	simm.s32 $0x11C00;
	s30 =	simm.s32 $0x13800;
	s29 =	simm.s32 $0x1  }
0x4: {  	s31 =	simm.s32 $0x1A800;
	s1 =	sand.u32 $0x1, s1;
	s4 =	sshll.u32 s9, $0x1  }
0x5: {  	[smem:$0x7FF] =	sst s2;
	s3 =	sadd.s32 $0x40800, s0;
	s4 =	sor.u32 s1, s4  }
0x6: {  	s5 =	ssub.s32 $0x2, s1;
	s6 =	sshll.u32 s4, $0xD;
	s8 =	smul.u32 $0x70000, s4  }
0x7: {  	s7 =	sshrl.u32 s5, $0x1;
	s6 =	sadd.s32 s6, s0;
	s0 =	sadd.s32 $0x1C7400, s0  }
0x8: {  	s7 =	ssub.s32 s5, s7;
	s18 =	sadd.s32 $0x800, s6;
	s5 =	sadd.s32 s0, s8  }
0x9: {  	_ =	strace $0x80000047;
	[dreg:$0x2] =	wrdreg s18;
	s19 =	sadd.s32 $0x380, s5  }
0xa: {  	s26 =	smul.u32 $0xE0000, s9;
	s20 =	sadd.s32 $0x700, s5;
	[dreg:$0x3] =	wrdreg s19  }
0xb: {  	s4 =	smul.u32 $0x380000, s4;
	s21 =	sadd.s32 $0xA80, s5;
	[dreg:$0x4] =	wrdreg s20  }
0xc: {  	s1 =	smul.u32 $0x70000, s1;
	s22 =	sadd.s32 $0xE00, s5;
	[dreg:$0x5] =	wrdreg s21  }
0xd: {  	s4 =	sshrl.u32 s4, $0x3;
	s23 =	sadd.s32 $0x1180, s5;
	[dreg:$0x6] =	wrdreg s22  }
0xe: {  	s6 =	simm.s32 $0x2;
	s24 =	sadd.s32 $0x1500, s5;
	[dreg:$0x7] =	wrdreg s23  }
0xf: {  	s25 =	sadd.s32 $0x1880, s5;
	s4 =	sadd.s32 s0, s4;
	[dreg:$0x8] =	wrdreg s24  }
0x10: {  	s0 =	sadd.s32 s26, s0;
	s26 =	simm.s32 $0x17000;
	[dreg:$0x9] =	wrdreg s25  }
0x11: {  	s13 =	sadd.s32 $0x6E400, s4;
	s14 =	sadd.s32 $0x6E780, s4;
	s15 =	sadd.s32 $0x6EB00, s4  }
0x12: {  	s16 =	sadd.s32 $0x6EE80, s4;
	s17 =	sadd.s32 $0x6F200, s4;
	s18 =	sadd.s32 $0x6F580, s4  }
0x13: {  	s19 =	sadd.s32 $0x6F900, s4;
	s20 =	sadd.s32 $0x6FC80, s4;
	s0 =	sadd.s32 s1, s0  }
0x14: {  	s21 =	smax.u32 s7, $0x1;
	s23 =	simm.s32 $0x3;
	s24 =	simm.s32 $0x32  }
0x15: {  	s25 =	simm.s32 $0x10000;
	s1 =	simm.s32 $0x18C00;
	s4 =	simm.s32 $0x1C400  }
0x16: {  	s7 =	simm.s32 $0x0;
	s10 =	sadd.s32 $0x3480, s0;
	s0 =	simm.s32 $0x15400  }
.LBB2_1:
0x17: {  	s8 =	rddreg [dreg:$0x2]  }
0x18: {  	[tilespmem:s2], [sflag:$0x3] =	stream.linear.gather [hbm4b:s8+s2], $0x10000, $0x38;
	[tilespmem:$0x1E000] =	vst v63  }
0x19: {  	_ =	swait.ge [sflag:s23], $0x10000  }
0x1a: {  	[sflag:s23] =	ssyncset.done $0x0  }
0x1b: {  	[sflag:s23] =	ssyncadd.s32 $0xFFFF0000  }
0x1c: {  	[tilespmem:s25], [sflag:$0x1] =	stream.indirect.gather [hbm4b:s3+s24], $0x80, s2, s24, $0xb8;
	[tilespmem:$0x1E000] =	vst v63  }
0x1d: {  	s12 =	simm.s32 $0x80  }
0x1e: {  	[tilespmem:s28], [sflag:$0x1] =	stream.indirect.gather [hbm4b:s3+s24], $0x80, s12, s24, $0xb8;
	[tilespmem:$0x1E000] =	vst v63  }
0x1f: {  	s22 =	simm.s32 $0x100  }
0x20: {  	[tilespmem:s30], [sflag:$0x1] =	stream.indirect.gather [hbm4b:s3+s24], $0x80, s22, s24, $0xb8;
	[tilespmem:$0x1E000] =	vst v63  }
0x21: {  	s9 =	simm.s32 $0x180  }
0x22: {  	[tilespmem:s0], [sflag:$0x1] =	stream.indirect.gather [hbm4b:s3+s24], $0x80, s9, s24, $0xb8;
	[tilespmem:$0x1E000] =	vst v63  }
0x23: {  	s11 =	simm.s32 $0x200  }
0x24: {  	[tilespmem:s26], [sflag:$0x1] =	stream.indirect.gather [hbm4b:s3+s24], $0x80, s11, s24, $0xb8;
	[tilespmem:$0x1E000] =	vst v63  }
0x25: {  	_ =	swait.ge [sflag:s29], $0x1900  }
0x26: {  	[sflag:s29] =	ssyncset.done $0x0  }
0x27: {  	s12 =	simm.s32 $0x280;
	[sflag:s29] =	ssyncadd.s32 $0xFFFFE700  }
0x28: {  	[tilespmem:s1], [sflag:$0x1] =	stream.indirect.gather [hbm4b:s3+s24], $0x80, s12, s24, $0xb8;
	[tilespmem:$0x1E000] =	vst v63  }
0x29: {  	_ = 	snop  }
0x2a: {  	[hbm4b:s5+s2] =	stream.linear.scatter [tilespmem:s25], [sflag:$0x2], $0x1900, $0x38;
	[tilespmem:$0x1E000] =	vst v63  }
0x2b: {  	_ =	swait.ge [sflag:s29], $0x1900  }
0x2c: {  	[sflag:s29] =	ssyncset.done $0x0  }
0x2d: {  	s22 =	simm.s32 $0x300;
	[sflag:s29] =	ssyncadd.s32 $0xFFFFE700  }
0x2e: {  	[tilespmem:s31], [sflag:$0x1] =	stream.indirect.gather [hbm4b:s3+s24], $0x80, s22, s24, $0xb8;
	[tilespmem:$0x1E000] =	vst v63  }
0x2f: {  	s9 =	rddreg [dreg:$0x3]  }
0x30: {  	[hbm4b:s9+s2] =	stream.linear.scatter [tilespmem:s28], [sflag:$0x2], $0x1900, $0x38;
	[tilespmem:$0x1E000] =	vst v63  }
0x31: {  	_ =	swait.ge [sflag:s29], $0x1900  }
0x32: {  	[sflag:s29] =	ssyncset.done $0x0  }
0x33: {  	s11 =	simm.s32 $0x380;
	[sflag:s29] =	ssyncadd.s32 $0xFFFFE700  }
0x34: {  	[tilespmem:s4], [sflag:$0x1] =	stream.indirect.gather [hbm4b:s3+s24], $0x80, s11, s24, $0xb8;
	[tilespmem:$0x1E000] =	vst v63  }
0x35: {  	s12 =	rddreg [dreg:$0x4]  }
0x36: {  	[hbm4b:s12+s2] =	stream.linear.scatter [tilespmem:s30], [sflag:$0x2], $0x1900, $0x38;
	[tilespmem:$0x1E000] =	vst v63  }
0x37: {  	_ =	swait.ge [sflag:s29], $0x1900  }
0x38: {  	[sflag:s29] =	ssyncset.done $0x0  }
0x39: {  	[sflag:s29] =	ssyncadd.s32 $0xFFFFE700  }
0x3a: {  	_ =	swait.ge [sflag:s6], $0x1900  }
0x3b: {  	[sflag:s6] =	ssyncset.done $0x0  }
0x3c: {  	s22 =	simm.s32 $0x400;
	[sflag:s6] =	ssyncadd.s32 $0xFFFFE700  }
0x3d: {  	[tilespmem:s25], [sflag:$0x1] =	stream.indirect.gather [hbm4b:s3+s24], $0x80, s22, s24, $0xb8;
	[tilespmem:$0x1E000] =	vst v63  }
0x3e: {  	s9 =	rddreg [dreg:$0x5]  }
0x3f: {  	[hbm4b:s9+s2] =	stream.linear.scatter [tilespmem:s0], [sflag:$0x2], $0x1900, $0x38;
	[tilespmem:$0x1E000] =	vst v63  }
0x40: {  	_ =	swait.ge [sflag:s29], $0x1900  }
0x41: {  	[sflag:s29] =	ssyncset.done $0x0  }
0x42: {  	[sflag:s29] =	ssyncadd.s32 $0xFFFFE700  }
0x43: {  	_ =	swait.ge [sflag:s6], $0x1900  }
0x44: {  	[sflag:s6] =	ssyncset.done $0x0  }
0x45: {  	s11 =	simm.s32 $0x480;
	[sflag:s6] =	ssyncadd.s32 $0xFFFFE700  }
0x46: {  	[tilespmem:s28], [sflag:$0x1] =	stream.indirect.gather [hbm4b:s3+s24], $0x80, s11, s24, $0xb8;
	[tilespmem:$0x1E000] =	vst v63  }
0x47: {  	s12 =	rddreg [dreg:$0x6]  }
0x48: {  	[hbm4b:s12+s2] =	stream.linear.scatter [tilespmem:s26], [sflag:$0x2], $0x1900, $0x38;
	[tilespmem:$0x1E000] =	vst v63  }
0x49: {  	_ =	swait.ge [sflag:s29], $0x1900  }
0x4a: {  	[sflag:s29] =	ssyncset.done $0x0  }
0x4b: {  	[sflag:s29] =	ssyncadd.s32 $0xFFFFE700  }
0x4c: {  	_ =	swait.ge [sflag:s6], $0x1900  }
0x4d: {  	[sflag:s6] =	ssyncset.done $0x0  }
0x4e: {  	s22 =	simm.s32 $0x500;
	[sflag:s6] =	ssyncadd.s32 $0xFFFFE700  }
0x4f: {  	[tilespmem:s30], [sflag:$0x1] =	stream.indirect.gather [hbm4b:s3+s24], $0x80, s22, s24, $0xb8;
	[tilespmem:$0x1E000] =	vst v63  }
0x50: {  	s9 =	rddreg [dreg:$0x7]  }
0x51: {  	[hbm4b:s9+s2] =	stream.linear.scatter [tilespmem:s1], [sflag:$0x2], $0x1900, $0x38;
	[tilespmem:$0x1E000] =	vst v63  }
0x52: {  	_ =	swait.ge [sflag:s29], $0x1900  }
0x53: {  	[sflag:s29] =	ssyncset.done $0x0  }
0x54: {  	[sflag:s29] =	ssyncadd.s32 $0xFFFFE700  }
0x55: {  	_ =	swait.ge [sflag:s6], $0x1900  }
0x56: {  	[sflag:s6] =	ssyncset.done $0x0  }
0x57: {  	s11 =	simm.s32 $0x580;
	[sflag:s6] =	ssyncadd.s32 $0xFFFFE700  }
0x58: {  	[tilespmem:s0], [sflag:$0x1] =	stream.indirect.gather [hbm4b:s3+s24], $0x80, s11, s24, $0xb8;
	[tilespmem:$0x1E000] =	vst v63  }
0x59: {  	s12 =	rddreg [dreg:$0x8]  }
0x5a: {  	[hbm4b:s12+s2] =	stream.linear.scatter [tilespmem:s31], [sflag:$0x2], $0x1900, $0x38;
	[tilespmem:$0x1E000] =	vst v63  }
0x5b: {  	_ =	swait.ge [sflag:s29], $0x1900  }
0x5c: {  	[sflag:s29] =	ssyncset.done $0x0  }
0x5d: {  	[sflag:s29] =	ssyncadd.s32 $0xFFFFE700  }
0x5e: {  	_ =	swait.ge [sflag:s6], $0x1900  }
0x5f: {  	[sflag:s6] =	ssyncset.done $0x0  }
0x60: {  	s22 =	simm.s32 $0x600;
	[sflag:s6] =	ssyncadd.s32 $0xFFFFE700  }
0x61: {  	[tilespmem:s26], [sflag:$0x1] =	stream.indirect.gather [hbm4b:s3+s24], $0x80, s22, s24, $0xb8;
	[tilespmem:$0x1E000] =	vst v63  }
0x62: {  	s9 =	rddreg [dreg:$0x9]  }
0x63: {  	[hbm4b:s9+s2] =	stream.linear.scatter [tilespmem:s4], [sflag:$0x2], $0x1900, $0x38;
	[tilespmem:$0x1E000] =	vst v63  }
0x64: {  	_ =	swait.ge [sflag:s29], $0x1900  }
0x65: {  	[sflag:s29] =	ssyncset.done $0x0  }
0x66: {  	[sflag:s29] =	ssyncadd.s32 $0xFFFFE700  }
0x67: {  	_ =	swait.ge [sflag:s6], $0x1900  }
0x68: {  	[sflag:s6] =	ssyncset.done $0x0  }
0x69: {  	s11 =	simm.s32 $0x680;
	[sflag:s6] =	ssyncadd.s32 $0xFFFFE700  }
0x6a: {  	[tilespmem:s1], [sflag:$0x1] =	stream.indirect.gather [hbm4b:s3+s24], $0x80, s11, s24, $0xb8;
	[tilespmem:$0x1E000] =	vst v63  }
0x6b: {  	s12 =	sadd.s32 $0xFFFFE780, s10  }
0x6c: {  	[hbm4b:s12+s2] =	stream.linear.scatter [tilespmem:s25], [sflag:$0x2], $0x1900, $0x38;
	[tilespmem:$0x1E000] =	vst v63  }
0x6d: {  	_ =	swait.ge [sflag:s29], $0x1900  }
0x6e: {  	[sflag:s29] =	ssyncset.done $0x0  }
0x6f: {  	[sflag:s29] =	ssyncadd.s32 $0xFFFFE700  }
0x70: {  	_ =	swait.ge [sflag:s6], $0x1900  }
0x71: {  	[sflag:s6] =	ssyncset.done $0x0  }
0x72: {  	s22 =	simm.s32 $0x700;
	[sflag:s6] =	ssyncadd.s32 $0xFFFFE700  }
0x73: {  	[tilespmem:s31], [sflag:$0x1] =	stream.indirect.gather [hbm4b:s3+s24], $0x80, s22, s24, $0xb8;
	[tilespmem:$0x1E000] =	vst v63  }
0x74: {  	s9 =	sadd.s32 $0xFFFFEB00, s10  }
0x75: {  	[hbm4b:s9+s2] =	stream.linear.scatter [tilespmem:s28], [sflag:$0x2], $0x1900, $0x38;
	[tilespmem:$0x1E000] =	vst v63  }
0x76: {  	_ =	swait.ge [sflag:s29], $0x1900  }
0x77: {  	[sflag:s29] =	ssyncset.done $0x0  }
0x78: {  	[sflag:s29] =	ssyncadd.s32 $0xFFFFE700  }
0x79: {  	_ =	swait.ge [sflag:s6], $0x1900  }
0x7a: {  	[sflag:s6] =	ssyncset.done $0x0  }
0x7b: {  	s11 =	simm.s32 $0x780;
	[sflag:s6] =	ssyncadd.s32 $0xFFFFE700  }
0x7c: {  	[tilespmem:s4], [sflag:$0x1] =	stream.indirect.gather [hbm4b:s3+s24], $0x80, s11, s24, $0xb8;
	[tilespmem:$0x1E000] =	vst v63  }
0x7d: {  	s12 =	sadd.s32 $0xFFFFEE80, s10  }
0x7e: {  	[hbm4b:s12+s2] =	stream.linear.scatter [tilespmem:s30], [sflag:$0x2], $0x1900, $0x38;
	[tilespmem:$0x1E000] =	vst v63  }
0x7f: {  	_ =	swait.ge [sflag:s29], $0x1900  }
0x80: {  	[sflag:s29] =	ssyncset.done $0x0  }
0x81: {  	[sflag:s29] =	ssyncadd.s32 $0xFFFFE700  }
0x82: {  	_ =	swait.ge [sflag:s6], $0x1900  }
0x83: {  	[sflag:s6] =	ssyncset.done $0x0  }
0x84: {  	s22 =	simm.s32 $0x800;
	[sflag:s6] =	ssyncadd.s32 $0xFFFFE700  }
0x85: {  	[tilespmem:s25], [sflag:$0x1] =	stream.indirect.gather [hbm4b:s3+s24], $0x80, s22, s24, $0xb8;
	[tilespmem:$0x1E000] =	vst v63  }
0x86: {  	s9 =	sadd.s32 $0xFFFFF200, s10  }
0x87: {  	[hbm4b:s9+s2] =	stream.linear.scatter [tilespmem:s0], [sflag:$0x2], $0x1900, $0x38;
	[tilespmem:$0x1E000] =	vst v63  }
0x88: {  	_ =	swait.ge [sflag:s29], $0x1900  }
0x89: {  	[sflag:s29] =	ssyncset.done $0x0  }
0x8a: {  	[sflag:s29] =	ssyncadd.s32 $0xFFFFE700  }
0x8b: {  	_ =	swait.ge [sflag:s6], $0x1900  }
0x8c: {  	[sflag:s6] =	ssyncset.done $0x0  }
0x8d: {  	s11 =	simm.s32 $0x880;
	[sflag:s6] =	ssyncadd.s32 $0xFFFFE700  }
0x8e: {  	[tilespmem:s28], [sflag:$0x1] =	stream.indirect.gather [hbm4b:s3+s24], $0x80, s11, s24, $0xb8;
	[tilespmem:$0x1E000] =	vst v63  }
0x8f: {  	s12 =	sadd.s32 $0xFFFFF580, s10  }
0x90: {  	[hbm4b:s12+s2] =	stream.linear.scatter [tilespmem:s26], [sflag:$0x2], $0x1900, $0x38;
	[tilespmem:$0x1E000] =	vst v63  }
0x91: {  	_ =	swait.ge [sflag:s29], $0x1900  }
0x92: {  	[sflag:s29] =	ssyncset.done $0x0  }
0x93: {  	[sflag:s29] =	ssyncadd.s32 $0xFFFFE700  }
0x94: {  	_ =	swait.ge [sflag:s6], $0x1900  }
0x95: {  	[sflag:s6] =	ssyncset.done $0x0  }
0x96: {  	s22 =	simm.s32 $0x900;
	[sflag:s6] =	ssyncadd.s32 $0xFFFFE700  }
0x97: {  	[tilespmem:s30], [sflag:$0x1] =	stream.indirect.gather [hbm4b:s3+s24], $0x80, s22, s24, $0xb8;
	[tilespmem:$0x1E000] =	vst v63  }
0x98: {  	s9 =	sadd.s32 $0xFFFFF900, s10  }
0x99: {  	[hbm4b:s9+s2] =	stream.linear.scatter [tilespmem:s1], [sflag:$0x2], $0x1900, $0x38;
	[tilespmem:$0x1E000] =	vst v63  }
0x9a: {  	_ =	swait.ge [sflag:s29], $0x1900  }
0x9b: {  	[sflag:s29] =	ssyncset.done $0x0  }
0x9c: {  	[sflag:s29] =	ssyncadd.s32 $0xFFFFE700  }
0x9d: {  	_ =	swait.ge [sflag:s6], $0x1900  }
0x9e: {  	[sflag:s6] =	ssyncset.done $0x0  }
0x9f: {  	s11 =	simm.s32 $0x980;
	[sflag:s6] =	ssyncadd.s32 $0xFFFFE700  }
0xa0: {  	[tilespmem:s0], [sflag:$0x1] =	stream.indirect.gather [hbm4b:s3+s24], $0x80, s11, s24, $0xb8;
	[tilespmem:$0x1E000] =	vst v63  }
0xa1: {  	s12 =	sadd.s32 $0xFFFFFC80, s10  }
0xa2: {  	[hbm4b:s12+s2] =	stream.linear.scatter [tilespmem:s31], [sflag:$0x2], $0x1900, $0x38;
	[tilespmem:$0x1E000] =	vst v63  }
0xa3: {  	_ =	swait.ge [sflag:s29], $0x1900  }
0xa4: {  	[sflag:s29] =	ssyncset.done $0x0  }
0xa5: {  	[sflag:s29] =	ssyncadd.s32 $0xFFFFE700  }
0xa6: {  	_ =	swait.ge [sflag:s6], $0x1900  }
0xa7: {  	[sflag:s6] =	ssyncset.done $0x0  }
0xa8: {  	s22 =	simm.s32 $0xA00;
	[sflag:s6] =	ssyncadd.s32 $0xFFFFE700  }
0xa9: {  	[tilespmem:s26], [sflag:$0x1] =	stream.indirect.gather [hbm4b:s3+s24], $0x80, s22, s24, $0xb8;
	[tilespmem:$0x1E000] =	vst v63  }
0xaa: {  	s8 =	simm.s32 $0x1000;
	s9 =	sadd.s32 $0x1C00, s10;
	s22 =	smov.u32 s10  }
.LBB2_2:
0xab: {  	[hbm4b:s22+s2] =	stream.linear.scatter [tilespmem:s4], [sflag:$0x2], $0x1900, $0x38;
	[tilespmem:$0x1E000] =	vst v63  }
0xac: {  	s11 =	smov.u32 s8;
	s22 =	smov.u32 s9  }
0xad: {  	p0 =	sne.s32 s8, $0x3D000;
	s8 =	sadd.s32 $0x1000, s8;
	_ =	swait.ge [sflag:s29], $0x1900  }
0xae: {  	[sflag:s29] =	ssyncset.done $0x0  }
0xaf: {  	[sflag:s29] =	ssyncadd.s32 $0xFFFFE700  }
0xb0: {  	_ =	swait.ge [sflag:s6], $0x1900  }
0xb1: {  	s11 =	sshra.s32 s11, $0x2;
	[sflag:s6] =	ssyncset.done $0x0  }
0xb2: {  	s12 =	sadd.s32 $0x680, s11;
	[sflag:s6] =	ssyncadd.s32 $0xFFFFE700  }
0xb3: {  	[tilespmem:s1], [sflag:$0x1] =	stream.indirect.gather [hbm4b:s3+s24], $0x80, s12, s24, $0xb8;
	[tilespmem:$0x1E000] =	vst v63  }
0xb4: {  	s12 =	sadd.s32 $0xFFFFE780, s9  }
0xb5: {  	[hbm4b:s12+s2] =	stream.linear.scatter [tilespmem:s25], [sflag:$0x2], $0x1900, $0x38;
	[tilespmem:$0x1E000] =	vst v63  }
0xb6: {  	_ =	swait.ge [sflag:s29], $0x1900  }
0xb7: {  	[sflag:s29] =	ssyncset.done $0x0  }
0xb8: {  	[sflag:s29] =	ssyncadd.s32 $0xFFFFE700  }
0xb9: {  	_ =	swait.ge [sflag:s6], $0x1900  }
0xba: {  	[sflag:s6] =	ssyncset.done $0x0  }
0xbb: {  	s12 =	sadd.s32 $0x700, s11;
	[sflag:s6] =	ssyncadd.s32 $0xFFFFE700  }
0xbc: {  	[tilespmem:s31], [sflag:$0x1] =	stream.indirect.gather [hbm4b:s3+s24], $0x80, s12, s24, $0xb8;
	[tilespmem:$0x1E000] =	vst v63  }
0xbd: {  	s12 =	sadd.s32 $0xFFFFEB00, s9  }
0xbe: {  	[hbm4b:s12+s2] =	stream.linear.scatter [tilespmem:s28], [sflag:$0x2], $0x1900, $0x38;
	[tilespmem:$0x1E000] =	vst v63  }
0xbf: {  	_ =	swait.ge [sflag:s29], $0x1900  }
0xc0: {  	[sflag:s29] =	ssyncset.done $0x0  }
0xc1: {  	[sflag:s29] =	ssyncadd.s32 $0xFFFFE700  }
0xc2: {  	_ =	swait.ge [sflag:s6], $0x1900  }
0xc3: {  	[sflag:s6] =	ssyncset.done $0x0  }
0xc4: {  	s12 =	sadd.s32 $0x780, s11;
	[sflag:s6] =	ssyncadd.s32 $0xFFFFE700  }
0xc5: {  	[tilespmem:s4], [sflag:$0x1] =	stream.indirect.gather [hbm4b:s3+s24], $0x80, s12, s24, $0xb8;
	[tilespmem:$0x1E000] =	vst v63  }
0xc6: {  	s12 =	sadd.s32 $0xFFFFEE80, s9  }
0xc7: {  	[hbm4b:s12+s2] =	stream.linear.scatter [tilespmem:s30], [sflag:$0x2], $0x1900, $0x38;
	[tilespmem:$0x1E000] =	vst v63  }
0xc8: {  	_ =	swait.ge [sflag:s29], $0x1900  }
0xc9: {  	[sflag:s29] =	ssyncset.done $0x0  }
0xca: {  	[sflag:s29] =	ssyncadd.s32 $0xFFFFE700  }
0xcb: {  	_ =	swait.ge [sflag:s6], $0x1900  }
0xcc: {  	[sflag:s6] =	ssyncset.done $0x0  }
0xcd: {  	s12 =	sadd.s32 $0x800, s11;
	[sflag:s6] =	ssyncadd.s32 $0xFFFFE700  }
0xce: {  	[tilespmem:s25], [sflag:$0x1] =	stream.indirect.gather [hbm4b:s3+s24], $0x80, s12, s24, $0xb8;
	[tilespmem:$0x1E000] =	vst v63  }
0xcf: {  	s12 =	sadd.s32 $0xFFFFF200, s9  }
0xd0: {  	[hbm4b:s12+s2] =	stream.linear.scatter [tilespmem:s0], [sflag:$0x2], $0x1900, $0x38;
	[tilespmem:$0x1E000] =	vst v63  }
0xd1: {  	_ =	swait.ge [sflag:s29], $0x1900  }
0xd2: {  	[sflag:s29] =	ssyncset.done $0x0  }
0xd3: {  	[sflag:s29] =	ssyncadd.s32 $0xFFFFE700  }
0xd4: {  	_ =	swait.ge [sflag:s6], $0x1900  }
0xd5: {  	[sflag:s6] =	ssyncset.done $0x0  }
0xd6: {  	s12 =	sadd.s32 $0x880, s11;
	[sflag:s6] =	ssyncadd.s32 $0xFFFFE700  }
0xd7: {  	[tilespmem:s28], [sflag:$0x1] =	stream.indirect.gather [hbm4b:s3+s24], $0x80, s12, s24, $0xb8;
	[tilespmem:$0x1E000] =	vst v63  }
0xd8: {  	s12 =	sadd.s32 $0xFFFFF580, s9  }
0xd9: {  	[hbm4b:s12+s2] =	stream.linear.scatter [tilespmem:s26], [sflag:$0x2], $0x1900, $0x38;
	[tilespmem:$0x1E000] =	vst v63  }
0xda: {  	_ =	swait.ge [sflag:s29], $0x1900  }
0xdb: {  	[sflag:s29] =	ssyncset.done $0x0  }
0xdc: {  	[sflag:s29] =	ssyncadd.s32 $0xFFFFE700  }
0xdd: {  	_ =	swait.ge [sflag:s6], $0x1900  }
0xde: {  	[sflag:s6] =	ssyncset.done $0x0  }
0xdf: {  	s12 =	sadd.s32 $0x900, s11;
	[sflag:s6] =	ssyncadd.s32 $0xFFFFE700  }
0xe0: {  	[tilespmem:s30], [sflag:$0x1] =	stream.indirect.gather [hbm4b:s3+s24], $0x80, s12, s24, $0xb8;
	[tilespmem:$0x1E000] =	vst v63  }
0xe1: {  	s12 =	sadd.s32 $0xFFFFF900, s9  }
0xe2: {  	[hbm4b:s12+s2] =	stream.linear.scatter [tilespmem:s1], [sflag:$0x2], $0x1900, $0x38;
	[tilespmem:$0x1E000] =	vst v63  }
0xe3: {  	_ =	swait.ge [sflag:s29], $0x1900  }
0xe4: {  	[sflag:s29] =	ssyncset.done $0x0  }
0xe5: {  	[sflag:s29] =	ssyncadd.s32 $0xFFFFE700  }
0xe6: {  	_ =	swait.ge [sflag:s6], $0x1900  }
0xe7: {  	[sflag:s6] =	ssyncset.done $0x0  }
0xe8: {  	s12 =	sadd.s32 $0x980, s11;
	[sflag:s6] =	ssyncadd.s32 $0xFFFFE700  }
0xe9: {  	[tilespmem:s0], [sflag:$0x1] =	stream.indirect.gather [hbm4b:s3+s24], $0x80, s12, s24, $0xb8;
	[tilespmem:$0x1E000] =	vst v63  }
0xea: {  	s12 =	sadd.s32 $0xFFFFFC80, s9  }
0xeb: {  	[hbm4b:s12+s2] =	stream.linear.scatter [tilespmem:s31], [sflag:$0x2], $0x1900, $0x38;
	[tilespmem:$0x1E000] =	vst v63  }
0xec: {  	_ =	swait.ge [sflag:s29], $0x1900  }
0xed: {  	[sflag:s29] =	ssyncset.done $0x0  }
0xee: {  	[sflag:s29] =	ssyncadd.s32 $0xFFFFE700  }
.Ltmp0:
0xef: {  	_ =	swait.ge [sflag:s6], $0x1900;
	(pc) =	sbr.rel @p0 .LBB2_2-.Ltmp0, $4  }
0xf0: {  	[sflag:s6] =	ssyncset.done $0x0  }
0xf1: {  	s11 =	sadd.s32 $0xA00, s11;
	[sflag:s6] =	ssyncadd.s32 $0xFFFFE700  }
0xf2: {  	[tilespmem:s26], [sflag:$0x1] =	stream.indirect.gather [hbm4b:s3+s24], $0x80, s11, s24, $0xb8;
	[tilespmem:$0x1E000] =	vst v63  }
0xf3: {  	s9 =	sadd.s32 $0x1C00, s9  }
0xf4: {  	[hbm4b:s22+s2] =	stream.linear.scatter [tilespmem:s4], [sflag:$0x2], $0x1900, $0x38;
	[tilespmem:$0x1E000] =	vst v63  }
0xf5: {  	_ =	swait.ge [sflag:s29], $0x1900  }
0xf6: {  	[sflag:s29] =	ssyncset.done $0x0  }
0xf7: {  	[sflag:s29] =	ssyncadd.s32 $0xFFFFE700  }
0xf8: {  	_ =	swait.ge [sflag:s6], $0x1900  }
0xf9: {  	[sflag:s6] =	ssyncset.done $0x0  }
0xfa: {  	s8 =	simm.s32 $0xFE80;
	[sflag:s6] =	ssyncadd.s32 $0xFFFFE700  }
0xfb: {  	[tilespmem:s1], [sflag:$0x1] =	stream.indirect.gather [hbm4b:s3+s24], $0x80, s8, s24, $0xb8;
	[tilespmem:$0x1E000] =	vst v63  }
0xfc: {  	_ = 	snop  }
0xfd: {  	[hbm4b:s13+s2] =	stream.linear.scatter [tilespmem:s25], [sflag:$0x2], $0x1900, $0x38;
	[tilespmem:$0x1E000] =	vst v63  }
0xfe: {  	_ =	swait.ge [sflag:s29], $0x1900  }
0xff: {  	[sflag:s29] =	ssyncset.done $0x0  }
0x100: {  	[sflag:s29] =	ssyncadd.s32 $0xFFFFE700  }
0x101: {  	_ =	swait.ge [sflag:s6], $0x1900  }
0x102: {  	[sflag:s6] =	ssyncset.done $0x0  }
0x103: {  	s12 =	simm.s32 $0xFF00;
	[sflag:s6] =	ssyncadd.s32 $0xFFFFE700  }
0x104: {  	[tilespmem:s31], [sflag:$0x1] =	stream.indirect.gather [hbm4b:s3+s24], $0x80, s12, s24, $0xb8;
	[tilespmem:$0x1E000] =	vst v63  }
0x105: {  	_ = 	snop  }
0x106: {  	[hbm4b:s14+s2] =	stream.linear.scatter [tilespmem:s28], [sflag:$0x2], $0x1900, $0x38;
	[tilespmem:$0x1E000] =	vst v63  }
0x107: {  	_ =	swait.ge [sflag:s29], $0x1900  }
0x108: {  	[sflag:s29] =	ssyncset.done $0x0  }
0x109: {  	[sflag:s29] =	ssyncadd.s32 $0xFFFFE700  }
0x10a: {  	_ =	swait.ge [sflag:s6], $0x1900  }
0x10b: {  	[sflag:s6] =	ssyncset.done $0x0  }
0x10c: {  	s22 =	simm.s32 $0xFF80;
	[sflag:s6] =	ssyncadd.s32 $0xFFFFE700  }
0x10d: {  	[tilespmem:s4], [sflag:$0x1] =	stream.indirect.gather [hbm4b:s3+s24], $0x80, s22, s24, $0xb8;
	[tilespmem:$0x1E000] =	vst v63  }
0x10e: {  	_ = 	snop  }
0x10f: {  	[hbm4b:s15+s2] =	stream.linear.scatter [tilespmem:s30], [sflag:$0x2], $0x1900, $0x38;
	[tilespmem:$0x1E000] =	vst v63  }
0x110: {  	_ =	swait.ge [sflag:s29], $0x1900  }
0x111: {  	[sflag:s29] =	ssyncset.done $0x0  }
0x112: {  	[sflag:s29] =	ssyncadd.s32 $0xFFFFE700  }
0x113: {  	[hbm4b:s16+s2] =	stream.linear.scatter [tilespmem:s0], [sflag:$0x2], $0x1900, $0x38;
	[tilespmem:$0x1E000] =	vst v63  }
0x114: {  	_ =	swait.ge [sflag:s29], $0x1900  }
0x115: {  	[sflag:s29] =	ssyncset.done $0x0  }
0x116: {  	[sflag:s29] =	ssyncadd.s32 $0xFFFFE700  }
0x117: {  	[hbm4b:s17+s2] =	stream.linear.scatter [tilespmem:s26], [sflag:$0x2], $0x1900, $0x38;
	[tilespmem:$0x1E000] =	vst v63  }
0x118: {  	_ =	swait.ge [sflag:s29], $0x1900  }
0x119: {  	[sflag:s29] =	ssyncset.done $0x0  }
0x11a: {  	[sflag:s29] =	ssyncadd.s32 $0xFFFFE700  }
0x11b: {  	[hbm4b:s18+s2] =	stream.linear.scatter [tilespmem:s1], [sflag:$0x2], $0x1900, $0x38;
	[tilespmem:$0x1E000] =	vst v63  }
0x11c: {  	_ =	swait.ge [sflag:s29], $0x1900  }
0x11d: {  	[sflag:s29] =	ssyncset.done $0x0  }
0x11e: {  	[sflag:s29] =	ssyncadd.s32 $0xFFFFE700  }
0x11f: {  	[hbm4b:s19+s2] =	stream.linear.scatter [tilespmem:s31], [sflag:$0x2], $0x1900, $0x38;
	[tilespmem:$0x1E000] =	vst v63  }
0x120: {  	_ =	swait.ge [sflag:s29], $0x1900  }
0x121: {  	[sflag:s29] =	ssyncset.done $0x0  }
0x122: {  	[sflag:s29] =	ssyncadd.s32 $0xFFFFE700  }
0x123: {  	[hbm4b:s20+s2] =	stream.linear.scatter [tilespmem:s4], [sflag:$0x2], $0x1900, $0x38;
	[tilespmem:$0x1E000] =	vst v63  }
0x124: {  	_ =	swait.ge [sflag:s6], $0x1900  }
0x125: {  	[sflag:s6] =	ssyncset.done $0x0  }
0x126: {  	[sflag:s6] =	ssyncadd.s32 $0xFFFFE700  }
0x127: {  	_ =	swait.ge [sflag:s6], $0x1900  }
0x128: {  	[sflag:s6] =	ssyncset.done $0x0  }
0x129: {  	[sflag:s6] =	ssyncadd.s32 $0xFFFFE700  }
0x12a: {  	_ =	swait.ge [sflag:s6], $0x1900  }
0x12b: {  	[sflag:s6] =	ssyncset.done $0x0  }
0x12c: {  	[sflag:s6] =	ssyncadd.s32 $0xFFFFE700  }
0x12d: {  	_ =	swait.ge [sflag:s6], $0x1900  }
0x12e: {  	[sflag:s6] =	ssyncset.done $0x0  }
0x12f: {  	[sflag:s6] =	ssyncadd.s32 $0xFFFFE700  }
0x130: {  	_ =	swait.ge [sflag:s6], $0x1900  }
0x131: {  	[sflag:s6] =	ssyncset.done $0x0  }
0x132: {  	[sflag:s6] =	ssyncadd.s32 $0xFFFFE700  }
0x133: {  	_ =	swait.ge [sflag:s6], $0x1900  }
0x134: {  	[sflag:s6] =	ssyncset.done $0x0  }
0x135: {  	s7 =	sadd.s32 $0x1, s7;
	[sflag:s6] =	ssyncadd.s32 $0xFFFFE700  }
0x136: {  	p0 =	sne.s32 s7, s21;
	_ =	swait.ge [sflag:s6], $0x1900  }
.Ltmp1:
0x137: {  	[sflag:s6] =	ssyncset.done $0x0;
	(pc) =	sbr.rel @p0 .LBB2_1-.Ltmp1, $4  }
0x138: {  	[sflag:s6] =	ssyncadd.s32 $0xFFFFE700  }
0x139: {  	_ =	swait.ge [sflag:s6], $0x1900  }
0x13a: {  	[sflag:s6] =	ssyncset.done $0x0  }
0x13b: {  	[sflag:s6] =	ssyncadd.s32 $0xFFFFE700  }
0x13c: {  	_ =	sfence.sel $0x180000  }
0x13d: {  	[bflag:$0x0] =	sbarrier.arrive $0xFFFF  }
0x13e: {  	_ =	strace $0x90000047  }
0x13f: {  	s0 =	stileid.u32;
	[bflag:$0x2] =	sbarrier.arrive $0xFFFF  }
0x140: {  	p0 =	sne.s32 s0, $0x0;
	s0 =	rddreg [dreg:$0x1]  }
0x141: {  	s0 =	sadd.s32 @!p0 $0x100000, s0  }
0x142: {  	[sflag:s0] =	ssyncadd.tile.s32 @!p0 $0x1;
	_ =	shalt  }
.Lfunc_end2:
_tile_overlayer_lowered:
.L_overlay_start_2:
0x143: {  	(tag) =	ssettag $0x2  }
0x144: {  	s0 =	rddreg [dreg:$0x0];
	s2 =	stileid.u32  }
0x145: {  	s1 =	rddreg [dreg:$0x1];
	p0 =	sne.s32 s2, $0x0  }
0x146: {  	s3 =	rddreg [dreg:$0x2];
	[bflag:$0x3] =	sbarrier.arrive $0xFFFF;
	s2 =	simm.s32 @!p0 $0x1C03  }
0x147: {  	[timem:s3], [sflag:s2] =	dma.local @!p0 [hbm:s0], s1  }
0x148: {  	s0 =	simm.s32 @!p0 $0x3  }
0x149: {  	_ =	swait.ge @!p0 [sflag:s0], s1  }
0x14a: {  	s1 =	ssub.s32 @!p0 $0x0, s1;
	[sflag:s0] =	ssyncset.done @!p0 $0x0  }
0x14b: {  	[sflag:s0] =	ssyncadd.s32 @!p0 s1  }
0x14c: {  	[bflag:$0x3] =	sbarrier.arrive $0xFFFF  }
0x14d: {  	_ =	shalt  }

// kernel: sparse-core-data-format-call.cloned.1.call-start
scs
called_computation_lowered:
.L_overlay_start_0:
0x0: {  	s2 =	sld [smem:$0x3FD9]  }
0x1: {  	s3 =	sld [smem:$0x3FFE];
	_ =	sdelay $0x1  }
0x2: {  	s1 =	srdreg.scid  }
0x3: {  	s0 =	sand.u32 $0x1, s1  }
0x4: {  	s18 =	sshll.u32 s0, $0xA;
	s2 =	sadd.s32 s3, s2  }
0x5: {  	s2 =	sadd.s32 s2, s18  }
0x6: {  	[smem:$0x3FC6] =	sst s2  }
0x7: {  	_ = 	snop  }
0x8: {  	s2 =	sld [smem:$0x3FD0];
	(tm) =	ssettm $0x1  }
0x9: {  	s19 =	sld [smem:$0x3FFB];
	_ =	sdelay $0x3  }
0xa: {  	_ =	strace s19  }
0xb: {  	s3 =	sld [smem:$0x3FFC];
	_ =	sdelay $0x3  }
0xc: {  	_ =	strace s3  }
0xd: {  	s3 =	sld [smem:$0x3FFD];
	_ =	sdelay $0x3  }
0xe: {  	_ =	strace s3  }
0xf: {  	_ =	strace $0x8FFFFFFF  }
0x10: {  	s20 =	sld [smem:$0x3FDB];
	_ =	sdelay $0x1  }
0x11: {  	s4 =	simm.s32 $_scs_section_size  }
0x12: {  	s5 =	simm.s32 $_size__tile_overlayer_lowered;
	s6 =	simm.s32 $_tile_overlayer_lowered  }
0x13: {  	s23 =	simm.s32 $0x1BFF;
	s22 =	sshll.u32 s6, $0x1;
	s3 =	sadd.s32 s4, s20  }
0x14: {  	s7 =	simm.s32 $0x0;
	s21 =	sshll.u32 s5, $0x1;
	s5 =	sadd.s32 s22, s3  }
0x15: {  	[timem:s7], [sflag:s23] =	dma.local [hbm:s5], s21  }
0x16: {  	_ =	swait.ge [sflag:s23], s21  }
0x17: {  	s4 =	ssub.s32 $0x0, s21;
	[sflag:s23] =	ssyncset.done $0x0  }
0x18: {  	[sflag:s23] =	ssyncadd.s32 s4;
	_ =	sdelay $0x1  }
0x19: {  	s24 =	simm.s32 $0x1B8B  }
0x1a: {  	_ =	swait.ge [sflag:s24], $0x1  }
0x1b: {  	[sflag:s24] =	ssyncset.done $0x0  }
0x1c: {  	s26 =	simm.s32 $0x1B8E;
	s25 =	sld [smem:$0x3FFE];
	[sflag:s24] =	ssyncadd.s32 $0xFFFFFFFF  }
0x1d: {  	s27 =	simm.s32 $execute0_lowered;
	[smem:$0x3FD2] =	sst s26  }
0x1e: {  	s5 =	sshll.u32 s27, $0x1;
	_ =	strace $0x80000049;
	[dreg:$0x1] =	wrdreg $0xFFFFFFFF  }
0x1f: {  	s28 =	simm.s32 $_size_execute0_lowered;
	s3 =	sadd.s32 s3, s5;
	[dreg:$0x0] =	wrdreg $0x0  }
0x20: {  	s5 =	sshll.u32 s28, $0x1;
	[dreg:$0x2] =	wrdreg s3  }
0x21: {  	[dreg:$0x3] =	wrdreg s5  }
0x22: {  	[dreg:$0x4] =	wrdreg $0xC0  }
0x23: {  	_ =	task [dreg:s7], $0x5FFFF  }
0x24: {  	[dreg:$0x1] =	wrdreg $0xFFFFFFFF  }
0x25: {  	[dreg:$0x0] =	wrdreg $0x60  }
0x26: {  	[dreg:$0x2] =	wrdreg s25  }
0x27: {  	[dreg:$0x3] =	wrdreg s2  }
0x28: {  	[dreg:$0x4] =	wrdreg $0x9  }
0x29: {  	_ =	task.clear_ibuf [dreg:s7], $0x5FFFF;
	_ =	strace $0x90000049  }
0x2a: {  	s29 =	simm.s32 $0x9;
	_ =	strace $0x8000004B  }
0x2b: {  	_ =	swait.ge [sflag:s29], $0x1  }
0x2c: {  	[sflag:s29] =	ssyncadd.s32 $0xFFFFFFFF  }
0x2d: {  	_ =	strace $0x9000004B  }
0x2e: {  	_ =	sfence  }
0x2f: {  	s30 =	sld [smem:$0x0];
	_ =	sdelay $0x2  }
0x30: {  	s31 =	sshll.u32 s1, $0xD;
	s1 =	sshrl.u32 s1, $0x2  }
0x31: {  	s3 =	sand.u32 $0x4000, s31;
	s1 =	sadd.s32 s1, s30  }
0x32: {  	s0 =	sor.u32 s3, s0;
	s1 =	sshll.u32 s1, $0x11  }
0x33: {  	s0 =	sor.u32 s1, s0  }
0x34: {  	s0 =	sadd.s32 $0x8F2B, s0  }
0x35: {  	[sflag:s0] =	ssyncadd.remote.s32 $0x1  }
0x36: {  	_ =	sfence.sel $0xFFFF  }
0x37: {  	[dreg:$0x0] =	wrdreg $0xFFFFFFFF;
	(pc) =	sbr.abs _section_cstart, $3  }
0x38: {  	[dreg:$0x1] =	wrdreg $0xFFFFFFFF  }
0x39: {  	_ =	task.clear_ibuf [dreg:s7], $0x2FFFF;
	_ =	strace $0x9FFFFFFF  }
0x3a: {  	(tm) =	ssettm $0x7FFFFFFF  }
0x3b: {  	_ =	shalt  }
tec
execute0_lowered:
.L_overlay_start_1:
0x0: {  	(tag) =	ssettag $0x1  }
0x1: {  	s0 =	srdreg.scid  }
0x2: {  	s1 =	sshll.u32 s0, $0x4  }
0x3: {  	s0 =	stileid.u32;
	s1 =	sand.u32 $0x10, s1  }
0x4: {  	s1 =	sor.u32 s0, s1  }
0x5: {  	s6 =	rddreg [dreg:$0x0];
	s4 =	simm.s32 $0x1;
	s2 =	sshll.u32 s1, $0x7  }
0x6: {  	s7 =	simm.s32 $0x2;
	s12 =	simm.s32 $0x0;
	s1 =	ssub.s32 $0x4000, s2  }
0x7: {  	s8 =	simm.s32 $0x20000;
	s13 =	simm.s32 $0x0;
	s3 =	sand.u32 $0xF80, s1  }
0x8: {  	s9 =	simm.s32 $0x0;
	s5 =	sshrl.u32 s1, $0xC;
	p0 =	sne.s32 s3, $0x0  }
.Ltmp0:
0x9: {  	s1 =	rddreg [dreg:$0x2];
	s4 =	simm.s32 @!p0 $0x0;
	(pc) =	sbr.rel .LBB1_1-.Ltmp0, $4  }
0xa: {  	s11 =	simm.s32 $0x0;
	s3 =	rddreg [dreg:$0x1];
	s5 =	sadd.s32 s4, s5  }
0xb: {  	_ =	strace $0x8000004A;
	s4 =	simm.s32 $0x1;
	s5 =	smul.u32 $0x32, s5  }
0xc: {  	s6 =	sadd.s32 $0x1C7400, s6;
	s10 =	smov.u32 s2;
	[sflag:s4] =	ssyncpa.u1 $0x0  }
0xd: {  	p0 =	por $0x0, $0x0;
	[sflag:s7] =	ssyncpa.u1 $0x0;
	s7 =	sor.u32 $0x1, s5  }
.LBB1_4:
0xe: {  	s16 =	sshll.u32 s13, $0x3;
	s17 =	sand.u32 $0x78, s13  }
0xf: {  	s30 =	sand.u32 $0x1F800, s13;
	s12 =	sshll.u32 s12, $0x11;
	s16 =	sand.u32 $0x3C00, s16  }
0x10: {  	[tilespmem:s15+$0x810 ss:$0x81] =	vst.msk $0xffff, v2;
	s31 =	sand.u32 $0x7, s13;
	s16 =	sor.u32 s17, s16;
	s17 =	sadd.s32 s3, s30  }
0x11: {  	[tilespmem:s15+$0x1020 ss:$0x81] =	vst.msk $0xffff, v0;
	s13 =	sshll.u32 s31, $0x12;
	s12 =	sadd.s32 s12, s17;
	s16 =	sshrl.u32 s16, $0x3  }
0x12: {  	[tilespmem:s15+$0x0 ss:$0x81] =	vst.msk $0xffff, v1;
	s13 =	sor.u32 $0x400, s13;
	s12 =	sadd.s32 s16, s12  }
0x13: {  	[hbm4b:s12+s13] =	stream.strided.scatter [tilespmem:s14], [sflag:$0x2], $0x2000, s8, s13, $0x20;
	[tilespmem:$0x8080] =	vst v63  }
.LBB1_5:
0x14: {  	s14 =	sadd.s32 $0x1, s9  }
0x15: {  	s12 =	sadd.s32 $0x1000, s10;
	s16 =	smov.u32 s10;
	p2 =	sgt.s32 s14, $0x31  }
0x16: {  	s16 =	smov.u32 @p2 s12  }
0x17: {  	s14 =	simm.s32 @p2 $0x0;
	p2 =	sgt.s32 s16, $0x3FFF  }
0x18: {  	s16 =	smov.u32 @p2 s2;
	p2 =	sne.s32 s11, s7  }
.Ltmp1:
0x19: {  	p1 =	slt.u32 s11, $0x2;
	(pc) =	sbr.rel @!p2 .LBB1_6-.Ltmp1, $4  }
0x1a: {  	s15 =	simm.s32 @!p1 $0x2  }
0x1b: {  	s13 =	smov.u32 s10;
	p0 =	por !p0, !p0;
	_ =	swait.ge @!p1 [sflag:s15], $0x2000  }
0x1c: {  	s12 =	smov.u32 s9;
	[sflag:s15] =	ssyncset.done @!p1 $0x0;
	s9 =	smov.u32 s14  }
0x1d: {  	s11 =	sadd.s32 $0x1, s11;
	[sflag:s15] =	ssyncadd.s32 @!p1 $0xFFFFE000;
	s10 =	smov.u32 s16  }
.LBB1_1:
0x1e: {  	p1 =	sge.u32 s11, s5  }
0x1f: {  	s14 =	sand.u32 @!p1 $0x1FFFFFF, s9  }
0x20: {  	s15 =	smulhi.u32 @!p1 $0x4924925, s14;
	_ =	sdelay $0x1  }
0x21: {  	s15 =	smul.u32 @!p1 $0x38, s15  }
0x22: {  	s16 =	sxor.u32 @!p1 $0xFFFFFFFF, s11;
	s17 =	smul.u32 @!p1 $0x380, s10  }
0x23: {  	s31 =	sadd.s32 $0xFFFFFFFF, s11;
	s16 =	sshll.u32 @!p1 s16, $0xD;
	s14 =	ssub.s32 @!p1 s14, s15  }
0x24: {  	s15 =	sand.u32 @!p1 $0x2000, s16;
	s16 =	sadd.s32 @!p1 s6, s17;
	s14 =	sshll.u32 @!p1 s14, $0x4  }
0x25: {  	s17 =	simm.s32 @!p1 $0x1C00;
	s14 =	sadd.s32 @!p1 s14, s16;
	s16 =	simm.s32 @!p1 $0x40  }
0x26: {  	[tilespmem:s15], [sflag:$0x1] =	stream.strided.gather @!p1 [hbm4b:s14+s16], $0x2000, s17, s16, $0x38;
	[tilespmem:$0x8080] =	vst v63  }
0x27: {  	p1 =	sge.u32 s31, s5  }
.Ltmp2:
0x28: {  	_ = 	snop;
	(pc) =	sbr.rel @p1 .LBB1_5-.Ltmp2, $1  }
0x29: {  	_ =	sdelay $0x3  }
0x2a: {  	s14 =	simm.s32 $0x1  }
0x2b: {  	_ =	swait.ge [sflag:s4], $0x2000;
	s14 =	simm.s32 @!p0 $0x0  }
0x2c: {  	[sflag:s4] =	ssyncset.done $0x0;
	s15 =	sshll.u32 s14, $0xD  }
0x2d: {  	[sflag:s4] =	ssyncadd.s32 $0xFFFFE000;
	s18 =	sor.u32 $0x20, s15  }
0x2e: {  	s14 =	smul.u32 $0x8100, s14;
	v3 =	vld [tilespmem:s18+$0x10]  }
0x2f: {  	s30 =	sand.u32 $0x1, s11;
	v2 =	vld [tilespmem:s18+$0xFFFFFFF0]  }
0x30: {  	s15 =	smul.u32 $0x8100, s30;
	s14 =	sshrl.u32 s14, $0x2;
	v0 =	vld [tilespmem:s18+$0x0]  }
0x31: {  	v1 =	vld [tilespmem:s18+$0xFFFFFFE0];
	s16 =	sor.u32 $0x4000, s14  }
0x32: {  	s31 =	sshrl.u32 s15, $0x2;
	s15 =	sadd.s32 $0x0, s16  }
0x33: {  	s17 =	simm.s32 $0x4;
	s18 =	sadd.s32 $0x40, s18;
	s14 =	sor.u32 $0x4000, s31;
	[tilespmem:s15+$0x1830 ss:$0x81] =	vst.msk $0xffff, v3  }
.LBB1_3:
0x34: {  	v3 =	vld [tilespmem:s18+$0x10];
	p1 =	sne.s32 s17, $0x1FC;
	[tilespmem:s15+$0x810 ss:$0x81] =	vst.msk $0xffff, v2;
	s19 =	smov.u32 s17;
	s17 =	sadd.s32 $0x4, s17  }
.Ltmp3:
0x35: {  	v2 =	vld [tilespmem:s18+$0xFFFFFFF0];
	[tilespmem:s15+$0x1020 ss:$0x81] =	vst.msk $0xffff, v0;
	(pc) =	sbr.rel @p1 .LBB1_3-.Ltmp3, $4  }
0x36: {  	v0 =	vld [tilespmem:s18+$0x0];
	[tilespmem:s15+$0x0 ss:$0x81] =	vst.msk $0xffff, v1  }
0x37: {  	s15 =	sshra.s32 s19, $0x2;
	v1 =	vld [tilespmem:s18+$0xFFFFFFE0]  }
0x38: {  	s15 =	sadd.s32 s15, s16  }
0x39: {  	s18 =	sadd.s32 $0x40, s18;
	[tilespmem:s15+$0x1830 ss:$0x81] =	vst.msk $0xffff, v3  }
.Ltmp4:
0x3a: {  	_ = 	snop;
	(pc) =	sbr.rel .LBB1_4-.Ltmp4, $1  }
0x3b: {  	_ =	sdelay $0x3  }
.LBB1_6:
0x3c: {  	_ =	sfence.sel $0x180000  }
0x3d: {  	s2 =	simm.s32 $0x1;
	[bflag:$0x0] =	sbarrier.arrive $0xFFFF  }
0x3e: {  	s31 =	simm.s32 $0x2;
	[sflag:s2] =	ssyncpa.u1 $0x1  }
0x3f: {  	[sflag:s31] =	ssyncpa.u1 $0x1  }
0x40: {  	p0 =	sne.s32 s0, $0x0;
	_ =	strace $0x9000004A  }
0x41: {  	s0 =	sadd.s32 @!p0 $0x100000, s1;
	[bflag:$0x2] =	sbarrier.arrive $0xFFFF  }
0x42: {  	[sflag:s0] =	ssyncadd.tile.s32 @!p0 $0x1;
	_ =	shalt  }
.Lfunc_end1:
_tile_overlayer_lowered:
.L_overlay_start_2:
0x43: {  	(tag) =	ssettag $0x2  }
0x44: {  	s0 =	rddreg [dreg:$0x0];
	s2 =	stileid.u32  }
0x45: {  	s1 =	rddreg [dreg:$0x1];
	p0 =	sne.s32 s2, $0x0  }
0x46: {  	s3 =	rddreg [dreg:$0x2];
	[bflag:$0x3] =	sbarrier.arrive $0xFFFF;
	s2 =	simm.s32 @!p0 $0x1C01  }
0x47: {  	[timem:s3], [sflag:s2] =	dma.local @!p0 [hbm:s0], s1  }
0x48: {  	s0 =	simm.s32 @!p0 $0x1  }
0x49: {  	_ =	swait.ge @!p0 [sflag:s0], s1  }
0x4a: {  	s1 =	ssub.s32 @!p0 $0x0, s1;
	[sflag:s0] =	ssyncset.done @!p0 $0x0  }
0x4b: {  	[sflag:s0] =	ssyncadd.s32 @!p0 s1  }
0x4c: {  	[bflag:$0x3] =	sbarrier.arrive $0xFFFF  }
0x4d: {  	_ =	shalt  }

</sc_bundles>
